<compile_context>
chip_gen: v7x
topology: tpu7x:2x2x1
jax: 0.10.2.dev20260603
libtpu: 0.0.44.dev20260713+nightly
codegen_flags: <defaults>
</compile_context>

<pallas_src>
import functools
import math

import jax
import jax.numpy as jnp
from jax import lax
from jax.experimental import pallas as pl
from jax.experimental.pallas import tpu as pltpu
from jax.experimental.pallas import tpu_sc as plsc

N = 10000
E = 320000
H = 128
C = 16

NC = 2
NS = 16
NW = NC * NS
EPW = E // NW
EB = 96
EPWP = 10176
NBATCH = EPWP // EB
NP = 10240
RPS = NP // NS
HW = 16
PAD_DST = NP - 8

_mesh = plsc.VectorSubcoreMesh(core_axis_name="c", subcore_axis_name="s")


@functools.partial(
    pl.kernel,
    out_type=(
        jax.ShapeDtypeStruct((NC, NP, HW), jnp.float32),
        jax.ShapeDtypeStruct((NC, NP, HW), jnp.float32),
    ),
    mesh=_mesh,
    compiler_params=pltpu.CompilerParams(use_tc_tiling_on_sc=False),
    scratch_types=[
        pltpu.VMEM((NBATCH, EB), jnp.int32),
        pltpu.VMEM((NBATCH, EB), jnp.int32),
        pltpu.VMEM((EB, HW), jnp.float32),
        pltpu.VMEM((RPS, HW), jnp.float32),
        pltpu.VMEM_SHARED((NP, HW), jnp.float32),
        pltpu.VMEM_SHARED((NP, HW), jnp.float32),
        pltpu.SemaphoreType.DMA,
    ],
)
def _sc_hist(dst0_hbm, dst1_hbm, out0_hbm, out1_hbm,
             i0_v, i1_v, ones_v, zb_v, t0_sh, t1_sh, sem):
    c = lax.axis_index("c")
    s = lax.axis_index("s")
    wid = c * NS + s
    lag = 8

    def fill(i, _):
        ones_v[i, :] = jnp.ones((HW,), jnp.float32)
        return _
    lax.fori_loop(0, EB, fill, None)

    def zero(i, _):
        zb_v[i, :] = jnp.zeros((HW,), jnp.float32)
        return _
    lax.fori_loop(0, RPS, zero, None)

    pltpu.sync_copy(dst0_hbm.at[wid], i0_v)
    pltpu.sync_copy(dst1_hbm.at[wid], i1_v)

    row0 = s * RPS
    pltpu.sync_copy(zb_v, t0_sh.at[pl.ds(row0, RPS), :])
    pltpu.sync_copy(zb_v, t1_sh.at[pl.ds(row0, RPS), :])
    plsc.subcore_barrier()

    def batch(j, _):
        @pl.when(j >= lag)
        def _drain():
            pltpu.make_async_copy(ones_v, t0_sh.at[i0_v.at[0]], sem).wait()
            pltpu.make_async_copy(ones_v, t1_sh.at[i1_v.at[0]], sem).wait()
        pltpu.async_copy(ones_v, t0_sh.at[i0_v.at[j]], sem, add=True)
        pltpu.async_copy(ones_v, t1_sh.at[i1_v.at[j]], sem, add=True)
        return _
    lax.fori_loop(0, NBATCH, batch, None)
    for _ in range(lag):
        pltpu.make_async_copy(ones_v, t0_sh.at[i0_v.at[0]], sem).wait()
        pltpu.make_async_copy(ones_v, t1_sh.at[i1_v.at[0]], sem).wait()

    plsc.subcore_barrier()
    pltpu.sync_copy(t0_sh.at[pl.ds(row0, RPS), :],
                    out0_hbm.at[c, pl.ds(row0, RPS), :])
    pltpu.sync_copy(t1_sh.at[pl.ds(row0, RPS), :],
                    out1_hbm.at[c, pl.ds(row0, RPS), :])


@functools.partial(
    pl.kernel,
    out_type=jax.ShapeDtypeStruct((NC, NP, H), jnp.float32),
    mesh=_mesh,
    compiler_params=pltpu.CompilerParams(use_tc_tiling_on_sc=False),
    scratch_types=[
        pltpu.VMEM((NBATCH, EB), jnp.int32),
        pltpu.VMEM((NBATCH, EB), jnp.int32),
        pltpu.VMEM((2, EB, H), jnp.float32),
        pltpu.VMEM_SHARED((NP, H), jnp.float32),
        pltpu.SemaphoreType.DMA((2,)),
    ],
)
def _sc_seg(y_hbm, src_hbm, dst_hbm, out_hbm,
            src_v, dst_v, rows_v, table_sh, gsem):
    c = lax.axis_index("c")
    s = lax.axis_index("s")
    wid = c * NS + s

    def zero(i, _):
        for k in range(H // 16):
            rows_v[0, i, pl.ds(k * 16, 16)] = jnp.zeros((16,), jnp.float32)
        return _
    lax.fori_loop(0, EB, zero, None)

    pltpu.sync_copy(src_hbm.at[wid], src_v)
    pltpu.sync_copy(dst_hbm.at[wid], dst_v)

    row0 = s * RPS
    for r in range(RPS // EB):
        pltpu.sync_copy(rows_v.at[0],
                        table_sh.at[pl.ds(row0 + r * EB, EB), :])
    pltpu.sync_copy(rows_v.at[0, pl.ds(0, RPS - (RPS // EB) * EB)],
                    table_sh.at[pl.ds(row0 + (RPS // EB) * EB,
                                      RPS - (RPS // EB) * EB), :])
    plsc.subcore_barrier()

    def batch(j, _):
        pltpu.async_copy(y_hbm.at[src_v.at[j]], rows_v.at[0],
                         gsem.at[0]).wait()
        pltpu.sync_copy(rows_v.at[0], table_sh.at[dst_v.at[j]], add=True)
        return _
    lax.fori_loop(0, NBATCH, batch, None)

    plsc.subcore_barrier()
    pltpu.sync_copy(table_sh.at[pl.ds(row0, RPS), :],
                    out_hbm.at[c, pl.ds(row0, RPS), :])


BLK = 1000
GRID = N // BLK


def _tc1_body(x_ref, nt_ref, h0_ref, h1_ref, win_ref, bin_ref,
              y0_ref, d0_ref, d1_ref):
    x = x_ref[...]
    nt = nt_ref[...]
    hid = jnp.zeros_like(x)
    for t in range(4):
        p = lax.dot_general(x, win_ref[t], (((1,), (1,)), ((), ())),
                            preferred_element_type=jnp.float32)
        p = p + bin_ref[t][None, :]
        hid = jnp.where(nt == t, p, hid)
    deg0 = h0_ref[0, :, 0:1] + h0_ref[1, :, 0:1] + 1.0
    deg1 = h1_ref[0, :, 0:1] + h1_ref[1, :, 0:1] + 1.0
    d0 = lax.rsqrt(deg0)
    d1 = lax.rsqrt(deg1)
    y0_ref[...] = hid * d0
    d0_ref[...] = d0
    d1_ref[...] = d1


def _tc1(x, nt2d, h0t, h1t, Win, b_in):
    return pl.pallas_call(
        _tc1_body,
        grid=(GRID,),
        in_specs=[
            pl.BlockSpec((BLK, H), lambda i: (i, 0)),
            pl.BlockSpec((BLK, 1), lambda i: (i, 0)),
            pl.BlockSpec((NC, BLK, HW), lambda i: (0, i, 0)),
            pl.BlockSpec((NC, BLK, HW), lambda i: (0, i, 0)),
            pl.BlockSpec((4, H, H), lambda i: (0, 0, 0)),
            pl.BlockSpec((4, H), lambda i: (0, 0)),
        ],
        out_specs=[
            pl.BlockSpec((BLK, H), lambda i: (i, 0)),
            pl.BlockSpec((BLK, 1), lambda i: (i, 0)),
            pl.BlockSpec((BLK, 1), lambda i: (i, 0)),
        ],
        out_shape=[
            jax.ShapeDtypeStruct((N, H), jnp.float32),
            jax.ShapeDtypeStruct((N, 1), jnp.float32),
            jax.ShapeDtypeStruct((N, 1), jnp.float32),
        ],
    )(x, nt2d, h0t, h1t, Win, b_in)


def _tc2_body(y0_ref, s0_ref, d0_ref, d1_ref, wc0_ref, bc0_ref,
              wc10_ref, bc10_ref, part1_ref, y1_ref):
    agg0 = d0_ref[...] * (s0_ref[0] + s0_ref[1] + y0_ref[...])
    h0 = lax.dot_general(agg0, wc0_ref[...], (((1,), (1,)), ((), ())),
                         preferred_element_type=jnp.float32) + bc0_ref[...]
    part1 = lax.dot_general(agg0, wc10_ref[...], (((1,), (1,)), ((), ())),
                            preferred_element_type=jnp.float32) + bc10_ref[...]
    part1_ref[...] = part1
    y1_ref[...] = d1_ref[...] * h0


def _tc2(y0, s0, d0, d1, Wc0, bc0, Wc10, bc10):
    return pl.pallas_call(
        _tc2_body,
        grid=(GRID,),
        in_specs=[
            pl.BlockSpec((BLK, H), lambda i: (i, 0)),
            pl.BlockSpec((NC, BLK, H), lambda i: (0, i, 0)),
            pl.BlockSpec((BLK, 1), lambda i: (i, 0)),
            pl.BlockSpec((BLK, 1), lambda i: (i, 0)),
            pl.BlockSpec((H, H), lambda i: (0, 0)),
            pl.BlockSpec((1, H), lambda i: (0, 0)),
            pl.BlockSpec((H, H), lambda i: (0, 0)),
            pl.BlockSpec((1, H), lambda i: (0, 0)),
        ],
        out_specs=[
            pl.BlockSpec((BLK, H), lambda i: (i, 0)),
            pl.BlockSpec((BLK, H), lambda i: (i, 0)),
        ],
        out_shape=[
            jax.ShapeDtypeStruct((N, H), jnp.float32),
            jax.ShapeDtypeStruct((N, H), jnp.float32),
        ],
    )(y0, s0, d0, d1, Wc0, bc0, Wc10, bc10)


def _tc3_body(part1_ref, y1_ref, s1_ref, d1_ref, wc11_ref, bc11_ref,
              w3_ref, b3_ref, out_ref):
    agg1 = d1_ref[...] * (s1_ref[0] + s1_ref[1] + y1_ref[...])
    h1 = part1_ref[...] + lax.dot_general(
        agg1, wc11_ref[...], (((1,), (1,)), ((), ())),
        preferred_element_type=jnp.float32) + bc11_ref[...]
    mu = jnp.mean(h1, axis=-1, keepdims=True)
    cent = h1 - mu
    var = jnp.mean(cent * cent, axis=-1, keepdims=True)
    tnorm = cent * lax.rsqrt(var + 1e-5)
    g = 0.5 * tnorm * (1.0 + lax.erf(tnorm * (1.0 / math.sqrt(2.0))))
    out_ref[...] = lax.dot_general(
        g, w3_ref[...], (((1,), (1,)), ((), ())),
        preferred_element_type=jnp.float32) + b3_ref[...]


def _tc3(part1, y1, s1, d1, Wc11, bc11, W3, b3):
    return pl.pallas_call(
        _tc3_body,
        grid=(GRID,),
        in_specs=[
            pl.BlockSpec((BLK, H), lambda i: (i, 0)),
            pl.BlockSpec((BLK, H), lambda i: (i, 0)),
            pl.BlockSpec((NC, BLK, H), lambda i: (0, i, 0)),
            pl.BlockSpec((BLK, 1), lambda i: (i, 0)),
            pl.BlockSpec((H, H), lambda i: (0, 0)),
            pl.BlockSpec((1, H), lambda i: (0, 0)),
            pl.BlockSpec((C, H), lambda i: (0, 0)),
            pl.BlockSpec((1, C), lambda i: (0, 0)),
        ],
        out_specs=pl.BlockSpec((BLK, C), lambda i: (i, 0)),
        out_shape=jax.ShapeDtypeStruct((N, C), jnp.float32),
    )(part1, y1, s1, d1, Wc11, bc11, W3, b3)


def kernel(x, node_types, edge_index0, edge_index1, Win, b_in,
           Wc0, bc0, Wc10, bc10, Wc11, bc11, W1, b1, W2, b2, W3, b3):
    del W1, b1, W2, b2
    nt2d = node_types.astype(jnp.int32).reshape(N, 1)

    def pad3(a, fill):
        a2 = a.astype(jnp.int32).reshape(NW, EPW)
        a2 = jnp.pad(a2, ((0, 0), (0, EPWP - EPW)), constant_values=fill)
        return a2.reshape(NW, NBATCH, EB)

    src0 = pad3(edge_index0[0], 0)
    dst0 = pad3(edge_index0[1], PAD_DST)
    src1 = pad3(edge_index1[0], 0)
    dst1 = pad3(edge_index1[1], PAD_DST)

    h0t, h1t = _sc_hist(dst0, dst1)
    y0, d0, d1 = _tc1(x, nt2d, h0t, h1t, Win, b_in)
    s0 = _sc_seg(y0, src0, dst0)
    part1, y1 = _tc2(y0, s0, d0, d1, Wc0, bc0.reshape(1, H),
                     Wc10, bc10.reshape(1, H))
    s1 = _sc_seg(y1, src1, dst1)
    return _tc3(part1, y1, s1, d1, Wc11, bc11.reshape(1, H),
                W3, b3.reshape(1, C))

# --- scband reference (transcript-rebuilt; emitter-appended) ---
"""Pipeline reference for scband-hgnn-85727547228783 (READ-ONLY COPY).

The authoritative reference and input builder live on the scoring server;
editing this copy changes nothing except your own understanding.
"""

import jax, jax.numpy as jnp
import numpy as np

N = 10000
E = 320000
D = 128
H = 128
T = 4
C = 16


def _uniform(k, shape, fan_in):
    s = 1.0 / np.sqrt(fan_in)
    return jax.random.uniform(k, shape, minval=-s, maxval=s, dtype=jnp.float32)


def setup_inputs(seed: int = 0) -> dict:
    key = jax.random.key(seed)
    ks = jax.random.split(key, 24)
    x = jax.random.normal(ks[0], (N, D), dtype=jnp.float32)
    node_types = jax.random.randint(ks[1], (N,), 0, T, dtype=jnp.int64 if jax.config.jax_enable_x64 else jnp.int32)
    edge_index0 = jax.random.randint(ks[2], (2, E), 0, N, dtype=jnp.int64 if jax.config.jax_enable_x64 else jnp.int32)
    edge_index1 = jax.random.randint(ks[3], (2, E), 0, N, dtype=jnp.int64 if jax.config.jax_enable_x64 else jnp.int32)
    # per-node-type input linears (num_node_types stacked)
    Win = _uniform(ks[4], (T, H, D), D)
    b_in = _uniform(ks[5], (T, H), D)
    # GCN convs: layer0 has 1 path, layer1 has 2 paths (meta_graph=[1,0,1,0,0,1])
    Wc0 = _uniform(ks[6], (H, H), H)
    bc0 = _uniform(ks[7], (H,), H)
    Wc10 = _uniform(ks[8], (H, H), H)
    bc10 = _uniform(ks[9], (H,), H)
    Wc11 = _uniform(ks[10], (H, H), H)
    bc11 = _uniform(ks[11], (H,), H)
    # output head
    W1 = _uniform(ks[12], (H, H), H)
    b1 = _uniform(ks[13], (H,), H)
    W2 = _uniform(ks[14], (1, H), H)
    b2 = _uniform(ks[15], (1,), H)
    W3 = _uniform(ks[16], (C, H), H)
    b3 = _uniform(ks[17], (C,), H)
    return {"x": x, "node_types": node_types, "edge_index0": edge_index0, "edge_index1": edge_index1,
            "Win": Win, "b_in": b_in, "Wc0": Wc0, "bc0": bc0, "Wc10": Wc10, "bc10": bc10,
            "Wc11": Wc11, "bc11": bc11, "W1": W1, "b1": b1, "W2": W2, "b2": b2, "W3": W3, "b3": b3}


def gcn_conv(x, edge_index, W, b):
    # PyG GCNConv: linear, add self-loops, symmetric normalization, scatter-add
    n = x.shape[0]
    xw = x @ W.T
    loop = jnp.arange(n, dtype=edge_index.dtype)
    src = jnp.concatenate([edge_index[0], loop])
    dst = jnp.concatenate([edge_index[1], loop])
    ones = jnp.ones(src.shape[0], dtype=x.dtype)
    deg = jax.ops.segment_sum(ones, dst, num_segments=n)
    dinv = jnp.where(deg > 0, deg ** -0.5, 0.0)
    norm = dinv[src] * dinv[dst]
    out = jax.ops.segment_sum(xw[src] * norm[:, None], dst, num_segments=n)
    return out + b


def reference(x, node_types, edge_index0, edge_index1, Win, b_in, Wc0, bc0, Wc10, bc10, Wc11, bc11, W1, b1, W2, b2, W3, b3):
    n = x.shape[0]
    # per-node-type input projection: hid[idx] = in_layer[t](x[idx])
    outs = jnp.einsum('thd,nd->tnh', Win, x) + b_in[:, None, :]
    hid = outs[node_types, jnp.arange(n)]
    states = [hid]
    # layer 0: single path [(0,0)] -> GCN(states[0], adj0); layer_agg sum over 1 element
    h0 = gcn_conv(states[0], edge_index0, Wc0, bc0)
    states.append(h0)
    # layer 1: paths [(0,0),(1,1)] -> sum of two GCNs
    h1 = gcn_conv(states[0], edge_index0, Wc10, bc10) + gcn_conv(states[1], edge_index1, Wc11, bc11)
    states.append(h1)
    tmp = states[-1]
    # LayerNorm, elementwise_affine=False
    mu = tmp.mean(axis=-1, keepdims=True)
    var = ((tmp - mu) ** 2).mean(axis=-1, keepdims=True)
    tmp = (tmp - mu) / jnp.sqrt(var + 1e-5)
    hidi = jax.nn.gelu(tmp, approximate=False)
    attni = jnp.tanh(hidi @ W1.T + b1) @ W2.T + b2
    attns = jax.nn.softmax(attni, axis=-1)
    hids = hidi[:, None, :]
    out = (attns[:, :, None] * hids).sum(axis=1)
    return out @ W3.T + b3

if __name__ == "__main__":
    import jax
    _d = setup_inputs()
    print(jax.jit(kernel)(*tuple(_d.values())))

</pallas_src>

<mosaic_0001>
#map = affine_map<(d0, d1) -> (0, 0, 0)>
module attributes {stable_mosaic.version = 14 : i64} {
  func.func @_sc_hist(%arg0: i32, %arg1: i32, %arg2: memref<32x106x96xi32, #tpu.memory_space<hbm>>, %arg3: memref<32x106x96xi32, #tpu.memory_space<hbm>>, %arg4: memref<2x10240x16xf32, #tpu.memory_space<hbm>>, %arg5: memref<2x10240x16xf32, #tpu.memory_space<hbm>>, %arg6: memref<106x96xi32, #tpu.memory_space<vmem>>, %arg7: memref<106x96xi32, #tpu.memory_space<vmem>>, %arg8: memref<96x16xf32, #tpu.memory_space<vmem>>, %arg9: memref<640x16xf32, #tpu.memory_space<vmem>>, %arg10: memref<10240x16xf32, #tpu.memory_space<vmem_shared>>, %arg11: memref<10240x16xf32, #tpu.memory_space<vmem_shared>>, %arg12: memref<!tpu.dma_semaphore, #tpu.memory_space<semaphore_mem>>) attributes {dimension_semantics = [#tpu.dimension_semantics<core_parallel>, #tpu.dimension_semantics<subcore_parallel>], iteration_bounds = array<i64: 2, 16>, scalar_prefetch = 0 : i64, scratch_operands = 7 : i64, tpu.core_type = #tpu.core_type<sc_vector_subcore>, window_params = [{transform_indices = #map}, {transform_indices = #map}, {transform_indices = #map}, {transform_indices = #map}]} {
    %mul3A = arith.constant 16 : i32
    %mul3A_0 = arith.muli %arg0, %mul3A : i32
    %add3A = arith.addi %mul3A_0, %arg1 : i32
    %scan3A = arith.constant 0 : i32
    %scan3A_1 = arith.constant 96 : i32
    %scan3A_2 = arith.addi %scan3A, %scan3A_1 : i32
    %scan3A_3 = arith.constant 1 : i32
    scf.for %scan3A_129 = %scan3A to %scan3A_2 step %scan3A_3  : i32 {
      %broadcast_in_dim3A = arith.constant 1.000000e+00 : f32
      %broadcast_in_dim3A_130 = vector.broadcast %broadcast_in_dim3A : f32 to vector<16xf32>
      %swap3A = arith.index_cast %scan3A_129 : i32 to index
      %swap3A_131 = arith.constant 0 : index
      %swap3A_132 = tpu.vector_load %arg8[%swap3A, %swap3A_131] {strides = array<i32>} : memref<96x16xf32, #tpu.memory_space<vmem>>, vector<1x16xf32>,
      %swap3A_133 = vector.shape_cast %swap3A_132 : vector<1x16xf32> to vector<16xf32>
      %swap3A_134 = vector.shape_cast %broadcast_in_dim3A_130 : vector<16xf32> to vector<1x16xf32>
      tpu.vector_store %arg8[%swap3A, %swap3A_131], %swap3A_134 {strides = array<i32>} : memref<96x16xf32, #tpu.memory_space<vmem>>, vector<1x16xf32>,
    }
    %scan3A_4 = arith.constant 96 : i32
    %scan3A_5 = arith.constant 0 : i32
    %scan3A_6 = arith.constant 640 : i32
    %scan3A_7 = arith.addi %scan3A_5, %scan3A_6 : i32
    %scan3A_8 = arith.constant 1 : i32
    scf.for %scan3A_129 = %scan3A_5 to %scan3A_7 step %scan3A_8  : i32 {
      %broadcast_in_dim3A = arith.constant 0.000000e+00 : f32
      %broadcast_in_dim3A_130 = vector.broadcast %broadcast_in_dim3A : f32 to vector<16xf32>
      %swap3A = arith.index_cast %scan3A_129 : i32 to index
      %swap3A_131 = arith.constant 0 : index
      %swap3A_132 = tpu.vector_load %arg9[%swap3A, %swap3A_131] {strides = array<i32>} : memref<640x16xf32, #tpu.memory_space<vmem>>, vector<1x16xf32>,
      %swap3A_133 = vector.shape_cast %swap3A_132 : vector<1x16xf32> to vector<16xf32>
      %swap3A_134 = vector.shape_cast %broadcast_in_dim3A_130 : vector<16xf32> to vector<1x16xf32>
      tpu.vector_store %arg9[%swap3A, %swap3A_131], %swap3A_134 {strides = array<i32>} : memref<640x16xf32, #tpu.memory_space<vmem>>, vector<1x16xf32>,
    }
    %scan3A_9 = arith.constant 640 : i32
    "tpu.region"() ({
      %run_scoped3A = tpu.sem_alloc : memref<!tpu.dma_semaphore, #tpu.memory_space<semaphore_mem>>
      %dma_start3A = arith.constant 0 : i32
      %dma_start3A_129 = arith.constant 0 : i32
      %dma_start3A_130 = tpu.memref_slice %arg2[%add3A, %dma_start3A, %dma_start3A_129] : memref<32x106x96xi32, #tpu.memory_space<hbm>> -> memref<1x106x96xi32, #tpu.memory_space<hbm>>
      %dma_start3A_131 = tpu.memref_squeeze %dma_start3A_130 : memref<1x106x96xi32, #tpu.memory_space<hbm>> -> memref<106x96xi32, #tpu.memory_space<hbm>>
      %dma_start3A_132 = arith.constant 0 : i32
      %dma_start3A_133 = arith.constant 0 : i32
      %dma_start3A_134 = tpu.memref_slice %arg2[%add3A, %dma_start3A_132, %dma_start3A_133] : memref<32x106x96xi32, #tpu.memory_space<hbm>> -> memref<1x106x96xi32, #tpu.memory_space<hbm>>
      %dma_start3A_135 = tpu.memref_squeeze %dma_start3A_134 : memref<1x106x96xi32, #tpu.memory_space<hbm>> -> memref<106x96xi32, #tpu.memory_space<hbm>>
      tpu.enqueue_dma source(%dma_start3A_135 : memref<106x96xi32, #tpu.memory_space<hbm>>) target(%arg6 : memref<106x96xi32, #tpu.memory_space<vmem>>) target_semaphore(%run_scoped3A : memref<!tpu.dma_semaphore, #tpu.memory_space<semaphore_mem>>)
      %dma_wait3A_136 = arith.constant 0 : i32
      %dma_wait3A_137 = arith.constant 0 : i32
      %dma_wait3A_138 = tpu.memref_slice %arg2[%add3A, %dma_wait3A_136, %dma_wait3A_137] : memref<32x106x96xi32, #tpu.memory_space<hbm>> -> memref<1x106x96xi32, #tpu.memory_space<hbm>>
      %dma_wait3A_139 = tpu.memref_squeeze %dma_wait3A_138 : memref<1x106x96xi32, #tpu.memory_space<hbm>> -> memref<106x96xi32, #tpu.memory_space<hbm>>
      %dma_wait3A_140 = arith.constant 0 : i32
      %dma_wait3A_141 = arith.constant 0 : i32
      %dma_wait3A_142 = tpu.memref_slice %arg2[%add3A, %dma_wait3A_140, %dma_wait3A_141] : memref<32x106x96xi32, #tpu.memory_space<hbm>> -> memref<1x106x96xi32, #tpu.memory_space<hbm>>
      %dma_wait3A_143 = tpu.memref_squeeze %dma_wait3A_142 : memref<1x106x96xi32, #tpu.memory_space<hbm>> -> memref<106x96xi32, #tpu.memory_space<hbm>>
      tpu.wait_dma2 semaphore(%run_scoped3A : memref<!tpu.dma_semaphore, #tpu.memory_space<semaphore_mem>>) src(%dma_wait3A_143 : memref<106x96xi32, #tpu.memory_space<hbm>>) dst(%arg6 : memref<106x96xi32, #tpu.memory_space<vmem>>)
      tpu.yield
    }) : () -> ()
    "tpu.region"() ({
      %run_scoped3A = tpu.sem_alloc : memref<!tpu.dma_semaphore, #tpu.memory_space<semaphore_mem>>
      %dma_start3A = arith.constant 0 : i32
      %dma_start3A_129 = arith.constant 0 : i32
      %dma_start3A_130 = tpu.memref_slice %arg3[%add3A, %dma_start3A, %dma_start3A_129] : memref<32x106x96xi32, #tpu.memory_space<hbm>> -> memref<1x106x96xi32, #tpu.memory_space<hbm>>
      %dma_start3A_131 = tpu.memref_squeeze %dma_start3A_130 : memref<1x106x96xi32, #tpu.memory_space<hbm>> -> memref<106x96xi32, #tpu.memory_space<hbm>>
      %dma_start3A_132 = arith.constant 0 : i32
      %dma_start3A_133 = arith.constant 0 : i32
      %dma_start3A_134 = tpu.memref_slice %arg3[%add3A, %dma_start3A_132, %dma_start3A_133] : memref<32x106x96xi32, #tpu.memory_space<hbm>> -> memref<1x106x96xi32, #tpu.memory_space<hbm>>
      %dma_start3A_135 = tpu.memref_squeeze %dma_start3A_134 : memref<1x106x96xi32, #tpu.memory_space<hbm>> -> memref<106x96xi32, #tpu.memory_space<hbm>>
      tpu.enqueue_dma source(%dma_start3A_135 : memref<106x96xi32, #tpu.memory_space<hbm>>) target(%arg7 : memref<106x96xi32, #tpu.memory_space<vmem>>) target_semaphore(%run_scoped3A : memref<!tpu.dma_semaphore, #tpu.memory_space<semaphore_mem>>)
      %dma_wait3A_136 = arith.constant 0 : i32
      %dma_wait3A_137 = arith.constant 0 : i32
      %dma_wait3A_138 = tpu.memref_slice %arg3[%add3A, %dma_wait3A_136, %dma_wait3A_137] : memref<32x106x96xi32, #tpu.memory_space<hbm>> -> memref<1x106x96xi32, #tpu.memory_space<hbm>>
      %dma_wait3A_139 = tpu.memref_squeeze %dma_wait3A_138 : memref<1x106x96xi32, #tpu.memory_space<hbm>> -> memref<106x96xi32, #tpu.memory_space<hbm>>
      %dma_wait3A_140 = arith.constant 0 : i32
      %dma_wait3A_141 = arith.constant 0 : i32
      %dma_wait3A_142 = tpu.memref_slice %arg3[%add3A, %dma_wait3A_140, %dma_wait3A_141] : memref<32x106x96xi32, #tpu.memory_space<hbm>> -> memref<1x106x96xi32, #tpu.memory_space<hbm>>
      %dma_wait3A_143 = tpu.memref_squeeze %dma_wait3A_142 : memref<1x106x96xi32, #tpu.memory_space<hbm>> -> memref<106x96xi32, #tpu.memory_space<hbm>>
      tpu.wait_dma2 semaphore(%run_scoped3A : memref<!tpu.dma_semaphore, #tpu.memory_space<semaphore_mem>>) src(%dma_wait3A_143 : memref<106x96xi32, #tpu.memory_space<hbm>>) dst(%arg7 : memref<106x96xi32, #tpu.memory_space<vmem>>)
      tpu.yield
    }) : () -> ()
    %mul3A_10 = arith.constant 640 : i32
    %mul3A_11 = arith.muli %arg1, %mul3A_10 : i32
    "tpu.region"() ({
      %run_scoped3A = tpu.sem_alloc : memref<!tpu.dma_semaphore, #tpu.memory_space<semaphore_mem>>
      %dma_start3A = arith.constant 0 : i32
      %dma_start3A_129 = tpu.memref_slice %arg10[%mul3A_11, %dma_start3A] : memref<10240x16xf32, #tpu.memory_space<vmem_shared>> -> memref<640x16xf32, #tpu.memory_space<vmem_shared>>
      %dma_start3A_130 = arith.constant 0 : i32
      %dma_start3A_131 = tpu.memref_slice %arg10[%mul3A_11, %dma_start3A_130] : memref<10240x16xf32, #tpu.memory_space<vmem_shared>> -> memref<640x16xf32, #tpu.memory_space<vmem_shared>>
      tpu.enqueue_dma source(%arg9 : memref<640x16xf32, #tpu.memory_space<vmem>>) target(%dma_start3A_131 : memref<640x16xf32, #tpu.memory_space<vmem_shared>>) target_semaphore(%run_scoped3A : memref<!tpu.dma_semaphore, #tpu.memory_space<semaphore_mem>>)
      %dma_wait3A_132 = arith.constant 0 : i32
      %dma_wait3A_133 = tpu.memref_slice %arg10[%mul3A_11, %dma_wait3A_132] : memref<10240x16xf32, #tpu.memory_space<vmem_shared>> -> memref<640x16xf32, #tpu.memory_space<vmem_shared>>
      %dma_wait3A_134 = arith.constant 0 : i32
      %dma_wait3A_135 = tpu.memref_slice %arg10[%mul3A_11, %dma_wait3A_134] : memref<10240x16xf32, #tpu.memory_space<vmem_shared>> -> memref<640x16xf32, #tpu.memory_space<vmem_shared>>
      tpu.wait_dma2 semaphore(%run_scoped3A : memref<!tpu.dma_semaphore, #tpu.memory_space<semaphore_mem>>) src(%arg9 : memref<640x16xf32, #tpu.memory_space<vmem>>) dst(%dma_wait3A_135 : memref<640x16xf32, #tpu.memory_space<vmem_shared>>)
      tpu.yield
    }) : () -> ()
    "tpu.region"() ({
      %run_scoped3A = tpu.sem_alloc : memref<!tpu.dma_semaphore, #tpu.memory_space<semaphore_mem>>
      %dma_start3A = arith.constant 0 : i32
      %dma_start3A_129 = tpu.memref_slice %arg11[%mul3A_11, %dma_start3A] : memref<10240x16xf32, #tpu.memory_space<vmem_shared>> -> memref<640x16xf32, #tpu.memory_space<vmem_shared>>
      %dma_start3A_130 = arith.constant 0 : i32
      %dma_start3A_131 = tpu.memref_slice %arg11[%mul3A_11, %dma_start3A_130] : memref<10240x16xf32, #tpu.memory_space<vmem_shared>> -> memref<640x16xf32, #tpu.memory_space<vmem_shared>>
      tpu.enqueue_dma source(%arg9 : memref<640x16xf32, #tpu.memory_space<vmem>>) target(%dma_start3A_131 : memref<640x16xf32, #tpu.memory_space<vmem_shared>>) target_semaphore(%run_scoped3A : memref<!tpu.dma_semaphore, #tpu.memory_space<semaphore_mem>>)
      %dma_wait3A_132 = arith.constant 0 : i32
      %dma_wait3A_133 = tpu.memref_slice %arg11[%mul3A_11, %dma_wait3A_132] : memref<10240x16xf32, #tpu.memory_space<vmem_shared>> -> memref<640x16xf32, #tpu.memory_space<vmem_shared>>
      %dma_wait3A_134 = arith.constant 0 : i32
      %dma_wait3A_135 = tpu.memref_slice %arg11[%mul3A_11, %dma_wait3A_134] : memref<10240x16xf32, #tpu.memory_space<vmem_shared>> -> memref<640x16xf32, #tpu.memory_space<vmem_shared>>
      tpu.wait_dma2 semaphore(%run_scoped3A : memref<!tpu.dma_semaphore, #tpu.memory_space<semaphore_mem>>) src(%arg9 : memref<640x16xf32, #tpu.memory_space<vmem>>) dst(%dma_wait3A_135 : memref<640x16xf32, #tpu.memory_space<vmem_shared>>)
      tpu.yield
    }) : () -> ()
    %barrier3A = arith.constant 0 : index
    tpu.barrier barrier_id(%barrier3A)
    %scan3A_12 = arith.constant 0 : i32
    %scan3A_13 = arith.constant 106 : i32
    %scan3A_14 = arith.addi %scan3A_12, %scan3A_13 : i32
    %scan3A_15 = arith.constant 1 : i32
    scf.for %scan3A_129 = %scan3A_12 to %scan3A_14 step %scan3A_15  : i32 {
      %ge3A = arith.constant 8 : i32
      %ge3A_130 = arith.cmpi sge, %scan3A_129, %ge3A : i32
      %convert_element_type3A = arith.extui %ge3A_130 : i1 to i32
      %cond3A = arith.constant 0 : i32
      %cond3A_131 = arith.cmpi ne, %convert_element_type3A, %cond3A : i32
      scf.if %cond3A_131 {
        %dma_wait3A_143 = arith.constant 0 : i32
        %dma_wait3A_144 = arith.constant 0 : i32
        %dma_wait3A_145 = tpu.memref_slice %arg6[%dma_wait3A_143, %dma_wait3A_144] : memref<106x96xi32, #tpu.memory_space<vmem>> -> memref<1x96xi32, #tpu.memory_space<vmem>>
        %dma_wait3A_146 = tpu.memref_squeeze %dma_wait3A_145 : memref<1x96xi32, #tpu.memory_space<vmem>> -> memref<96xi32, #tpu.memory_space<vmem>>
        %dma_wait3A_147 = arith.constant 0 : i32
        %dma_wait3A_148 = arith.constant 0 : i32
        %dma_wait3A_149 = tpu.memref_slice %arg10[%dma_wait3A_147, %dma_wait3A_148] : memref<10240x16xf32, #tpu.memory_space<vmem_shared>> -> memref<10240x16xf32, #tpu.memory_space<vmem_shared>>
        tpu.wait_indirect_dma semaphore(%arg12 : memref<!tpu.dma_semaphore, #tpu.memory_space<semaphore_mem>>) src(%arg8 : memref<96x16xf32, #tpu.memory_space<vmem>>) dst(%dma_wait3A_149 : memref<10240x16xf32, #tpu.memory_space<vmem_shared>>)
        %dma_wait3A_150 = arith.constant 0 : i32
        %dma_wait3A_151 = arith.constant 0 : i32
        %dma_wait3A_152 = tpu.memref_slice %arg7[%dma_wait3A_150, %dma_wait3A_151] : memref<106x96xi32, #tpu.memory_space<vmem>> -> memref<1x96xi32, #tpu.memory_space<vmem>>
        %dma_wait3A_153 = tpu.memref_squeeze %dma_wait3A_152 : memref<1x96xi32, #tpu.memory_space<vmem>> -> memref<96xi32, #tpu.memory_space<vmem>>
        %dma_wait3A_154 = arith.constant 0 : i32
        %dma_wait3A_155 = arith.constant 0 : i32
        %dma_wait3A_156 = tpu.memref_slice %arg11[%dma_wait3A_154, %dma_wait3A_155] : memref<10240x16xf32, #tpu.memory_space<vmem_shared>> -> memref<10240x16xf32, #tpu.memory_space<vmem_shared>>
        tpu.wait_indirect_dma semaphore(%arg12 : memref<!tpu.dma_semaphore, #tpu.memory_space<semaphore_mem>>) src(%arg8 : memref<96x16xf32, #tpu.memory_space<vmem>>) dst(%dma_wait3A_156 : memref<10240x16xf32, #tpu.memory_space<vmem_shared>>)
      } else {
      }
      %dma_start3A = arith.constant 0 : i32
      %dma_start3A_132 = tpu.memref_slice %arg6[%scan3A_129, %dma_start3A] : memref<106x96xi32, #tpu.memory_space<vmem>> -> memref<1x96xi32, #tpu.memory_space<vmem>>
      %dma_start3A_133 = tpu.memref_squeeze %dma_start3A_132 : memref<1x96xi32, #tpu.memory_space<vmem>> -> memref<96xi32, #tpu.memory_space<vmem>>
      %dma_start3A_134 = arith.constant 0 : i32
      %dma_start3A_135 = arith.constant 0 : i32
      %dma_start3A_136 = tpu.memref_slice %arg10[%dma_start3A_134, %dma_start3A_135] : memref<10240x16xf32, #tpu.memory_space<vmem_shared>> -> memref<10240x16xf32, #tpu.memory_space<vmem_shared>>
      tpu.enqueue_indirect_dma source(%arg8 : memref<96x16xf32, #tpu.memory_space<vmem>>) target(%dma_start3A_136 : memref<10240x16xf32, #tpu.memory_space<vmem_shared>>) offsets(%dma_start3A_133 : memref<96xi32, #tpu.memory_space<vmem>>) semaphore(%arg12 : memref<!tpu.dma_semaphore, #tpu.memory_space<semaphore_mem>>) {add = true}
      %dma_start3A_137 = arith.constant 0 : i32
      %dma_start3A_138 = tpu.memref_slice %arg7[%scan3A_129, %dma_start3A_137] : memref<106x96xi32, #tpu.memory_space<vmem>> -> memref<1x96xi32, #tpu.memory_space<vmem>>
      %dma_start3A_139 = tpu.memref_squeeze %dma_start3A_138 : memref<1x96xi32, #tpu.memory_space<vmem>> -> memref<96xi32, #tpu.memory_space<vmem>>
      %dma_start3A_140 = arith.constant 0 : i32
      %dma_start3A_141 = arith.constant 0 : i32
      %dma_start3A_142 = tpu.memref_slice %arg11[%dma_start3A_140, %dma_start3A_141] : memref<10240x16xf32, #tpu.memory_space<vmem_shared>> -> memref<10240x16xf32, #tpu.memory_space<vmem_shared>>
      tpu.enqueue_indirect_dma source(%arg8 : memref<96x16xf32, #tpu.memory_space<vmem>>) target(%dma_start3A_142 : memref<10240x16xf32, #tpu.memory_space<vmem_shared>>) offsets(%dma_start3A_139 : memref<96xi32, #tpu.memory_space<vmem>>) semaphore(%arg12 : memref<!tpu.dma_semaphore, #tpu.memory_space<semaphore_mem>>) {add = true}
    }
    %scan3A_16 = arith.constant 106 : i32
    %dma_wait3A = arith.constant 0 : i32
    %dma_wait3A_17 = arith.constant 0 : i32
    %dma_wait3A_18 = tpu.memref_slice %arg6[%dma_wait3A, %dma_wait3A_17] : memref<106x96xi32, #tpu.memory_space<vmem>> -> memref<1x96xi32, #tpu.memory_space<vmem>>
    %dma_wait3A_19 = tpu.memref_squeeze %dma_wait3A_18 : memref<1x96xi32, #tpu.memory_space<vmem>> -> memref<96xi32, #tpu.memory_space<vmem>>
    %dma_wait3A_20 = arith.constant 0 : i32
    %dma_wait3A_21 = arith.constant 0 : i32
    %dma_wait3A_22 = tpu.memref_slice %arg10[%dma_wait3A_20, %dma_wait3A_21] : memref<10240x16xf32, #tpu.memory_space<vmem_shared>> -> memref<10240x16xf32, #tpu.memory_space<vmem_shared>>
    tpu.wait_indirect_dma semaphore(%arg12 : memref<!tpu.dma_semaphore, #tpu.memory_space<semaphore_mem>>) src(%arg8 : memref<96x16xf32, #tpu.memory_space<vmem>>) dst(%dma_wait3A_22 : memref<10240x16xf32, #tpu.memory_space<vmem_shared>>)
    %dma_wait3A_23 = arith.constant 0 : i32
    %dma_wait3A_24 = arith.constant 0 : i32
    %dma_wait3A_25 = tpu.memref_slice %arg7[%dma_wait3A_23, %dma_wait3A_24] : memref<106x96xi32, #tpu.memory_space<vmem>> -> memref<1x96xi32, #tpu.memory_space<vmem>>
    %dma_wait3A_26 = tpu.memref_squeeze %dma_wait3A_25 : memref<1x96xi32, #tpu.memory_space<vmem>> -> memref<96xi32, #tpu.memory_space<vmem>>
    %dma_wait3A_27 = arith.constant 0 : i32
    %dma_wait3A_28 = arith.constant 0 : i32
    %dma_wait3A_29 = tpu.memref_slice %arg11[%dma_wait3A_27, %dma_wait3A_28] : memref<10240x16xf32, #tpu.memory_space<vmem_shared>> -> memref<10240x16xf32, #tpu.memory_space<vmem_shared>>
    tpu.wait_indirect_dma semaphore(%arg12 : memref<!tpu.dma_semaphore, #tpu.memory_space<semaphore_mem>>) src(%arg8 : memref<96x16xf32, #tpu.memory_space<vmem>>) dst(%dma_wait3A_29 : memref<10240x16xf32, #tpu.memory_space<vmem_shared>>)
    %dma_wait3A_30 = arith.constant 0 : i32
    %dma_wait3A_31 = arith.constant 0 : i32
    %dma_wait3A_32 = tpu.memref_slice %arg6[%dma_wait3A_30, %dma_wait3A_31] : memref<106x96xi32, #tpu.memory_space<vmem>> -> memref<1x96xi32, #tpu.memory_space<vmem>>
    %dma_wait3A_33 = tpu.memref_squeeze %dma_wait3A_32 : memref<1x96xi32, #tpu.memory_space<vmem>> -> memref<96xi32, #tpu.memory_space<vmem>>
    %dma_wait3A_34 = arith.constant 0 : i32
    %dma_wait3A_35 = arith.constant 0 : i32
    %dma_wait3A_36 = tpu.memref_slice %arg10[%dma_wait3A_34, %dma_wait3A_35] : memref<10240x16xf32, #tpu.memory_space<vmem_shared>> -> memref<10240x16xf32, #tpu.memory_space<vmem_shared>>
    tpu.wait_indirect_dma semaphore(%arg12 : memref<!tpu.dma_semaphore, #tpu.memory_space<semaphore_mem>>) src(%arg8 : memref<96x16xf32, #tpu.memory_space<vmem>>) dst(%dma_wait3A_36 : memref<10240x16xf32, #tpu.memory_space<vmem_shared>>)
    %dma_wait3A_37 = arith.constant 0 : i32
    %dma_wait3A_38 = arith.constant 0 : i32
    %dma_wait3A_39 = tpu.memref_slice %arg7[%dma_wait3A_37, %dma_wait3A_38] : memref<106x96xi32, #tpu.memory_space<vmem>> -> memref<1x96xi32, #tpu.memory_space<vmem>>
    %dma_wait3A_40 = tpu.memref_squeeze %dma_wait3A_39 : memref<1x96xi32, #tpu.memory_space<vmem>> -> memref<96xi32, #tpu.memory_space<vmem>>
    %dma_wait3A_41 = arith.constant 0 : i32
    %dma_wait3A_42 = arith.constant 0 : i32
    %dma_wait3A_43 = tpu.memref_slice %arg11[%dma_wait3A_41, %dma_wait3A_42] : memref<10240x16xf32, #tpu.memory_space<vmem_shared>> -> memref<10240x16xf32, #tpu.memory_space<vmem_shared>>
    tpu.wait_indirect_dma semaphore(%arg12 : memref<!tpu.dma_semaphore, #tpu.memory_space<semaphore_mem>>) src(%arg8 : memref<96x16xf32, #tpu.memory_space<vmem>>) dst(%dma_wait3A_43 : memref<10240x16xf32, #tpu.memory_space<vmem_shared>>)
    %dma_wait3A_44 = arith.constant 0 : i32
    %dma_wait3A_45 = arith.constant 0 : i32
    %dma_wait3A_46 = tpu.memref_slice %arg6[%dma_wait3A_44, %dma_wait3A_45] : memref<106x96xi32, #tpu.memory_space<vmem>> -> memref<1x96xi32, #tpu.memory_space<vmem>>
    %dma_wait3A_47 = tpu.memref_squeeze %dma_wait3A_46 : memref<1x96xi32, #tpu.memory_space<vmem>> -> memref<96xi32, #tpu.memory_space<vmem>>
    %dma_wait3A_48 = arith.constant 0 : i32
    %dma_wait3A_49 = arith.constant 0 : i32
    %dma_wait3A_50 = tpu.memref_slice %arg10[%dma_wait3A_48, %dma_wait3A_49] : memref<10240x16xf32, #tpu.memory_space<vmem_shared>> -> memref<10240x16xf32, #tpu.memory_space<vmem_shared>>
    tpu.wait_indirect_dma semaphore(%arg12 : memref<!tpu.dma_semaphore, #tpu.memory_space<semaphore_mem>>) src(%arg8 : memref<96x16xf32, #tpu.memory_space<vmem>>) dst(%dma_wait3A_50 : memref<10240x16xf32, #tpu.memory_space<vmem_shared>>)
    %dma_wait3A_51 = arith.constant 0 : i32
    %dma_wait3A_52 = arith.constant 0 : i32
    %dma_wait3A_53 = tpu.memref_slice %arg7[%dma_wait3A_51, %dma_wait3A_52] : memref<106x96xi32, #tpu.memory_space<vmem>> -> memref<1x96xi32, #tpu.memory_space<vmem>>
    %dma_wait3A_54 = tpu.memref_squeeze %dma_wait3A_53 : memref<1x96xi32, #tpu.memory_space<vmem>> -> memref<96xi32, #tpu.memory_space<vmem>>
    %dma_wait3A_55 = arith.constant 0 : i32
    %dma_wait3A_56 = arith.constant 0 : i32
    %dma_wait3A_57 = tpu.memref_slice %arg11[%dma_wait3A_55, %dma_wait3A_56] : memref<10240x16xf32, #tpu.memory_space<vmem_shared>> -> memref<10240x16xf32, #tpu.memory_space<vmem_shared>>
    tpu.wait_indirect_dma semaphore(%arg12 : memref<!tpu.dma_semaphore, #tpu.memory_space<semaphore_mem>>) src(%arg8 : memref<96x16xf32, #tpu.memory_space<vmem>>) dst(%dma_wait3A_57 : memref<10240x16xf32, #tpu.memory_space<vmem_shared>>)
    %dma_wait3A_58 = arith.constant 0 : i32
    %dma_wait3A_59 = arith.constant 0 : i32
    %dma_wait3A_60 = tpu.memref_slice %arg6[%dma_wait3A_58, %dma_wait3A_59] : memref<106x96xi32, #tpu.memory_space<vmem>> -> memref<1x96xi32, #tpu.memory_space<vmem>>
    %dma_wait3A_61 = tpu.memref_squeeze %dma_wait3A_60 : memref<1x96xi32, #tpu.memory_space<vmem>> -> memref<96xi32, #tpu.memory_space<vmem>>
    %dma_wait3A_62 = arith.constant 0 : i32
    %dma_wait3A_63 = arith.constant 0 : i32
    %dma_wait3A_64 = tpu.memref_slice %arg10[%dma_wait3A_62, %dma_wait3A_63] : memref<10240x16xf32, #tpu.memory_space<vmem_shared>> -> memref<10240x16xf32, #tpu.memory_space<vmem_shared>>
    tpu.wait_indirect_dma semaphore(%arg12 : memref<!tpu.dma_semaphore, #tpu.memory_space<semaphore_mem>>) src(%arg8 : memref<96x16xf32, #tpu.memory_space<vmem>>) dst(%dma_wait3A_64 : memref<10240x16xf32, #tpu.memory_space<vmem_shared>>)
    %dma_wait3A_65 = arith.constant 0 : i32
    %dma_wait3A_66 = arith.constant 0 : i32
    %dma_wait3A_67 = tpu.memref_slice %arg7[%dma_wait3A_65, %dma_wait3A_66] : memref<106x96xi32, #tpu.memory_space<vmem>> -> memref<1x96xi32, #tpu.memory_space<vmem>>
    %dma_wait3A_68 = tpu.memref_squeeze %dma_wait3A_67 : memref<1x96xi32, #tpu.memory_space<vmem>> -> memref<96xi32, #tpu.memory_space<vmem>>
    %dma_wait3A_69 = arith.constant 0 : i32
    %dma_wait3A_70 = arith.constant 0 : i32
    %dma_wait3A_71 = tpu.memref_slice %arg11[%dma_wait3A_69, %dma_wait3A_70] : memref<10240x16xf32, #tpu.memory_space<vmem_shared>> -> memref<10240x16xf32, #tpu.memory_space<vmem_shared>>
    tpu.wait_indirect_dma semaphore(%arg12 : memref<!tpu.dma_semaphore, #tpu.memory_space<semaphore_mem>>) src(%arg8 : memref<96x16xf32, #tpu.memory_space<vmem>>) dst(%dma_wait3A_71 : memref<10240x16xf32, #tpu.memory_space<vmem_shared>>)
    %dma_wait3A_72 = arith.constant 0 : i32
    %dma_wait3A_73 = arith.constant 0 : i32
    %dma_wait3A_74 = tpu.memref_slice %arg6[%dma_wait3A_72, %dma_wait3A_73] : memref<106x96xi32, #tpu.memory_space<vmem>> -> memref<1x96xi32, #tpu.memory_space<vmem>>
    %dma_wait3A_75 = tpu.memref_squeeze %dma_wait3A_74 : memref<1x96xi32, #tpu.memory_space<vmem>> -> memref<96xi32, #tpu.memory_space<vmem>>
    %dma_wait3A_76 = arith.constant 0 : i32
    %dma_wait3A_77 = arith.constant 0 : i32
    %dma_wait3A_78 = tpu.memref_slice %arg10[%dma_wait3A_76, %dma_wait3A_77] : memref<10240x16xf32, #tpu.memory_space<vmem_shared>> -> memref<10240x16xf32, #tpu.memory_space<vmem_shared>>
    tpu.wait_indirect_dma semaphore(%arg12 : memref<!tpu.dma_semaphore, #tpu.memory_space<semaphore_mem>>) src(%arg8 : memref<96x16xf32, #tpu.memory_space<vmem>>) dst(%dma_wait3A_78 : memref<10240x16xf32, #tpu.memory_space<vmem_shared>>)
    %dma_wait3A_79 = arith.constant 0 : i32
    %dma_wait3A_80 = arith.constant 0 : i32
    %dma_wait3A_81 = tpu.memref_slice %arg7[%dma_wait3A_79, %dma_wait3A_80] : memref<106x96xi32, #tpu.memory_space<vmem>> -> memref<1x96xi32, #tpu.memory_space<vmem>>
    %dma_wait3A_82 = tpu.memref_squeeze %dma_wait3A_81 : memref<1x96xi32, #tpu.memory_space<vmem>> -> memref<96xi32, #tpu.memory_space<vmem>>
    %dma_wait3A_83 = arith.constant 0 : i32
    %dma_wait3A_84 = arith.constant 0 : i32
    %dma_wait3A_85 = tpu.memref_slice %arg11[%dma_wait3A_83, %dma_wait3A_84] : memref<10240x16xf32, #tpu.memory_space<vmem_shared>> -> memref<10240x16xf32, #tpu.memory_space<vmem_shared>>
    tpu.wait_indirect_dma semaphore(%arg12 : memref<!tpu.dma_semaphore, #tpu.memory_space<semaphore_mem>>) src(%arg8 : memref<96x16xf32, #tpu.memory_space<vmem>>) dst(%dma_wait3A_85 : memref<10240x16xf32, #tpu.memory_space<vmem_shared>>)
    %dma_wait3A_86 = arith.constant 0 : i32
    %dma_wait3A_87 = arith.constant 0 : i32
    %dma_wait3A_88 = tpu.memref_slice %arg6[%dma_wait3A_86, %dma_wait3A_87] : memref<106x96xi32, #tpu.memory_space<vmem>> -> memref<1x96xi32, #tpu.memory_space<vmem>>
    %dma_wait3A_89 = tpu.memref_squeeze %dma_wait3A_88 : memref<1x96xi32, #tpu.memory_space<vmem>> -> memref<96xi32, #tpu.memory_space<vmem>>
    %dma_wait3A_90 = arith.constant 0 : i32
    %dma_wait3A_91 = arith.constant 0 : i32
    %dma_wait3A_92 = tpu.memref_slice %arg10[%dma_wait3A_90, %dma_wait3A_91] : memref<10240x16xf32, #tpu.memory_space<vmem_shared>> -> memref<10240x16xf32, #tpu.memory_space<vmem_shared>>
    tpu.wait_indirect_dma semaphore(%arg12 : memref<!tpu.dma_semaphore, #tpu.memory_space<semaphore_mem>>) src(%arg8 : memref<96x16xf32, #tpu.memory_space<vmem>>) dst(%dma_wait3A_92 : memref<10240x16xf32, #tpu.memory_space<vmem_shared>>)
    %dma_wait3A_93 = arith.constant 0 : i32
    %dma_wait3A_94 = arith.constant 0 : i32
    %dma_wait3A_95 = tpu.memref_slice %arg7[%dma_wait3A_93, %dma_wait3A_94] : memref<106x96xi32, #tpu.memory_space<vmem>> -> memref<1x96xi32, #tpu.memory_space<vmem>>
    %dma_wait3A_96 = tpu.memref_squeeze %dma_wait3A_95 : memref<1x96xi32, #tpu.memory_space<vmem>> -> memref<96xi32, #tpu.memory_space<vmem>>
    %dma_wait3A_97 = arith.constant 0 : i32
    %dma_wait3A_98 = arith.constant 0 : i32
    %dma_wait3A_99 = tpu.memref_slice %arg11[%dma_wait3A_97, %dma_wait3A_98] : memref<10240x16xf32, #tpu.memory_space<vmem_shared>> -> memref<10240x16xf32, #tpu.memory_space<vmem_shared>>
    tpu.wait_indirect_dma semaphore(%arg12 : memref<!tpu.dma_semaphore, #tpu.memory_space<semaphore_mem>>) src(%arg8 : memref<96x16xf32, #tpu.memory_space<vmem>>) dst(%dma_wait3A_99 : memref<10240x16xf32, #tpu.memory_space<vmem_shared>>)
    %dma_wait3A_100 = arith.constant 0 : i32
    %dma_wait3A_101 = arith.constant 0 : i32
    %dma_wait3A_102 = tpu.memref_slice %arg6[%dma_wait3A_100, %dma_wait3A_101] : memref<106x96xi32, #tpu.memory_space<vmem>> -> memref<1x96xi32, #tpu.memory_space<vmem>>
    %dma_wait3A_103 = tpu.memref_squeeze %dma_wait3A_102 : memref<1x96xi32, #tpu.memory_space<vmem>> -> memref<96xi32, #tpu.memory_space<vmem>>
    %dma_wait3A_104 = arith.constant 0 : i32
    %dma_wait3A_105 = arith.constant 0 : i32
    %dma_wait3A_106 = tpu.memref_slice %arg10[%dma_wait3A_104, %dma_wait3A_105] : memref<10240x16xf32, #tpu.memory_space<vmem_shared>> -> memref<10240x16xf32, #tpu.memory_space<vmem_shared>>
    tpu.wait_indirect_dma semaphore(%arg12 : memref<!tpu.dma_semaphore, #tpu.memory_space<semaphore_mem>>) src(%arg8 : memref<96x16xf32, #tpu.memory_space<vmem>>) dst(%dma_wait3A_106 : memref<10240x16xf32, #tpu.memory_space<vmem_shared>>)
    %dma_wait3A_107 = arith.constant 0 : i32
    %dma_wait3A_108 = arith.constant 0 : i32
    %dma_wait3A_109 = tpu.memref_slice %arg7[%dma_wait3A_107, %dma_wait3A_108] : memref<106x96xi32, #tpu.memory_space<vmem>> -> memref<1x96xi32, #tpu.memory_space<vmem>>
    %dma_wait3A_110 = tpu.memref_squeeze %dma_wait3A_109 : memref<1x96xi32, #tpu.memory_space<vmem>> -> memref<96xi32, #tpu.memory_space<vmem>>
    %dma_wait3A_111 = arith.constant 0 : i32
    %dma_wait3A_112 = arith.constant 0 : i32
    %dma_wait3A_113 = tpu.memref_slice %arg11[%dma_wait3A_111, %dma_wait3A_112] : memref<10240x16xf32, #tpu.memory_space<vmem_shared>> -> memref<10240x16xf32, #tpu.memory_space<vmem_shared>>
    tpu.wait_indirect_dma semaphore(%arg12 : memref<!tpu.dma_semaphore, #tpu.memory_space<semaphore_mem>>) src(%arg8 : memref<96x16xf32, #tpu.memory_space<vmem>>) dst(%dma_wait3A_113 : memref<10240x16xf32, #tpu.memory_space<vmem_shared>>)
    %dma_wait3A_114 = arith.constant 0 : i32
    %dma_wait3A_115 = arith.constant 0 : i32
    %dma_wait3A_116 = tpu.memref_slice %arg6[%dma_wait3A_114, %dma_wait3A_115] : memref<106x96xi32, #tpu.memory_space<vmem>> -> memref<1x96xi32, #tpu.memory_space<vmem>>
    %dma_wait3A_117 = tpu.memref_squeeze %dma_wait3A_116 : memref<1x96xi32, #tpu.memory_space<vmem>> -> memref<96xi32, #tpu.memory_space<vmem>>
    %dma_wait3A_118 = arith.constant 0 : i32
    %dma_wait3A_119 = arith.constant 0 : i32
    %dma_wait3A_120 = tpu.memref_slice %arg10[%dma_wait3A_118, %dma_wait3A_119] : memref<10240x16xf32, #tpu.memory_space<vmem_shared>> -> memref<10240x16xf32, #tpu.memory_space<vmem_shared>>
    tpu.wait_indirect_dma semaphore(%arg12 : memref<!tpu.dma_semaphore, #tpu.memory_space<semaphore_mem>>) src(%arg8 : memref<96x16xf32, #tpu.memory_space<vmem>>) dst(%dma_wait3A_120 : memref<10240x16xf32, #tpu.memory_space<vmem_shared>>)
    %dma_wait3A_121 = arith.constant 0 : i32
    %dma_wait3A_122 = arith.constant 0 : i32
    %dma_wait3A_123 = tpu.memref_slice %arg7[%dma_wait3A_121, %dma_wait3A_122] : memref<106x96xi32, #tpu.memory_space<vmem>> -> memref<1x96xi32, #tpu.memory_space<vmem>>
    %dma_wait3A_124 = tpu.memref_squeeze %dma_wait3A_123 : memref<1x96xi32, #tpu.memory_space<vmem>> -> memref<96xi32, #tpu.memory_space<vmem>>
    %dma_wait3A_125 = arith.constant 0 : i32
    %dma_wait3A_126 = arith.constant 0 : i32
    %dma_wait3A_127 = tpu.memref_slice %arg11[%dma_wait3A_125, %dma_wait3A_126] : memref<10240x16xf32, #tpu.memory_space<vmem_shared>> -> memref<10240x16xf32, #tpu.memory_space<vmem_shared>>
    tpu.wait_indirect_dma semaphore(%arg12 : memref<!tpu.dma_semaphore, #tpu.memory_space<semaphore_mem>>) src(%arg8 : memref<96x16xf32, #tpu.memory_space<vmem>>) dst(%dma_wait3A_127 : memref<10240x16xf32, #tpu.memory_space<vmem_shared>>)
    %barrier3A_128 = arith.constant 0 : index
    tpu.barrier barrier_id(%barrier3A_128)
    "tpu.region"() ({
      %run_scoped3A = tpu.sem_alloc : memref<!tpu.dma_semaphore, #tpu.memory_space<semaphore_mem>>
      %dma_start3A = arith.constant 0 : i32
      %dma_start3A_129 = tpu.memref_slice %arg4[%arg0, %mul3A_11, %dma_start3A] : memref<2x10240x16xf32, #tpu.memory_space<hbm>> -> memref<1x640x16xf32, #tpu.memory_space<hbm>>
      %dma_start3A_130 = tpu.memref_squeeze %dma_start3A_129 : memref<1x640x16xf32, #tpu.memory_space<hbm>> -> memref<640x16xf32, #tpu.memory_space<hbm>>
      %dma_start3A_131 = arith.constant 0 : i32
      %dma_start3A_132 = tpu.memref_slice %arg10[%mul3A_11, %dma_start3A_131] : memref<10240x16xf32, #tpu.memory_space<vmem_shared>> -> memref<640x16xf32, #tpu.memory_space<vmem_shared>>
      tpu.enqueue_dma source(%dma_start3A_132 : memref<640x16xf32, #tpu.memory_space<vmem_shared>>) target(%dma_start3A_130 : memref<640x16xf32, #tpu.memory_space<hbm>>) target_semaphore(%run_scoped3A : memref<!tpu.dma_semaphore, #tpu.memory_space<semaphore_mem>>)
      %dma_wait3A_133 = arith.constant 0 : i32
      %dma_wait3A_134 = tpu.memref_slice %arg4[%arg0, %mul3A_11, %dma_wait3A_133] : memref<2x10240x16xf32, #tpu.memory_space<hbm>> -> memref<1x640x16xf32, #tpu.memory_space<hbm>>
      %dma_wait3A_135 = tpu.memref_squeeze %dma_wait3A_134 : memref<1x640x16xf32, #tpu.memory_space<hbm>> -> memref<640x16xf32, #tpu.memory_space<hbm>>
      %dma_wait3A_136 = arith.constant 0 : i32
      %dma_wait3A_137 = tpu.memref_slice %arg10[%mul3A_11, %dma_wait3A_136] : memref<10240x16xf32, #tpu.memory_space<vmem_shared>> -> memref<640x16xf32, #tpu.memory_space<vmem_shared>>
      tpu.wait_dma2 semaphore(%run_scoped3A : memref<!tpu.dma_semaphore, #tpu.memory_space<semaphore_mem>>) src(%dma_wait3A_137 : memref<640x16xf32, #tpu.memory_space<vmem_shared>>) dst(%dma_wait3A_135 : memref<640x16xf32, #tpu.memory_space<hbm>>)
      tpu.yield
    }) : () -> ()
    "tpu.region"() ({
      %run_scoped3A = tpu.sem_alloc : memref<!tpu.dma_semaphore, #tpu.memory_space<semaphore_mem>>
      %dma_start3A = arith.constant 0 : i32
      %dma_start3A_129 = tpu.memref_slice %arg5[%arg0, %mul3A_11, %dma_start3A] : memref<2x10240x16xf32, #tpu.memory_space<hbm>> -> memref<1x640x16xf32, #tpu.memory_space<hbm>>
      %dma_start3A_130 = tpu.memref_squeeze %dma_start3A_129 : memref<1x640x16xf32, #tpu.memory_space<hbm>> -> memref<640x16xf32, #tpu.memory_space<hbm>>
      %dma_start3A_131 = arith.constant 0 : i32
      %dma_start3A_132 = tpu.memref_slice %arg11[%mul3A_11, %dma_start3A_131] : memref<10240x16xf32, #tpu.memory_space<vmem_shared>> -> memref<640x16xf32, #tpu.memory_space<vmem_shared>>
      tpu.enqueue_dma source(%dma_start3A_132 : memref<640x16xf32, #tpu.memory_space<vmem_shared>>) target(%dma_start3A_130 : memref<640x16xf32, #tpu.memory_space<hbm>>) target_semaphore(%run_scoped3A : memref<!tpu.dma_semaphore, #tpu.memory_space<semaphore_mem>>)
      %dma_wait3A_133 = arith.constant 0 : i32
      %dma_wait3A_134 = tpu.memref_slice %arg5[%arg0, %mul3A_11, %dma_wait3A_133] : memref<2x10240x16xf32, #tpu.memory_space<hbm>> -> memref<1x640x16xf32, #tpu.memory_space<hbm>>
      %dma_wait3A_135 = tpu.memref_squeeze %dma_wait3A_134 : memref<1x640x16xf32, #tpu.memory_space<hbm>> -> memref<640x16xf32, #tpu.memory_space<hbm>>
      %dma_wait3A_136 = arith.constant 0 : i32
      %dma_wait3A_137 = tpu.memref_slice %arg11[%mul3A_11, %dma_wait3A_136] : memref<10240x16xf32, #tpu.memory_space<vmem_shared>> -> memref<640x16xf32, #tpu.memory_space<vmem_shared>>
      tpu.wait_dma2 semaphore(%run_scoped3A : memref<!tpu.dma_semaphore, #tpu.memory_space<semaphore_mem>>) src(%dma_wait3A_137 : memref<640x16xf32, #tpu.memory_space<vmem_shared>>) dst(%dma_wait3A_135 : memref<640x16xf32, #tpu.memory_space<hbm>>)
      tpu.yield
    }) : () -> ()
    return
  }
}

#map = affine_map<(d0, d1) -> (0, 0)>
#map1 = affine_map<(d0, d1) -> (0, 0, 0)>
module attributes {stable_mosaic.version = 14 : i64} {
  func.func @_sc_seg(%arg0: i32, %arg1: i32, %arg2: memref<10000x128xf32, #tpu.memory_space<hbm>>, %arg3: memref<32x106x96xi32, #tpu.memory_space<hbm>>, %arg4: memref<32x106x96xi32, #tpu.memory_space<hbm>>, %arg5: memref<2x10240x128xf32, #tpu.memory_space<hbm>>, %arg6: memref<106x96xi32, #tpu.memory_space<vmem>>, %arg7: memref<106x96xi32, #tpu.memory_space<vmem>>, %arg8: memref<2x96x128xf32, #tpu.memory_space<vmem>>, %arg9: memref<10240x128xf32, #tpu.memory_space<vmem_shared>>, %arg10: memref<2x!tpu.dma_semaphore, #tpu.memory_space<semaphore_mem>>) attributes {dimension_semantics = [#tpu.dimension_semantics<core_parallel>, #tpu.dimension_semantics<subcore_parallel>], iteration_bounds = array<i64: 2, 16>, scalar_prefetch = 0 : i64, scratch_operands = 5 : i64, tpu.core_type = #tpu.core_type<sc_vector_subcore>, window_params = [{transform_indices = #map}, {transform_indices = #map1}, {transform_indices = #map1}, {transform_indices = #map1}]} {
    %mul3A = arith.constant 16 : i32
    %mul3A_0 = arith.muli %arg0, %mul3A : i32
    %add3A = arith.addi %mul3A_0, %arg1 : i32
    %scan3A = arith.constant 0 : i32
    %scan3A_1 = arith.constant 96 : i32
    %scan3A_2 = arith.addi %scan3A, %scan3A_1 : i32
    %scan3A_3 = arith.constant 1 : i32
    scf.for %scan3A_33 = %scan3A to %scan3A_2 step %scan3A_3  : i32 {
      %broadcast_in_dim3A = arith.constant 0.000000e+00 : f32
      %broadcast_in_dim3A_34 = vector.broadcast %broadcast_in_dim3A : f32 to vector<16xf32>
      %swap3A = arith.constant 0 : i32
      %swap3A_35 = arith.index_cast %swap3A : i32 to index
      %swap3A_36 = arith.index_cast %scan3A_33 : i32 to index
      %swap3A_37 = arith.constant 0 : index
      %swap3A_38 = tpu.vector_load %arg8[%swap3A_35, %swap3A_36, %swap3A_37] {strides = array<i32>} : memref<2x96x128xf32, #tpu.memory_space<vmem>>, vector<1x1x16xf32>,
      %swap3A_39 = vector.shape_cast %swap3A_38 : vector<1x1x16xf32> to vector<16xf32>
      %swap3A_40 = vector.shape_cast %broadcast_in_dim3A_34 : vector<16xf32> to vector<1x1x16xf32>
      tpu.vector_store %arg8[%swap3A_35, %swap3A_36, %swap3A_37], %swap3A_40 {strides = array<i32>} : memref<2x96x128xf32, #tpu.memory_space<vmem>>, vector<1x1x16xf32>,
      %broadcast_in_dim3A_41 = arith.constant 0.000000e+00 : f32
      %broadcast_in_dim3A_42 = vector.broadcast %broadcast_in_dim3A_41 : f32 to vector<16xf32>
      %swap3A_43 = arith.constant 0 : i32
      %swap3A_44 = arith.index_cast %swap3A_43 : i32 to index
      %swap3A_45 = arith.index_cast %scan3A_33 : i32 to index
      %swap3A_46 = arith.constant 16 : index
      %swap3A_47 = tpu.vector_load %arg8[%swap3A_44, %swap3A_45, %swap3A_46] {strides = array<i32>} : memref<2x96x128xf32, #tpu.memory_space<vmem>>, vector<1x1x16xf32>,
      %swap3A_48 = vector.shape_cast %swap3A_47 : vector<1x1x16xf32> to vector<16xf32>
      %swap3A_49 = vector.shape_cast %broadcast_in_dim3A_42 : vector<16xf32> to vector<1x1x16xf32>
      tpu.vector_store %arg8[%swap3A_44, %swap3A_45, %swap3A_46], %swap3A_49 {strides = array<i32>} : memref<2x96x128xf32, #tpu.memory_space<vmem>>, vector<1x1x16xf32>,
      %broadcast_in_dim3A_50 = arith.constant 0.000000e+00 : f32
      %broadcast_in_dim3A_51 = vector.broadcast %broadcast_in_dim3A_50 : f32 to vector<16xf32>
      %swap3A_52 = arith.constant 0 : i32
      %swap3A_53 = arith.index_cast %swap3A_52 : i32 to index
      %swap3A_54 = arith.index_cast %scan3A_33 : i32 to index
      %swap3A_55 = arith.constant 32 : index
      %swap3A_56 = tpu.vector_load %arg8[%swap3A_53, %swap3A_54, %swap3A_55] {strides = array<i32>} : memref<2x96x128xf32, #tpu.memory_space<vmem>>, vector<1x1x16xf32>,
      %swap3A_57 = vector.shape_cast %swap3A_56 : vector<1x1x16xf32> to vector<16xf32>
      %swap3A_58 = vector.shape_cast %broadcast_in_dim3A_51 : vector<16xf32> to vector<1x1x16xf32>
      tpu.vector_store %arg8[%swap3A_53, %swap3A_54, %swap3A_55], %swap3A_58 {strides = array<i32>} : memref<2x96x128xf32, #tpu.memory_space<vmem>>, vector<1x1x16xf32>,
      %broadcast_in_dim3A_59 = arith.constant 0.000000e+00 : f32
      %broadcast_in_dim3A_60 = vector.broadcast %broadcast_in_dim3A_59 : f32 to vector<16xf32>
      %swap3A_61 = arith.constant 0 : i32
      %swap3A_62 = arith.index_cast %swap3A_61 : i32 to index
      %swap3A_63 = arith.index_cast %scan3A_33 : i32 to index
      %swap3A_64 = arith.constant 48 : index
      %swap3A_65 = tpu.vector_load %arg8[%swap3A_62, %swap3A_63, %swap3A_64] {strides = array<i32>} : memref<2x96x128xf32, #tpu.memory_space<vmem>>, vector<1x1x16xf32>,
      %swap3A_66 = vector.shape_cast %swap3A_65 : vector<1x1x16xf32> to vector<16xf32>
      %swap3A_67 = vector.shape_cast %broadcast_in_dim3A_60 : vector<16xf32> to vector<1x1x16xf32>
      tpu.vector_store %arg8[%swap3A_62, %swap3A_63, %swap3A_64], %swap3A_67 {strides = array<i32>} : memref<2x96x128xf32, #tpu.memory_space<vmem>>, vector<1x1x16xf32>,
      %broadcast_in_dim3A_68 = arith.constant 0.000000e+00 : f32
      %broadcast_in_dim3A_69 = vector.broadcast %broadcast_in_dim3A_68 : f32 to vector<16xf32>
      %swap3A_70 = arith.constant 0 : i32
      %swap3A_71 = arith.index_cast %swap3A_70 : i32 to index
      %swap3A_72 = arith.index_cast %scan3A_33 : i32 to index
      %swap3A_73 = arith.constant 64 : index
      %swap3A_74 = tpu.vector_load %arg8[%swap3A_71, %swap3A_72, %swap3A_73] {strides = array<i32>} : memref<2x96x128xf32, #tpu.memory_space<vmem>>, vector<1x1x16xf32>,
      %swap3A_75 = vector.shape_cast %swap3A_74 : vector<1x1x16xf32> to vector<16xf32>
      %swap3A_76 = vector.shape_cast %broadcast_in_dim3A_69 : vector<16xf32> to vector<1x1x16xf32>
      tpu.vector_store %arg8[%swap3A_71, %swap3A_72, %swap3A_73], %swap3A_76 {strides = array<i32>} : memref<2x96x128xf32, #tpu.memory_space<vmem>>, vector<1x1x16xf32>,
      %broadcast_in_dim3A_77 = arith.constant 0.000000e+00 : f32
      %broadcast_in_dim3A_78 = vector.broadcast %broadcast_in_dim3A_77 : f32 to vector<16xf32>
      %swap3A_79 = arith.constant 0 : i32
      %swap3A_80 = arith.index_cast %swap3A_79 : i32 to index
      %swap3A_81 = arith.index_cast %scan3A_33 : i32 to index
      %swap3A_82 = arith.constant 80 : index
      %swap3A_83 = tpu.vector_load %arg8[%swap3A_80, %swap3A_81, %swap3A_82] {strides = array<i32>} : memref<2x96x128xf32, #tpu.memory_space<vmem>>, vector<1x1x16xf32>,
      %swap3A_84 = vector.shape_cast %swap3A_83 : vector<1x1x16xf32> to vector<16xf32>
      %swap3A_85 = vector.shape_cast %broadcast_in_dim3A_78 : vector<16xf32> to vector<1x1x16xf32>
      tpu.vector_store %arg8[%swap3A_80, %swap3A_81, %swap3A_82], %swap3A_85 {strides = array<i32>} : memref<2x96x128xf32, #tpu.memory_space<vmem>>, vector<1x1x16xf32>,
      %broadcast_in_dim3A_86 = arith.constant 0.000000e+00 : f32
      %broadcast_in_dim3A_87 = vector.broadcast %broadcast_in_dim3A_86 : f32 to vector<16xf32>
      %swap3A_88 = arith.constant 0 : i32
      %swap3A_89 = arith.index_cast %swap3A_88 : i32 to index
      %swap3A_90 = arith.index_cast %scan3A_33 : i32 to index
      %swap3A_91 = arith.constant 96 : index
      %swap3A_92 = tpu.vector_load %arg8[%swap3A_89, %swap3A_90, %swap3A_91] {strides = array<i32>} : memref<2x96x128xf32, #tpu.memory_space<vmem>>, vector<1x1x16xf32>,
      %swap3A_93 = vector.shape_cast %swap3A_92 : vector<1x1x16xf32> to vector<16xf32>
      %swap3A_94 = vector.shape_cast %broadcast_in_dim3A_87 : vector<16xf32> to vector<1x1x16xf32>
      tpu.vector_store %arg8[%swap3A_89, %swap3A_90, %swap3A_91], %swap3A_94 {strides = array<i32>} : memref<2x96x128xf32, #tpu.memory_space<vmem>>, vector<1x1x16xf32>,
      %broadcast_in_dim3A_95 = arith.constant 0.000000e+00 : f32
      %broadcast_in_dim3A_96 = vector.broadcast %broadcast_in_dim3A_95 : f32 to vector<16xf32>
      %swap3A_97 = arith.constant 0 : i32
      %swap3A_98 = arith.index_cast %swap3A_97 : i32 to index
      %swap3A_99 = arith.index_cast %scan3A_33 : i32 to index
      %swap3A_100 = arith.constant 112 : index
      %swap3A_101 = tpu.vector_load %arg8[%swap3A_98, %swap3A_99, %swap3A_100] {strides = array<i32>} : memref<2x96x128xf32, #tpu.memory_space<vmem>>, vector<1x1x16xf32>,
      %swap3A_102 = vector.shape_cast %swap3A_101 : vector<1x1x16xf32> to vector<16xf32>
      %swap3A_103 = vector.shape_cast %broadcast_in_dim3A_96 : vector<16xf32> to vector<1x1x16xf32>
      tpu.vector_store %arg8[%swap3A_98, %swap3A_99, %swap3A_100], %swap3A_103 {strides = array<i32>} : memref<2x96x128xf32, #tpu.memory_space<vmem>>, vector<1x1x16xf32>,
    }
    %scan3A_4 = arith.constant 96 : i32
    "tpu.region"() ({
      %run_scoped3A_33 = tpu.sem_alloc : memref<!tpu.dma_semaphore, #tpu.memory_space<semaphore_mem>>
      %dma_start3A = arith.constant 0 : i32
      %dma_start3A_34 = arith.constant 0 : i32
      %dma_start3A_35 = tpu.memref_slice %arg3[%add3A, %dma_start3A, %dma_start3A_34] : memref<32x106x96xi32, #tpu.memory_space<hbm>> -> memref<1x106x96xi32, #tpu.memory_space<hbm>>
      %dma_start3A_36 = tpu.memref_squeeze %dma_start3A_35 : memref<1x106x96xi32, #tpu.memory_space<hbm>> -> memref<106x96xi32, #tpu.memory_space<hbm>>
      %dma_start3A_37 = arith.constant 0 : i32
      %dma_start3A_38 = arith.constant 0 : i32
      %dma_start3A_39 = tpu.memref_slice %arg3[%add3A, %dma_start3A_37, %dma_start3A_38] : memref<32x106x96xi32, #tpu.memory_space<hbm>> -> memref<1x106x96xi32, #tpu.memory_space<hbm>>
      %dma_start3A_40 = tpu.memref_squeeze %dma_start3A_39 : memref<1x106x96xi32, #tpu.memory_space<hbm>> -> memref<106x96xi32, #tpu.memory_space<hbm>>
      tpu.enqueue_dma source(%dma_start3A_40 : memref<106x96xi32, #tpu.memory_space<hbm>>) target(%arg6 : memref<106x96xi32, #tpu.memory_space<vmem>>) target_semaphore(%run_scoped3A_33 : memref<!tpu.dma_semaphore, #tpu.memory_space<semaphore_mem>>)
      %dma_wait3A = arith.constant 0 : i32
      %dma_wait3A_41 = arith.constant 0 : i32
      %dma_wait3A_42 = tpu.memref_slice %arg3[%add3A, %dma_wait3A, %dma_wait3A_41] : memref<32x106x96xi32, #tpu.memory_space<hbm>> -> memref<1x106x96xi32, #tpu.memory_space<hbm>>
      %dma_wait3A_43 = tpu.memref_squeeze %dma_wait3A_42 : memref<1x106x96xi32, #tpu.memory_space<hbm>> -> memref<106x96xi32, #tpu.memory_space<hbm>>
      %dma_wait3A_44 = arith.constant 0 : i32
      %dma_wait3A_45 = arith.constant 0 : i32
      %dma_wait3A_46 = tpu.memref_slice %arg3[%add3A, %dma_wait3A_44, %dma_wait3A_45] : memref<32x106x96xi32, #tpu.memory_space<hbm>> -> memref<1x106x96xi32, #tpu.memory_space<hbm>>
      %dma_wait3A_47 = tpu.memref_squeeze %dma_wait3A_46 : memref<1x106x96xi32, #tpu.memory_space<hbm>> -> memref<106x96xi32, #tpu.memory_space<hbm>>
      tpu.wait_dma2 semaphore(%run_scoped3A_33 : memref<!tpu.dma_semaphore, #tpu.memory_space<semaphore_mem>>) src(%dma_wait3A_47 : memref<106x96xi32, #tpu.memory_space<hbm>>) dst(%arg6 : memref<106x96xi32, #tpu.memory_space<vmem>>)
      tpu.yield
    }) : () -> ()
    "tpu.region"() ({
      %run_scoped3A_33 = tpu.sem_alloc : memref<!tpu.dma_semaphore, #tpu.memory_space<semaphore_mem>>
      %dma_start3A = arith.constant 0 : i32
      %dma_start3A_34 = arith.constant 0 : i32
      %dma_start3A_35 = tpu.memref_slice %arg4[%add3A, %dma_start3A, %dma_start3A_34] : memref<32x106x96xi32, #tpu.memory_space<hbm>> -> memref<1x106x96xi32, #tpu.memory_space<hbm>>
      %dma_start3A_36 = tpu.memref_squeeze %dma_start3A_35 : memref<1x106x96xi32, #tpu.memory_space<hbm>> -> memref<106x96xi32, #tpu.memory_space<hbm>>
      %dma_start3A_37 = arith.constant 0 : i32
      %dma_start3A_38 = arith.constant 0 : i32
      %dma_start3A_39 = tpu.memref_slice %arg4[%add3A, %dma_start3A_37, %dma_start3A_38] : memref<32x106x96xi32, #tpu.memory_space<hbm>> -> memref<1x106x96xi32, #tpu.memory_space<hbm>>
      %dma_start3A_40 = tpu.memref_squeeze %dma_start3A_39 : memref<1x106x96xi32, #tpu.memory_space<hbm>> -> memref<106x96xi32, #tpu.memory_space<hbm>>
      tpu.enqueue_dma source(%dma_start3A_40 : memref<106x96xi32, #tpu.memory_space<hbm>>) target(%arg7 : memref<106x96xi32, #tpu.memory_space<vmem>>) target_semaphore(%run_scoped3A_33 : memref<!tpu.dma_semaphore, #tpu.memory_space<semaphore_mem>>)
      %dma_wait3A = arith.constant 0 : i32
      %dma_wait3A_41 = arith.constant 0 : i32
      %dma_wait3A_42 = tpu.memref_slice %arg4[%add3A, %dma_wait3A, %dma_wait3A_41] : memref<32x106x96xi32, #tpu.memory_space<hbm>> -> memref<1x106x96xi32, #tpu.memory_space<hbm>>
      %dma_wait3A_43 = tpu.memref_squeeze %dma_wait3A_42 : memref<1x106x96xi32, #tpu.memory_space<hbm>> -> memref<106x96xi32, #tpu.memory_space<hbm>>
      %dma_wait3A_44 = arith.constant 0 : i32
      %dma_wait3A_45 = arith.constant 0 : i32
      %dma_wait3A_46 = tpu.memref_slice %arg4[%add3A, %dma_wait3A_44, %dma_wait3A_45] : memref<32x106x96xi32, #tpu.memory_space<hbm>> -> memref<1x106x96xi32, #tpu.memory_space<hbm>>
      %dma_wait3A_47 = tpu.memref_squeeze %dma_wait3A_46 : memref<1x106x96xi32, #tpu.memory_space<hbm>> -> memref<106x96xi32, #tpu.memory_space<hbm>>
      tpu.wait_dma2 semaphore(%run_scoped3A_33 : memref<!tpu.dma_semaphore, #tpu.memory_space<semaphore_mem>>) src(%dma_wait3A_47 : memref<106x96xi32, #tpu.memory_space<hbm>>) dst(%arg7 : memref<106x96xi32, #tpu.memory_space<vmem>>)
      tpu.yield
    }) : () -> ()
    %mul3A_5 = arith.constant 640 : i32
    %mul3A_6 = arith.muli %arg1, %mul3A_5 : i32
    %add3A_7 = arith.constant 0 : i32
    %add3A_8 = arith.addi %mul3A_6, %add3A_7 : i32
    %run_scoped3A = arith.constant 0 : i32
    "tpu.region"() ({
      %run_scoped3A_33 = tpu.sem_alloc : memref<!tpu.dma_semaphore, #tpu.memory_space<semaphore_mem>>
      %dma_start3A = arith.constant 0 : i32
      %dma_start3A_34 = arith.constant 0 : i32
      %dma_start3A_35 = tpu.memref_slice %arg8[%run_scoped3A, %dma_start3A, %dma_start3A_34] : memref<2x96x128xf32, #tpu.memory_space<vmem>> -> memref<1x96x128xf32, #tpu.memory_space<vmem>>
      %dma_start3A_36 = tpu.memref_squeeze %dma_start3A_35 : memref<1x96x128xf32, #tpu.memory_space<vmem>> -> memref<96x128xf32, #tpu.memory_space<vmem>>
      %dma_start3A_37 = arith.constant 0 : i32
      %dma_start3A_38 = tpu.memref_slice %arg9[%add3A_8, %dma_start3A_37] : memref<10240x128xf32, #tpu.memory_space<vmem_shared>> -> memref<96x128xf32, #tpu.memory_space<vmem_shared>>
      %dma_start3A_39 = arith.constant 0 : i32
      %dma_start3A_40 = tpu.memref_slice %arg9[%add3A_8, %dma_start3A_39] : memref<10240x128xf32, #tpu.memory_space<vmem_shared>> -> memref<96x128xf32, #tpu.memory_space<vmem_shared>>
      %dma_start3A_41 = arith.constant 0 : i32
      %dma_start3A_42 = arith.constant 0 : i32
      %dma_start3A_43 = tpu.memref_slice %arg8[%run_scoped3A, %dma_start3A_41, %dma_start3A_42] : memref<2x96x128xf32, #tpu.memory_space<vmem>> -> memref<1x96x128xf32, #tpu.memory_space<vmem>>
      %dma_start3A_44 = tpu.memref_squeeze %dma_start3A_43 : memref<1x96x128xf32, #tpu.memory_space<vmem>> -> memref<96x128xf32, #tpu.memory_space<vmem>>
      tpu.enqueue_dma source(%dma_start3A_44 : memref<96x128xf32, #tpu.memory_space<vmem>>) target(%dma_start3A_40 : memref<96x128xf32, #tpu.memory_space<vmem_shared>>) target_semaphore(%run_scoped3A_33 : memref<!tpu.dma_semaphore, #tpu.memory_space<semaphore_mem>>)
      %dma_wait3A = arith.constant 0 : i32
      %dma_wait3A_45 = arith.constant 0 : i32
      %dma_wait3A_46 = tpu.memref_slice %arg8[%run_scoped3A, %dma_wait3A, %dma_wait3A_45] : memref<2x96x128xf32, #tpu.memory_space<vmem>> -> memref<1x96x128xf32, #tpu.memory_space<vmem>>
      %dma_wait3A_47 = tpu.memref_squeeze %dma_wait3A_46 : memref<1x96x128xf32, #tpu.memory_space<vmem>> -> memref<96x128xf32, #tpu.memory_space<vmem>>
      %dma_wait3A_48 = arith.constant 0 : i32
      %dma_wait3A_49 = tpu.memref_slice %arg9[%add3A_8, %dma_wait3A_48] : memref<10240x128xf32, #tpu.memory_space<vmem_shared>> -> memref<96x128xf32, #tpu.memory_space<vmem_shared>>
      %dma_wait3A_50 = arith.constant 0 : i32
      %dma_wait3A_51 = tpu.memref_slice %arg9[%add3A_8, %dma_wait3A_50] : memref<10240x128xf32, #tpu.memory_space<vmem_shared>> -> memref<96x128xf32, #tpu.memory_space<vmem_shared>>
      %dma_wait3A_52 = arith.constant 0 : i32
      %dma_wait3A_53 = arith.constant 0 : i32
      %dma_wait3A_54 = tpu.memref_slice %arg8[%run_scoped3A, %dma_wait3A_52, %dma_wait3A_53] : memref<2x96x128xf32, #tpu.memory_space<vmem>> -> memref<1x96x128xf32, #tpu.memory_space<vmem>>
      %dma_wait3A_55 = tpu.memref_squeeze %dma_wait3A_54 : memref<1x96x128xf32, #tpu.memory_space<vmem>> -> memref<96x128xf32, #tpu.memory_space<vmem>>
      tpu.wait_dma2 semaphore(%run_scoped3A_33 : memref<!tpu.dma_semaphore, #tpu.memory_space<semaphore_mem>>) src(%dma_wait3A_55 : memref<96x128xf32, #tpu.memory_space<vmem>>) dst(%dma_wait3A_51 : memref<96x128xf32, #tpu.memory_space<vmem_shared>>)
      tpu.yield
    }) : () -> ()
    %add3A_9 = arith.constant 96 : i32
    %add3A_10 = arith.addi %mul3A_6, %add3A_9 : i32
    %run_scoped3A_11 = arith.constant 0 : i32
    "tpu.region"() ({
      %run_scoped3A_33 = tpu.sem_alloc : memref<!tpu.dma_semaphore, #tpu.memory_space<semaphore_mem>>
      %dma_start3A = arith.constant 0 : i32
      %dma_start3A_34 = arith.constant 0 : i32
      %dma_start3A_35 = tpu.memref_slice %arg8[%run_scoped3A_11, %dma_start3A, %dma_start3A_34] : memref<2x96x128xf32, #tpu.memory_space<vmem>> -> memref<1x96x128xf32, #tpu.memory_space<vmem>>
      %dma_start3A_36 = tpu.memref_squeeze %dma_start3A_35 : memref<1x96x128xf32, #tpu.memory_space<vmem>> -> memref<96x128xf32, #tpu.memory_space<vmem>>
      %dma_start3A_37 = arith.constant 0 : i32
      %dma_start3A_38 = tpu.memref_slice %arg9[%add3A_10, %dma_start3A_37] : memref<10240x128xf32, #tpu.memory_space<vmem_shared>> -> memref<96x128xf32, #tpu.memory_space<vmem_shared>>
      %dma_start3A_39 = arith.constant 0 : i32
      %dma_start3A_40 = tpu.memref_slice %arg9[%add3A_10, %dma_start3A_39] : memref<10240x128xf32, #tpu.memory_space<vmem_shared>> -> memref<96x128xf32, #tpu.memory_space<vmem_shared>>
      %dma_start3A_41 = arith.constant 0 : i32
      %dma_start3A_42 = arith.constant 0 : i32
      %dma_start3A_43 = tpu.memref_slice %arg8[%run_scoped3A_11, %dma_start3A_41, %dma_start3A_42] : memref<2x96x128xf32, #tpu.memory_space<vmem>> -> memref<1x96x128xf32, #tpu.memory_space<vmem>>
      %dma_start3A_44 = tpu.memref_squeeze %dma_start3A_43 : memref<1x96x128xf32, #tpu.memory_space<vmem>> -> memref<96x128xf32, #tpu.memory_space<vmem>>
      tpu.enqueue_dma source(%dma_start3A_44 : memref<96x128xf32, #tpu.memory_space<vmem>>) target(%dma_start3A_40 : memref<96x128xf32, #tpu.memory_space<vmem_shared>>) target_semaphore(%run_scoped3A_33 : memref<!tpu.dma_semaphore, #tpu.memory_space<semaphore_mem>>)
      %dma_wait3A = arith.constant 0 : i32
      %dma_wait3A_45 = arith.constant 0 : i32
      %dma_wait3A_46 = tpu.memref_slice %arg8[%run_scoped3A_11, %dma_wait3A, %dma_wait3A_45] : memref<2x96x128xf32, #tpu.memory_space<vmem>> -> memref<1x96x128xf32, #tpu.memory_space<vmem>>
      %dma_wait3A_47 = tpu.memref_squeeze %dma_wait3A_46 : memref<1x96x128xf32, #tpu.memory_space<vmem>> -> memref<96x128xf32, #tpu.memory_space<vmem>>
      %dma_wait3A_48 = arith.constant 0 : i32
      %dma_wait3A_49 = tpu.memref_slice %arg9[%add3A_10, %dma_wait3A_48] : memref<10240x128xf32, #tpu.memory_space<vmem_shared>> -> memref<96x128xf32, #tpu.memory_space<vmem_shared>>
      %dma_wait3A_50 = arith.constant 0 : i32
      %dma_wait3A_51 = tpu.memref_slice %arg9[%add3A_10, %dma_wait3A_50] : memref<10240x128xf32, #tpu.memory_space<vmem_shared>> -> memref<96x128xf32, #tpu.memory_space<vmem_shared>>
      %dma_wait3A_52 = arith.constant 0 : i32
      %dma_wait3A_53 = arith.constant 0 : i32
      %dma_wait3A_54 = tpu.memref_slice %arg8[%run_scoped3A_11, %dma_wait3A_52, %dma_wait3A_53] : memref<2x96x128xf32, #tpu.memory_space<vmem>> -> memref<1x96x128xf32, #tpu.memory_space<vmem>>
      %dma_wait3A_55 = tpu.memref_squeeze %dma_wait3A_54 : memref<1x96x128xf32, #tpu.memory_space<vmem>> -> memref<96x128xf32, #tpu.memory_space<vmem>>
      tpu.wait_dma2 semaphore(%run_scoped3A_33 : memref<!tpu.dma_semaphore, #tpu.memory_space<semaphore_mem>>) src(%dma_wait3A_55 : memref<96x128xf32, #tpu.memory_space<vmem>>) dst(%dma_wait3A_51 : memref<96x128xf32, #tpu.memory_space<vmem_shared>>)
      tpu.yield
    }) : () -> ()
    %add3A_12 = arith.constant 192 : i32
    %add3A_13 = arith.addi %mul3A_6, %add3A_12 : i32
    %run_scoped3A_14 = arith.constant 0 : i32
    "tpu.region"() ({
      %run_scoped3A_33 = tpu.sem_alloc : memref<!tpu.dma_semaphore, #tpu.memory_space<semaphore_mem>>
      %dma_start3A = arith.constant 0 : i32
      %dma_start3A_34 = arith.constant 0 : i32
      %dma_start3A_35 = tpu.memref_slice %arg8[%run_scoped3A_14, %dma_start3A, %dma_start3A_34] : memref<2x96x128xf32, #tpu.memory_space<vmem>> -> memref<1x96x128xf32, #tpu.memory_space<vmem>>
      %dma_start3A_36 = tpu.memref_squeeze %dma_start3A_35 : memref<1x96x128xf32, #tpu.memory_space<vmem>> -> memref<96x128xf32, #tpu.memory_space<vmem>>
      %dma_start3A_37 = arith.constant 0 : i32
      %dma_start3A_38 = tpu.memref_slice %arg9[%add3A_13, %dma_start3A_37] : memref<10240x128xf32, #tpu.memory_space<vmem_shared>> -> memref<96x128xf32, #tpu.memory_space<vmem_shared>>
      %dma_start3A_39 = arith.constant 0 : i32
      %dma_start3A_40 = tpu.memref_slice %arg9[%add3A_13, %dma_start3A_39] : memref<10240x128xf32, #tpu.memory_space<vmem_shared>> -> memref<96x128xf32, #tpu.memory_space<vmem_shared>>
      %dma_start3A_41 = arith.constant 0 : i32
      %dma_start3A_42 = arith.constant 0 : i32
      %dma_start3A_43 = tpu.memref_slice %arg8[%run_scoped3A_14, %dma_start3A_41, %dma_start3A_42] : memref<2x96x128xf32, #tpu.memory_space<vmem>> -> memref<1x96x128xf32, #tpu.memory_space<vmem>>
      %dma_start3A_44 = tpu.memref_squeeze %dma_start3A_43 : memref<1x96x128xf32, #tpu.memory_space<vmem>> -> memref<96x128xf32, #tpu.memory_space<vmem>>
      tpu.enqueue_dma source(%dma_start3A_44 : memref<96x128xf32, #tpu.memory_space<vmem>>) target(%dma_start3A_40 : memref<96x128xf32, #tpu.memory_space<vmem_shared>>) target_semaphore(%run_scoped3A_33 : memref<!tpu.dma_semaphore, #tpu.memory_space<semaphore_mem>>)
      %dma_wait3A = arith.constant 0 : i32
      %dma_wait3A_45 = arith.constant 0 : i32
      %dma_wait3A_46 = tpu.memref_slice %arg8[%run_scoped3A_14, %dma_wait3A, %dma_wait3A_45] : memref<2x96x128xf32, #tpu.memory_space<vmem>> -> memref<1x96x128xf32, #tpu.memory_space<vmem>>
      %dma_wait3A_47 = tpu.memref_squeeze %dma_wait3A_46 : memref<1x96x128xf32, #tpu.memory_space<vmem>> -> memref<96x128xf32, #tpu.memory_space<vmem>>
      %dma_wait3A_48 = arith.constant 0 : i32
      %dma_wait3A_49 = tpu.memref_slice %arg9[%add3A_13, %dma_wait3A_48] : memref<10240x128xf32, #tpu.memory_space<vmem_shared>> -> memref<96x128xf32, #tpu.memory_space<vmem_shared>>
      %dma_wait3A_50 = arith.constant 0 : i32
      %dma_wait3A_51 = tpu.memref_slice %arg9[%add3A_13, %dma_wait3A_50] : memref<10240x128xf32, #tpu.memory_space<vmem_shared>> -> memref<96x128xf32, #tpu.memory_space<vmem_shared>>
      %dma_wait3A_52 = arith.constant 0 : i32
      %dma_wait3A_53 = arith.constant 0 : i32
      %dma_wait3A_54 = tpu.memref_slice %arg8[%run_scoped3A_14, %dma_wait3A_52, %dma_wait3A_53] : memref<2x96x128xf32, #tpu.memory_space<vmem>> -> memref<1x96x128xf32, #tpu.memory_space<vmem>>
      %dma_wait3A_55 = tpu.memref_squeeze %dma_wait3A_54 : memref<1x96x128xf32, #tpu.memory_space<vmem>> -> memref<96x128xf32, #tpu.memory_space<vmem>>
      tpu.wait_dma2 semaphore(%run_scoped3A_33 : memref<!tpu.dma_semaphore, #tpu.memory_space<semaphore_mem>>) src(%dma_wait3A_55 : memref<96x128xf32, #tpu.memory_space<vmem>>) dst(%dma_wait3A_51 : memref<96x128xf32, #tpu.memory_space<vmem_shared>>)
      tpu.yield
    }) : () -> ()
    %add3A_15 = arith.constant 288 : i32
    %add3A_16 = arith.addi %mul3A_6, %add3A_15 : i32
    %run_scoped3A_17 = arith.constant 0 : i32
    "tpu.region"() ({
      %run_scoped3A_33 = tpu.sem_alloc : memref<!tpu.dma_semaphore, #tpu.memory_space<semaphore_mem>>
      %dma_start3A = arith.constant 0 : i32
      %dma_start3A_34 = arith.constant 0 : i32
      %dma_start3A_35 = tpu.memref_slice %arg8[%run_scoped3A_17, %dma_start3A, %dma_start3A_34] : memref<2x96x128xf32, #tpu.memory_space<vmem>> -> memref<1x96x128xf32, #tpu.memory_space<vmem>>
      %dma_start3A_36 = tpu.memref_squeeze %dma_start3A_35 : memref<1x96x128xf32, #tpu.memory_space<vmem>> -> memref<96x128xf32, #tpu.memory_space<vmem>>
      %dma_start3A_37 = arith.constant 0 : i32
      %dma_start3A_38 = tpu.memref_slice %arg9[%add3A_16, %dma_start3A_37] : memref<10240x128xf32, #tpu.memory_space<vmem_shared>> -> memref<96x128xf32, #tpu.memory_space<vmem_shared>>
      %dma_start3A_39 = arith.constant 0 : i32
      %dma_start3A_40 = tpu.memref_slice %arg9[%add3A_16, %dma_start3A_39] : memref<10240x128xf32, #tpu.memory_space<vmem_shared>> -> memref<96x128xf32, #tpu.memory_space<vmem_shared>>
      %dma_start3A_41 = arith.constant 0 : i32
      %dma_start3A_42 = arith.constant 0 : i32
      %dma_start3A_43 = tpu.memref_slice %arg8[%run_scoped3A_17, %dma_start3A_41, %dma_start3A_42] : memref<2x96x128xf32, #tpu.memory_space<vmem>> -> memref<1x96x128xf32, #tpu.memory_space<vmem>>
      %dma_start3A_44 = tpu.memref_squeeze %dma_start3A_43 : memref<1x96x128xf32, #tpu.memory_space<vmem>> -> memref<96x128xf32, #tpu.memory_space<vmem>>
      tpu.enqueue_dma source(%dma_start3A_44 : memref<96x128xf32, #tpu.memory_space<vmem>>) target(%dma_start3A_40 : memref<96x128xf32, #tpu.memory_space<vmem_shared>>) target_semaphore(%run_scoped3A_33 : memref<!tpu.dma_semaphore, #tpu.memory_space<semaphore_mem>>)
      %dma_wait3A = arith.constant 0 : i32
      %dma_wait3A_45 = arith.constant 0 : i32
      %dma_wait3A_46 = tpu.memref_slice %arg8[%run_scoped3A_17, %dma_wait3A, %dma_wait3A_45] : memref<2x96x128xf32, #tpu.memory_space<vmem>> -> memref<1x96x128xf32, #tpu.memory_space<vmem>>
      %dma_wait3A_47 = tpu.memref_squeeze %dma_wait3A_46 : memref<1x96x128xf32, #tpu.memory_space<vmem>> -> memref<96x128xf32, #tpu.memory_space<vmem>>
      %dma_wait3A_48 = arith.constant 0 : i32
      %dma_wait3A_49 = tpu.memref_slice %arg9[%add3A_16, %dma_wait3A_48] : memref<10240x128xf32, #tpu.memory_space<vmem_shared>> -> memref<96x128xf32, #tpu.memory_space<vmem_shared>>
      %dma_wait3A_50 = arith.constant 0 : i32
      %dma_wait3A_51 = tpu.memref_slice %arg9[%add3A_16, %dma_wait3A_50] : memref<10240x128xf32, #tpu.memory_space<vmem_shared>> -> memref<96x128xf32, #tpu.memory_space<vmem_shared>>
      %dma_wait3A_52 = arith.constant 0 : i32
      %dma_wait3A_53 = arith.constant 0 : i32
      %dma_wait3A_54 = tpu.memref_slice %arg8[%run_scoped3A_17, %dma_wait3A_52, %dma_wait3A_53] : memref<2x96x128xf32, #tpu.memory_space<vmem>> -> memref<1x96x128xf32, #tpu.memory_space<vmem>>
      %dma_wait3A_55 = tpu.memref_squeeze %dma_wait3A_54 : memref<1x96x128xf32, #tpu.memory_space<vmem>> -> memref<96x128xf32, #tpu.memory_space<vmem>>
      tpu.wait_dma2 semaphore(%run_scoped3A_33 : memref<!tpu.dma_semaphore, #tpu.memory_space<semaphore_mem>>) src(%dma_wait3A_55 : memref<96x128xf32, #tpu.memory_space<vmem>>) dst(%dma_wait3A_51 : memref<96x128xf32, #tpu.memory_space<vmem_shared>>)
      tpu.yield
    }) : () -> ()
    %add3A_18 = arith.constant 384 : i32
    %add3A_19 = arith.addi %mul3A_6, %add3A_18 : i32
    %run_scoped3A_20 = arith.constant 0 : i32
    "tpu.region"() ({
      %run_scoped3A_33 = tpu.sem_alloc : memref<!tpu.dma_semaphore, #tpu.memory_space<semaphore_mem>>
      %dma_start3A = arith.constant 0 : i32
      %dma_start3A_34 = arith.constant 0 : i32
      %dma_start3A_35 = tpu.memref_slice %arg8[%run_scoped3A_20, %dma_start3A, %dma_start3A_34] : memref<2x96x128xf32, #tpu.memory_space<vmem>> -> memref<1x96x128xf32, #tpu.memory_space<vmem>>
      %dma_start3A_36 = tpu.memref_squeeze %dma_start3A_35 : memref<1x96x128xf32, #tpu.memory_space<vmem>> -> memref<96x128xf32, #tpu.memory_space<vmem>>
      %dma_start3A_37 = arith.constant 0 : i32
      %dma_start3A_38 = tpu.memref_slice %arg9[%add3A_19, %dma_start3A_37] : memref<10240x128xf32, #tpu.memory_space<vmem_shared>> -> memref<96x128xf32, #tpu.memory_space<vmem_shared>>
      %dma_start3A_39 = arith.constant 0 : i32
      %dma_start3A_40 = tpu.memref_slice %arg9[%add3A_19, %dma_start3A_39] : memref<10240x128xf32, #tpu.memory_space<vmem_shared>> -> memref<96x128xf32, #tpu.memory_space<vmem_shared>>
      %dma_start3A_41 = arith.constant 0 : i32
      %dma_start3A_42 = arith.constant 0 : i32
      %dma_start3A_43 = tpu.memref_slice %arg8[%run_scoped3A_20, %dma_start3A_41, %dma_start3A_42] : memref<2x96x128xf32, #tpu.memory_space<vmem>> -> memref<1x96x128xf32, #tpu.memory_space<vmem>>
      %dma_start3A_44 = tpu.memref_squeeze %dma_start3A_43 : memref<1x96x128xf32, #tpu.memory_space<vmem>> -> memref<96x128xf32, #tpu.memory_space<vmem>>
      tpu.enqueue_dma source(%dma_start3A_44 : memref<96x128xf32, #tpu.memory_space<vmem>>) target(%dma_start3A_40 : memref<96x128xf32, #tpu.memory_space<vmem_shared>>) target_semaphore(%run_scoped3A_33 : memref<!tpu.dma_semaphore, #tpu.memory_space<semaphore_mem>>)
      %dma_wait3A = arith.constant 0 : i32
      %dma_wait3A_45 = arith.constant 0 : i32
      %dma_wait3A_46 = tpu.memref_slice %arg8[%run_scoped3A_20, %dma_wait3A, %dma_wait3A_45] : memref<2x96x128xf32, #tpu.memory_space<vmem>> -> memref<1x96x128xf32, #tpu.memory_space<vmem>>
      %dma_wait3A_47 = tpu.memref_squeeze %dma_wait3A_46 : memref<1x96x128xf32, #tpu.memory_space<vmem>> -> memref<96x128xf32, #tpu.memory_space<vmem>>
      %dma_wait3A_48 = arith.constant 0 : i32
      %dma_wait3A_49 = tpu.memref_slice %arg9[%add3A_19, %dma_wait3A_48] : memref<10240x128xf32, #tpu.memory_space<vmem_shared>> -> memref<96x128xf32, #tpu.memory_space<vmem_shared>>
      %dma_wait3A_50 = arith.constant 0 : i32
      %dma_wait3A_51 = tpu.memref_slice %arg9[%add3A_19, %dma_wait3A_50] : memref<10240x128xf32, #tpu.memory_space<vmem_shared>> -> memref<96x128xf32, #tpu.memory_space<vmem_shared>>
      %dma_wait3A_52 = arith.constant 0 : i32
      %dma_wait3A_53 = arith.constant 0 : i32
      %dma_wait3A_54 = tpu.memref_slice %arg8[%run_scoped3A_20, %dma_wait3A_52, %dma_wait3A_53] : memref<2x96x128xf32, #tpu.memory_space<vmem>> -> memref<1x96x128xf32, #tpu.memory_space<vmem>>
      %dma_wait3A_55 = tpu.memref_squeeze %dma_wait3A_54 : memref<1x96x128xf32, #tpu.memory_space<vmem>> -> memref<96x128xf32, #tpu.memory_space<vmem>>
      tpu.wait_dma2 semaphore(%run_scoped3A_33 : memref<!tpu.dma_semaphore, #tpu.memory_space<semaphore_mem>>) src(%dma_wait3A_55 : memref<96x128xf32, #tpu.memory_space<vmem>>) dst(%dma_wait3A_51 : memref<96x128xf32, #tpu.memory_space<vmem_shared>>)
      tpu.yield
    }) : () -> ()
    %add3A_21 = arith.constant 480 : i32
    %add3A_22 = arith.addi %mul3A_6, %add3A_21 : i32
    %run_scoped3A_23 = arith.constant 0 : i32
    "tpu.region"() ({
      %run_scoped3A_33 = tpu.sem_alloc : memref<!tpu.dma_semaphore, #tpu.memory_space<semaphore_mem>>
      %dma_start3A = arith.constant 0 : i32
      %dma_start3A_34 = arith.constant 0 : i32
      %dma_start3A_35 = tpu.memref_slice %arg8[%run_scoped3A_23, %dma_start3A, %dma_start3A_34] : memref<2x96x128xf32, #tpu.memory_space<vmem>> -> memref<1x96x128xf32, #tpu.memory_space<vmem>>
      %dma_start3A_36 = tpu.memref_squeeze %dma_start3A_35 : memref<1x96x128xf32, #tpu.memory_space<vmem>> -> memref<96x128xf32, #tpu.memory_space<vmem>>
      %dma_start3A_37 = arith.constant 0 : i32
      %dma_start3A_38 = tpu.memref_slice %arg9[%add3A_22, %dma_start3A_37] : memref<10240x128xf32, #tpu.memory_space<vmem_shared>> -> memref<96x128xf32, #tpu.memory_space<vmem_shared>>
      %dma_start3A_39 = arith.constant 0 : i32
      %dma_start3A_40 = tpu.memref_slice %arg9[%add3A_22, %dma_start3A_39] : memref<10240x128xf32, #tpu.memory_space<vmem_shared>> -> memref<96x128xf32, #tpu.memory_space<vmem_shared>>
      %dma_start3A_41 = arith.constant 0 : i32
      %dma_start3A_42 = arith.constant 0 : i32
      %dma_start3A_43 = tpu.memref_slice %arg8[%run_scoped3A_23, %dma_start3A_41, %dma_start3A_42] : memref<2x96x128xf32, #tpu.memory_space<vmem>> -> memref<1x96x128xf32, #tpu.memory_space<vmem>>
      %dma_start3A_44 = tpu.memref_squeeze %dma_start3A_43 : memref<1x96x128xf32, #tpu.memory_space<vmem>> -> memref<96x128xf32, #tpu.memory_space<vmem>>
      tpu.enqueue_dma source(%dma_start3A_44 : memref<96x128xf32, #tpu.memory_space<vmem>>) target(%dma_start3A_40 : memref<96x128xf32, #tpu.memory_space<vmem_shared>>) target_semaphore(%run_scoped3A_33 : memref<!tpu.dma_semaphore, #tpu.memory_space<semaphore_mem>>)
      %dma_wait3A = arith.constant 0 : i32
      %dma_wait3A_45 = arith.constant 0 : i32
      %dma_wait3A_46 = tpu.memref_slice %arg8[%run_scoped3A_23, %dma_wait3A, %dma_wait3A_45] : memref<2x96x128xf32, #tpu.memory_space<vmem>> -> memref<1x96x128xf32, #tpu.memory_space<vmem>>
      %dma_wait3A_47 = tpu.memref_squeeze %dma_wait3A_46 : memref<1x96x128xf32, #tpu.memory_space<vmem>> -> memref<96x128xf32, #tpu.memory_space<vmem>>
      %dma_wait3A_48 = arith.constant 0 : i32
      %dma_wait3A_49 = tpu.memref_slice %arg9[%add3A_22, %dma_wait3A_48] : memref<10240x128xf32, #tpu.memory_space<vmem_shared>> -> memref<96x128xf32, #tpu.memory_space<vmem_shared>>
      %dma_wait3A_50 = arith.constant 0 : i32
      %dma_wait3A_51 = tpu.memref_slice %arg9[%add3A_22, %dma_wait3A_50] : memref<10240x128xf32, #tpu.memory_space<vmem_shared>> -> memref<96x128xf32, #tpu.memory_space<vmem_shared>>
      %dma_wait3A_52 = arith.constant 0 : i32
      %dma_wait3A_53 = arith.constant 0 : i32
      %dma_wait3A_54 = tpu.memref_slice %arg8[%run_scoped3A_23, %dma_wait3A_52, %dma_wait3A_53] : memref<2x96x128xf32, #tpu.memory_space<vmem>> -> memref<1x96x128xf32, #tpu.memory_space<vmem>>
      %dma_wait3A_55 = tpu.memref_squeeze %dma_wait3A_54 : memref<1x96x128xf32, #tpu.memory_space<vmem>> -> memref<96x128xf32, #tpu.memory_space<vmem>>
      tpu.wait_dma2 semaphore(%run_scoped3A_33 : memref<!tpu.dma_semaphore, #tpu.memory_space<semaphore_mem>>) src(%dma_wait3A_55 : memref<96x128xf32, #tpu.memory_space<vmem>>) dst(%dma_wait3A_51 : memref<96x128xf32, #tpu.memory_space<vmem_shared>>)
      tpu.yield
    }) : () -> ()
    %add3A_24 = arith.constant 576 : i32
    %add3A_25 = arith.addi %mul3A_6, %add3A_24 : i32
    %run_scoped3A_26 = arith.constant 0 : i32
    "tpu.region"() ({
      %run_scoped3A_33 = tpu.sem_alloc : memref<!tpu.dma_semaphore, #tpu.memory_space<semaphore_mem>>
      %dma_start3A = arith.constant 0 : i32
      %dma_start3A_34 = arith.constant 0 : i32
      %dma_start3A_35 = tpu.memref_slice %arg8[%run_scoped3A_26, %dma_start3A, %dma_start3A_34] : memref<2x96x128xf32, #tpu.memory_space<vmem>> -> memref<1x64x128xf32, #tpu.memory_space<vmem>>
      %dma_start3A_36 = tpu.memref_squeeze %dma_start3A_35 : memref<1x64x128xf32, #tpu.memory_space<vmem>> -> memref<64x128xf32, #tpu.memory_space<vmem>>
      %dma_start3A_37 = arith.constant 0 : i32
      %dma_start3A_38 = tpu.memref_slice %arg9[%add3A_25, %dma_start3A_37] : memref<10240x128xf32, #tpu.memory_space<vmem_shared>> -> memref<64x128xf32, #tpu.memory_space<vmem_shared>>
      %dma_start3A_39 = arith.constant 0 : i32
      %dma_start3A_40 = tpu.memref_slice %arg9[%add3A_25, %dma_start3A_39] : memref<10240x128xf32, #tpu.memory_space<vmem_shared>> -> memref<64x128xf32, #tpu.memory_space<vmem_shared>>
      %dma_start3A_41 = arith.constant 0 : i32
      %dma_start3A_42 = arith.constant 0 : i32
      %dma_start3A_43 = tpu.memref_slice %arg8[%run_scoped3A_26, %dma_start3A_41, %dma_start3A_42] : memref<2x96x128xf32, #tpu.memory_space<vmem>> -> memref<1x64x128xf32, #tpu.memory_space<vmem>>
      %dma_start3A_44 = tpu.memref_squeeze %dma_start3A_43 : memref<1x64x128xf32, #tpu.memory_space<vmem>> -> memref<64x128xf32, #tpu.memory_space<vmem>>
      tpu.enqueue_dma source(%dma_start3A_44 : memref<64x128xf32, #tpu.memory_space<vmem>>) target(%dma_start3A_40 : memref<64x128xf32, #tpu.memory_space<vmem_shared>>) target_semaphore(%run_scoped3A_33 : memref<!tpu.dma_semaphore, #tpu.memory_space<semaphore_mem>>)
      %dma_wait3A = arith.constant 0 : i32
      %dma_wait3A_45 = arith.constant 0 : i32
      %dma_wait3A_46 = tpu.memref_slice %arg8[%run_scoped3A_26, %dma_wait3A, %dma_wait3A_45] : memref<2x96x128xf32, #tpu.memory_space<vmem>> -> memref<1x64x128xf32, #tpu.memory_space<vmem>>
      %dma_wait3A_47 = tpu.memref_squeeze %dma_wait3A_46 : memref<1x64x128xf32, #tpu.memory_space<vmem>> -> memref<64x128xf32, #tpu.memory_space<vmem>>
      %dma_wait3A_48 = arith.constant 0 : i32
      %dma_wait3A_49 = tpu.memref_slice %arg9[%add3A_25, %dma_wait3A_48] : memref<10240x128xf32, #tpu.memory_space<vmem_shared>> -> memref<64x128xf32, #tpu.memory_space<vmem_shared>>
      %dma_wait3A_50 = arith.constant 0 : i32
      %dma_wait3A_51 = tpu.memref_slice %arg9[%add3A_25, %dma_wait3A_50] : memref<10240x128xf32, #tpu.memory_space<vmem_shared>> -> memref<64x128xf32, #tpu.memory_space<vmem_shared>>
      %dma_wait3A_52 = arith.constant 0 : i32
      %dma_wait3A_53 = arith.constant 0 : i32
      %dma_wait3A_54 = tpu.memref_slice %arg8[%run_scoped3A_26, %dma_wait3A_52, %dma_wait3A_53] : memref<2x96x128xf32, #tpu.memory_space<vmem>> -> memref<1x64x128xf32, #tpu.memory_space<vmem>>
      %dma_wait3A_55 = tpu.memref_squeeze %dma_wait3A_54 : memref<1x64x128xf32, #tpu.memory_space<vmem>> -> memref<64x128xf32, #tpu.memory_space<vmem>>
      tpu.wait_dma2 semaphore(%run_scoped3A_33 : memref<!tpu.dma_semaphore, #tpu.memory_space<semaphore_mem>>) src(%dma_wait3A_55 : memref<64x128xf32, #tpu.memory_space<vmem>>) dst(%dma_wait3A_51 : memref<64x128xf32, #tpu.memory_space<vmem_shared>>)
      tpu.yield
    }) : () -> ()
    %barrier3A = arith.constant 0 : index
    tpu.barrier barrier_id(%barrier3A)
    %scan3A_27 = arith.constant 0 : i32
    %scan3A_28 = arith.constant 106 : i32
    %scan3A_29 = arith.addi %scan3A_27, %scan3A_28 : i32
    %scan3A_30 = arith.constant 1 : i32
    scf.for %scan3A_33 = %scan3A_27 to %scan3A_29 step %scan3A_30  : i32 {
      %dma_start3A = arith.constant 0 : i32
      %dma_start3A_34 = arith.constant 0 : i32
      %dma_start3A_35 = arith.constant 0 : i32
      %dma_start3A_36 = arith.constant 0 : i32
      %dma_start3A_37 = tpu.memref_slice %arg8[%dma_start3A, %dma_start3A_35, %dma_start3A_36] : memref<2x96x128xf32, #tpu.memory_space<vmem>> -> memref<1x96x128xf32, #tpu.memory_space<vmem>>
      %dma_start3A_38 = tpu.memref_squeeze %dma_start3A_37 : memref<1x96x128xf32, #tpu.memory_space<vmem>> -> memref<96x128xf32, #tpu.memory_space<vmem>>
      %dma_start3A_39 = arith.constant 0 : i32
      %dma_start3A_40 = tpu.memref_slice %arg6[%scan3A_33, %dma_start3A_39] : memref<106x96xi32, #tpu.memory_space<vmem>> -> memref<1x96xi32, #tpu.memory_space<vmem>>
      %dma_start3A_41 = tpu.memref_squeeze %dma_start3A_40 : memref<1x96xi32, #tpu.memory_space<vmem>> -> memref<96xi32, #tpu.memory_space<vmem>>
      %dma_start3A_42 = arith.constant 0 : i32
      %dma_start3A_43 = arith.constant 0 : i32
      %dma_start3A_44 = tpu.memref_slice %arg2[%dma_start3A_42, %dma_start3A_43] : memref<10000x128xf32, #tpu.memory_space<hbm>> -> memref<10000x128xf32, #tpu.memory_space<hbm>>
      %dma_start3A_45 = tpu.memref_slice %arg10[%dma_start3A_34] : memref<2x!tpu.dma_semaphore, #tpu.memory_space<semaphore_mem>> -> memref<1x!tpu.dma_semaphore, #tpu.memory_space<semaphore_mem>>
      %dma_start3A_46 = tpu.memref_squeeze %dma_start3A_45 : memref<1x!tpu.dma_semaphore, #tpu.memory_space<semaphore_mem>> -> memref<!tpu.dma_semaphore, #tpu.memory_space<semaphore_mem>>
      tpu.enqueue_indirect_dma source(%dma_start3A_44 : memref<10000x128xf32, #tpu.memory_space<hbm>>) target(%dma_start3A_38 : memref<96x128xf32, #tpu.memory_space<vmem>>) offsets(%dma_start3A_41 : memref<96xi32, #tpu.memory_space<vmem>>) semaphore(%dma_start3A_46 : memref<!tpu.dma_semaphore, #tpu.memory_space<semaphore_mem>>)
      %dma_wait3A = arith.constant 0 : i32
      %dma_wait3A_47 = arith.constant 0 : i32
      %dma_wait3A_48 = arith.constant 0 : i32
      %dma_wait3A_49 = arith.constant 0 : i32
      %dma_wait3A_50 = tpu.memref_slice %arg8[%dma_wait3A, %dma_wait3A_48, %dma_wait3A_49] : memref<2x96x128xf32, #tpu.memory_space<vmem>> -> memref<1x96x128xf32, #tpu.memory_space<vmem>>
      %dma_wait3A_51 = tpu.memref_squeeze %dma_wait3A_50 : memref<1x96x128xf32, #tpu.memory_space<vmem>> -> memref<96x128xf32, #tpu.memory_space<vmem>>
      %dma_wait3A_52 = arith.constant 0 : i32
      %dma_wait3A_53 = tpu.memref_slice %arg6[%scan3A_33, %dma_wait3A_52] : memref<106x96xi32, #tpu.memory_space<vmem>> -> memref<1x96xi32, #tpu.memory_space<vmem>>
      %dma_wait3A_54 = tpu.memref_squeeze %dma_wait3A_53 : memref<1x96xi32, #tpu.memory_space<vmem>> -> memref<96xi32, #tpu.memory_space<vmem>>
      %dma_wait3A_55 = arith.constant 0 : i32
      %dma_wait3A_56 = arith.constant 0 : i32
      %dma_wait3A_57 = tpu.memref_slice %arg2[%dma_wait3A_55, %dma_wait3A_56] : memref<10000x128xf32, #tpu.memory_space<hbm>> -> memref<10000x128xf32, #tpu.memory_space<hbm>>
      %dma_wait3A_58 = tpu.memref_slice %arg10[%dma_wait3A_47] : memref<2x!tpu.dma_semaphore, #tpu.memory_space<semaphore_mem>> -> memref<1x!tpu.dma_semaphore, #tpu.memory_space<semaphore_mem>>
      %dma_wait3A_59 = tpu.memref_squeeze %dma_wait3A_58 : memref<1x!tpu.dma_semaphore, #tpu.memory_space<semaphore_mem>> -> memref<!tpu.dma_semaphore, #tpu.memory_space<semaphore_mem>>
      tpu.wait_indirect_dma semaphore(%dma_wait3A_59 : memref<!tpu.dma_semaphore, #tpu.memory_space<semaphore_mem>>) src(%dma_wait3A_57 : memref<10000x128xf32, #tpu.memory_space<hbm>>) dst(%dma_wait3A_51 : memref<96x128xf32, #tpu.memory_space<vmem>>)
      %run_scoped3A_60 = arith.constant 0 : i32
      "tpu.region"() ({
        %run_scoped3A_61 = tpu.sem_alloc : memref<!tpu.dma_semaphore, #tpu.memory_space<semaphore_mem>>
        %dma_start3A_62 = arith.constant 0 : i32
        %dma_start3A_63 = arith.constant 0 : i32
        %dma_start3A_64 = tpu.memref_slice %arg8[%run_scoped3A_60, %dma_start3A_62, %dma_start3A_63] : memref<2x96x128xf32, #tpu.memory_space<vmem>> -> memref<1x96x128xf32, #tpu.memory_space<vmem>>
        %dma_start3A_65 = tpu.memref_squeeze %dma_start3A_64 : memref<1x96x128xf32, #tpu.memory_space<vmem>> -> memref<96x128xf32, #tpu.memory_space<vmem>>
        %dma_start3A_66 = arith.constant 0 : i32
        %dma_start3A_67 = tpu.memref_slice %arg7[%scan3A_33, %dma_start3A_66] : memref<106x96xi32, #tpu.memory_space<vmem>> -> memref<1x96xi32, #tpu.memory_space<vmem>>
        %dma_start3A_68 = tpu.memref_squeeze %dma_start3A_67 : memref<1x96xi32, #tpu.memory_space<vmem>> -> memref<96xi32, #tpu.memory_space<vmem>>
        %dma_start3A_69 = arith.constant 0 : i32
        %dma_start3A_70 = arith.constant 0 : i32
        %dma_start3A_71 = tpu.memref_slice %arg9[%dma_start3A_69, %dma_start3A_70] : memref<10240x128xf32, #tpu.memory_space<vmem_shared>> -> memref<10240x128xf32, #tpu.memory_space<vmem_shared>>
        tpu.enqueue_indirect_dma source(%dma_start3A_65 : memref<96x128xf32, #tpu.memory_space<vmem>>) target(%dma_start3A_71 : memref<10240x128xf32, #tpu.memory_space<vmem_shared>>) offsets(%dma_start3A_68 : memref<96xi32, #tpu.memory_space<vmem>>) semaphore(%run_scoped3A_61 : memref<!tpu.dma_semaphore, #tpu.memory_space<semaphore_mem>>) {add = true}
        %dma_wait3A_72 = arith.constant 0 : i32
        %dma_wait3A_73 = arith.constant 0 : i32
        %dma_wait3A_74 = tpu.memref_slice %arg8[%run_scoped3A_60, %dma_wait3A_72, %dma_wait3A_73] : memref<2x96x128xf32, #tpu.memory_space<vmem>> -> memref<1x96x128xf32, #tpu.memory_space<vmem>>
        %dma_wait3A_75 = tpu.memref_squeeze %dma_wait3A_74 : memref<1x96x128xf32, #tpu.memory_space<vmem>> -> memref<96x128xf32, #tpu.memory_space<vmem>>
        %dma_wait3A_76 = arith.constant 0 : i32
        %dma_wait3A_77 = tpu.memref_slice %arg7[%scan3A_33, %dma_wait3A_76] : memref<106x96xi32, #tpu.memory_space<vmem>> -> memref<1x96xi32, #tpu.memory_space<vmem>>
        %dma_wait3A_78 = tpu.memref_squeeze %dma_wait3A_77 : memref<1x96xi32, #tpu.memory_space<vmem>> -> memref<96xi32, #tpu.memory_space<vmem>>
        %dma_wait3A_79 = arith.constant 0 : i32
        %dma_wait3A_80 = arith.constant 0 : i32
        %dma_wait3A_81 = tpu.memref_slice %arg9[%dma_wait3A_79, %dma_wait3A_80] : memref<10240x128xf32, #tpu.memory_space<vmem_shared>> -> memref<10240x128xf32, #tpu.memory_space<vmem_shared>>
        tpu.wait_indirect_dma semaphore(%run_scoped3A_61 : memref<!tpu.dma_semaphore, #tpu.memory_space<semaphore_mem>>) src(%dma_wait3A_75 : memref<96x128xf32, #tpu.memory_space<vmem>>) dst(%dma_wait3A_81 : memref<10240x128xf32, #tpu.memory_space<vmem_shared>>)
        tpu.yield
      }) : () -> ()
    }
    %scan3A_31 = arith.constant 106 : i32
    %barrier3A_32 = arith.constant 0 : index
    tpu.barrier barrier_id(%barrier3A_32)
    "tpu.region"() ({
      %run_scoped3A_33 = tpu.sem_alloc : memref<!tpu.dma_semaphore, #tpu.memory_space<semaphore_mem>>
      %dma_start3A = arith.constant 0 : i32
      %dma_start3A_34 = tpu.memref_slice %arg5[%arg0, %mul3A_6, %dma_start3A] : memref<2x10240x128xf32, #tpu.memory_space<hbm>> -> memref<1x640x128xf32, #tpu.memory_space<hbm>>
      %dma_start3A_35 = tpu.memref_squeeze %dma_start3A_34 : memref<1x640x128xf32, #tpu.memory_space<hbm>> -> memref<640x128xf32, #tpu.memory_space<hbm>>
      %dma_start3A_36 = arith.constant 0 : i32
      %dma_start3A_37 = tpu.memref_slice %arg9[%mul3A_6, %dma_start3A_36] : memref<10240x128xf32, #tpu.memory_space<vmem_shared>> -> memref<640x128xf32, #tpu.memory_space<vmem_shared>>
      tpu.enqueue_dma source(%dma_start3A_37 : memref<640x128xf32, #tpu.memory_space<vmem_shared>>) target(%dma_start3A_35 : memref<640x128xf32, #tpu.memory_space<hbm>>) target_semaphore(%run_scoped3A_33 : memref<!tpu.dma_semaphore, #tpu.memory_space<semaphore_mem>>)
      %dma_wait3A = arith.constant 0 : i32
      %dma_wait3A_38 = tpu.memref_slice %arg5[%arg0, %mul3A_6, %dma_wait3A] : memref<2x10240x128xf32, #tpu.memory_space<hbm>> -> memref<1x640x128xf32, #tpu.memory_space<hbm>>
      %dma_wait3A_39 = tpu.memref_squeeze %dma_wait3A_38 : memref<1x640x128xf32, #tpu.memory_space<hbm>> -> memref<640x128xf32, #tpu.memory_space<hbm>>
      %dma_wait3A_40 = arith.constant 0 : i32
      %dma_wait3A_41 = tpu.memref_slice %arg9[%mul3A_6, %dma_wait3A_40] : memref<10240x128xf32, #tpu.memory_space<vmem_shared>> -> memref<640x128xf32, #tpu.memory_space<vmem_shared>>
      tpu.wait_dma2 semaphore(%run_scoped3A_33 : memref<!tpu.dma_semaphore, #tpu.memory_space<semaphore_mem>>) src(%dma_wait3A_41 : memref<640x128xf32, #tpu.memory_space<vmem_shared>>) dst(%dma_wait3A_39 : memref<640x128xf32, #tpu.memory_space<hbm>>)
      tpu.yield
    }) : () -> ()
    return
  }
}

#map = affine_map<(d0, d1) -> (0, 0)>
#map1 = affine_map<(d0, d1) -> (0, 0, 0)>
module attributes {stable_mosaic.version = 14 : i64} {
  func.func @_sc_seg(%arg0: i32, %arg1: i32, %arg2: memref<10000x128xf32, #tpu.memory_space<hbm>>, %arg3: memref<32x106x96xi32, #tpu.memory_space<hbm>>, %arg4: memref<32x106x96xi32, #tpu.memory_space<hbm>>, %arg5: memref<2x10240x128xf32, #tpu.memory_space<hbm>>, %arg6: memref<106x96xi32, #tpu.memory_space<vmem>>, %arg7: memref<106x96xi32, #tpu.memory_space<vmem>>, %arg8: memref<2x96x128xf32, #tpu.memory_space<vmem>>, %arg9: memref<10240x128xf32, #tpu.memory_space<vmem_shared>>, %arg10: memref<2x!tpu.dma_semaphore, #tpu.memory_space<semaphore_mem>>) attributes {dimension_semantics = [#tpu.dimension_semantics<core_parallel>, #tpu.dimension_semantics<subcore_parallel>], iteration_bounds = array<i64: 2, 16>, scalar_prefetch = 0 : i64, scratch_operands = 5 : i64, tpu.core_type = #tpu.core_type<sc_vector_subcore>, window_params = [{transform_indices = #map}, {transform_indices = #map1}, {transform_indices = #map1}, {transform_indices = #map1}]} {
    %mul3A = arith.constant 16 : i32
    %mul3A_0 = arith.muli %arg0, %mul3A : i32
    %add3A = arith.addi %mul3A_0, %arg1 : i32
    %scan3A = arith.constant 0 : i32
    %scan3A_1 = arith.constant 96 : i32
    %scan3A_2 = arith.addi %scan3A, %scan3A_1 : i32
    %scan3A_3 = arith.constant 1 : i32
    scf.for %scan3A_33 = %scan3A to %scan3A_2 step %scan3A_3  : i32 {
      %broadcast_in_dim3A = arith.constant 0.000000e+00 : f32
      %broadcast_in_dim3A_34 = vector.broadcast %broadcast_in_dim3A : f32 to vector<16xf32>
      %swap3A = arith.constant 0 : i32
      %swap3A_35 = arith.index_cast %swap3A : i32 to index
      %swap3A_36 = arith.index_cast %scan3A_33 : i32 to index
      %swap3A_37 = arith.constant 0 : index
      %swap3A_38 = tpu.vector_load %arg8[%swap3A_35, %swap3A_36, %swap3A_37] {strides = array<i32>} : memref<2x96x128xf32, #tpu.memory_space<vmem>>, vector<1x1x16xf32>,
      %swap3A_39 = vector.shape_cast %swap3A_38 : vector<1x1x16xf32> to vector<16xf32>
      %swap3A_40 = vector.shape_cast %broadcast_in_dim3A_34 : vector<16xf32> to vector<1x1x16xf32>
      tpu.vector_store %arg8[%swap3A_35, %swap3A_36, %swap3A_37], %swap3A_40 {strides = array<i32>} : memref<2x96x128xf32, #tpu.memory_space<vmem>>, vector<1x1x16xf32>,
      %broadcast_in_dim3A_41 = arith.constant 0.000000e+00 : f32
      %broadcast_in_dim3A_42 = vector.broadcast %broadcast_in_dim3A_41 : f32 to vector<16xf32>
      %swap3A_43 = arith.constant 0 : i32
      %swap3A_44 = arith.index_cast %swap3A_43 : i32 to index
      %swap3A_45 = arith.index_cast %scan3A_33 : i32 to index
      %swap3A_46 = arith.constant 16 : index
      %swap3A_47 = tpu.vector_load %arg8[%swap3A_44, %swap3A_45, %swap3A_46] {strides = array<i32>} : memref<2x96x128xf32, #tpu.memory_space<vmem>>, vector<1x1x16xf32>,
      %swap3A_48 = vector.shape_cast %swap3A_47 : vector<1x1x16xf32> to vector<16xf32>
      %swap3A_49 = vector.shape_cast %broadcast_in_dim3A_42 : vector<16xf32> to vector<1x1x16xf32>
      tpu.vector_store %arg8[%swap3A_44, %swap3A_45, %swap3A_46], %swap3A_49 {strides = array<i32>} : memref<2x96x128xf32, #tpu.memory_space<vmem>>, vector<1x1x16xf32>,
      %broadcast_in_dim3A_50 = arith.constant 0.000000e+00 : f32
      %broadcast_in_dim3A_51 = vector.broadcast %broadcast_in_dim3A_50 : f32 to vector<16xf32>
      %swap3A_52 = arith.constant 0 : i32
      %swap3A_53 = arith.index_cast %swap3A_52 : i32 to index
      %swap3A_54 = arith.index_cast %scan3A_33 : i32 to index
      %swap3A_55 = arith.constant 32 : index
      %swap3A_56 = tpu.vector_load %arg8[%swap3A_53, %swap3A_54, %swap3A_55] {strides = array<i32>} : memref<2x96x128xf32, #tpu.memory_space<vmem>>, vector<1x1x16xf32>,
      %swap3A_57 = vector.shape_cast %swap3A_56 : vector<1x1x16xf32> to vector<16xf32>
      %swap3A_58 = vector.shape_cast %broadcast_in_dim3A_51 : vector<16xf32> to vector<1x1x16xf32>
      tpu.vector_store %arg8[%swap3A_53, %swap3A_54, %swap3A_55], %swap3A_58 {strides = array<i32>} : memref<2x96x128xf32, #tpu.memory_space<vmem>>, vector<1x1x16xf32>,
      %broadcast_in_dim3A_59 = arith.constant 0.000000e+00 : f32
      %broadcast_in_dim3A_60 = vector.broadcast %broadcast_in_dim3A_59 : f32 to vector<16xf32>
      %swap3A_61 = arith.constant 0 : i32
      %swap3A_62 = arith.index_cast %swap3A_61 : i32 to index
      %swap3A_63 = arith.index_cast %scan3A_33 : i32 to index
      %swap3A_64 = arith.constant 48 : index
      %swap3A_65 = tpu.vector_load %arg8[%swap3A_62, %swap3A_63, %swap3A_64] {strides = array<i32>} : memref<2x96x128xf32, #tpu.memory_space<vmem>>, vector<1x1x16xf32>,
      %swap3A_66 = vector.shape_cast %swap3A_65 : vector<1x1x16xf32> to vector<16xf32>
      %swap3A_67 = vector.shape_cast %broadcast_in_dim3A_60 : vector<16xf32> to vector<1x1x16xf32>
      tpu.vector_store %arg8[%swap3A_62, %swap3A_63, %swap3A_64], %swap3A_67 {strides = array<i32>} : memref<2x96x128xf32, #tpu.memory_space<vmem>>, vector<1x1x16xf32>,
      %broadcast_in_dim3A_68 = arith.constant 0.000000e+00 : f32
      %broadcast_in_dim3A_69 = vector.broadcast %broadcast_in_dim3A_68 : f32 to vector<16xf32>
      %swap3A_70 = arith.constant 0 : i32
      %swap3A_71 = arith.index_cast %swap3A_70 : i32 to index
      %swap3A_72 = arith.index_cast %scan3A_33 : i32 to index
      %swap3A_73 = arith.constant 64 : index
      %swap3A_74 = tpu.vector_load %arg8[%swap3A_71, %swap3A_72, %swap3A_73] {strides = array<i32>} : memref<2x96x128xf32, #tpu.memory_space<vmem>>, vector<1x1x16xf32>,
      %swap3A_75 = vector.shape_cast %swap3A_74 : vector<1x1x16xf32> to vector<16xf32>
      %swap3A_76 = vector.shape_cast %broadcast_in_dim3A_69 : vector<16xf32> to vector<1x1x16xf32>
      tpu.vector_store %arg8[%swap3A_71, %swap3A_72, %swap3A_73], %swap3A_76 {strides = array<i32>} : memref<2x96x128xf32, #tpu.memory_space<vmem>>, vector<1x1x16xf32>,
      %broadcast_in_dim3A_77 = arith.constant 0.000000e+00 : f32
      %broadcast_in_dim3A_78 = vector.broadcast %broadcast_in_dim3A_77 : f32 to vector<16xf32>
      %swap3A_79 = arith.constant 0 : i32
      %swap3A_80 = arith.index_cast %swap3A_79 : i32 to index
      %swap3A_81 = arith.index_cast %scan3A_33 : i32 to index
      %swap3A_82 = arith.constant 80 : index
      %swap3A_83 = tpu.vector_load %arg8[%swap3A_80, %swap3A_81, %swap3A_82] {strides = array<i32>} : memref<2x96x128xf32, #tpu.memory_space<vmem>>, vector<1x1x16xf32>,
      %swap3A_84 = vector.shape_cast %swap3A_83 : vector<1x1x16xf32> to vector<16xf32>
      %swap3A_85 = vector.shape_cast %broadcast_in_dim3A_78 : vector<16xf32> to vector<1x1x16xf32>
      tpu.vector_store %arg8[%swap3A_80, %swap3A_81, %swap3A_82], %swap3A_85 {strides = array<i32>} : memref<2x96x128xf32, #tpu.memory_space<vmem>>, vector<1x1x16xf32>,
      %broadcast_in_dim3A_86 = arith.constant 0.000000e+00 : f32
      %broadcast_in_dim3A_87 = vector.broadcast %broadcast_in_dim3A_86 : f32 to vector<16xf32>
      %swap3A_88 = arith.constant 0 : i32
      %swap3A_89 = arith.index_cast %swap3A_88 : i32 to index
      %swap3A_90 = arith.index_cast %scan3A_33 : i32 to index
      %swap3A_91 = arith.constant 96 : index
      %swap3A_92 = tpu.vector_load %arg8[%swap3A_89, %swap3A_90, %swap3A_91] {strides = array<i32>} : memref<2x96x128xf32, #tpu.memory_space<vmem>>, vector<1x1x16xf32>,
      %swap3A_93 = vector.shape_cast %swap3A_92 : vector<1x1x16xf32> to vector<16xf32>
      %swap3A_94 = vector.shape_cast %broadcast_in_dim3A_87 : vector<16xf32> to vector<1x1x16xf32>
      tpu.vector_store %arg8[%swap3A_89, %swap3A_90, %swap3A_91], %swap3A_94 {strides = array<i32>} : memref<2x96x128xf32, #tpu.memory_space<vmem>>, vector<1x1x16xf32>,
      %broadcast_in_dim3A_95 = arith.constant 0.000000e+00 : f32
      %broadcast_in_dim3A_96 = vector.broadcast %broadcast_in_dim3A_95 : f32 to vector<16xf32>
      %swap3A_97 = arith.constant 0 : i32
      %swap3A_98 = arith.index_cast %swap3A_97 : i32 to index
      %swap3A_99 = arith.index_cast %scan3A_33 : i32 to index
      %swap3A_100 = arith.constant 112 : index
      %swap3A_101 = tpu.vector_load %arg8[%swap3A_98, %swap3A_99, %swap3A_100] {strides = array<i32>} : memref<2x96x128xf32, #tpu.memory_space<vmem>>, vector<1x1x16xf32>,
      %swap3A_102 = vector.shape_cast %swap3A_101 : vector<1x1x16xf32> to vector<16xf32>
      %swap3A_103 = vector.shape_cast %broadcast_in_dim3A_96 : vector<16xf32> to vector<1x1x16xf32>
      tpu.vector_store %arg8[%swap3A_98, %swap3A_99, %swap3A_100], %swap3A_103 {strides = array<i32>} : memref<2x96x128xf32, #tpu.memory_space<vmem>>, vector<1x1x16xf32>,
    }
    %scan3A_4 = arith.constant 96 : i32
    "tpu.region"() ({
      %run_scoped3A_33 = tpu.sem_alloc : memref<!tpu.dma_semaphore, #tpu.memory_space<semaphore_mem>>
      %dma_start3A = arith.constant 0 : i32
      %dma_start3A_34 = arith.constant 0 : i32
      %dma_start3A_35 = tpu.memref_slice %arg3[%add3A, %dma_start3A, %dma_start3A_34] : memref<32x106x96xi32, #tpu.memory_space<hbm>> -> memref<1x106x96xi32, #tpu.memory_space<hbm>>
      %dma_start3A_36 = tpu.memref_squeeze %dma_start3A_35 : memref<1x106x96xi32, #tpu.memory_space<hbm>> -> memref<106x96xi32, #tpu.memory_space<hbm>>
      %dma_start3A_37 = arith.constant 0 : i32
      %dma_start3A_38 = arith.constant 0 : i32
      %dma_start3A_39 = tpu.memref_slice %arg3[%add3A, %dma_start3A_37, %dma_start3A_38] : memref<32x106x96xi32, #tpu.memory_space<hbm>> -> memref<1x106x96xi32, #tpu.memory_space<hbm>>
      %dma_start3A_40 = tpu.memref_squeeze %dma_start3A_39 : memref<1x106x96xi32, #tpu.memory_space<hbm>> -> memref<106x96xi32, #tpu.memory_space<hbm>>
      tpu.enqueue_dma source(%dma_start3A_40 : memref<106x96xi32, #tpu.memory_space<hbm>>) target(%arg6 : memref<106x96xi32, #tpu.memory_space<vmem>>) target_semaphore(%run_scoped3A_33 : memref<!tpu.dma_semaphore, #tpu.memory_space<semaphore_mem>>)
      %dma_wait3A = arith.constant 0 : i32
      %dma_wait3A_41 = arith.constant 0 : i32
      %dma_wait3A_42 = tpu.memref_slice %arg3[%add3A, %dma_wait3A, %dma_wait3A_41] : memref<32x106x96xi32, #tpu.memory_space<hbm>> -> memref<1x106x96xi32, #tpu.memory_space<hbm>>
      %dma_wait3A_43 = tpu.memref_squeeze %dma_wait3A_42 : memref<1x106x96xi32, #tpu.memory_space<hbm>> -> memref<106x96xi32, #tpu.memory_space<hbm>>
      %dma_wait3A_44 = arith.constant 0 : i32
      %dma_wait3A_45 = arith.constant 0 : i32
      %dma_wait3A_46 = tpu.memref_slice %arg3[%add3A, %dma_wait3A_44, %dma_wait3A_45] : memref<32x106x96xi32, #tpu.memory_space<hbm>> -> memref<1x106x96xi32, #tpu.memory_space<hbm>>
      %dma_wait3A_47 = tpu.memref_squeeze %dma_wait3A_46 : memref<1x106x96xi32, #tpu.memory_space<hbm>> -> memref<106x96xi32, #tpu.memory_space<hbm>>
      tpu.wait_dma2 semaphore(%run_scoped3A_33 : memref<!tpu.dma_semaphore, #tpu.memory_space<semaphore_mem>>) src(%dma_wait3A_47 : memref<106x96xi32, #tpu.memory_space<hbm>>) dst(%arg6 : memref<106x96xi32, #tpu.memory_space<vmem>>)
      tpu.yield
    }) : () -> ()
    "tpu.region"() ({
      %run_scoped3A_33 = tpu.sem_alloc : memref<!tpu.dma_semaphore, #tpu.memory_space<semaphore_mem>>
      %dma_start3A = arith.constant 0 : i32
      %dma_start3A_34 = arith.constant 0 : i32
      %dma_start3A_35 = tpu.memref_slice %arg4[%add3A, %dma_start3A, %dma_start3A_34] : memref<32x106x96xi32, #tpu.memory_space<hbm>> -> memref<1x106x96xi32, #tpu.memory_space<hbm>>
      %dma_start3A_36 = tpu.memref_squeeze %dma_start3A_35 : memref<1x106x96xi32, #tpu.memory_space<hbm>> -> memref<106x96xi32, #tpu.memory_space<hbm>>
      %dma_start3A_37 = arith.constant 0 : i32
      %dma_start3A_38 = arith.constant 0 : i32
      %dma_start3A_39 = tpu.memref_slice %arg4[%add3A, %dma_start3A_37, %dma_start3A_38] : memref<32x106x96xi32, #tpu.memory_space<hbm>> -> memref<1x106x96xi32, #tpu.memory_space<hbm>>
      %dma_start3A_40 = tpu.memref_squeeze %dma_start3A_39 : memref<1x106x96xi32, #tpu.memory_space<hbm>> -> memref<106x96xi32, #tpu.memory_space<hbm>>
      tpu.enqueue_dma source(%dma_start3A_40 : memref<106x96xi32, #tpu.memory_space<hbm>>) target(%arg7 : memref<106x96xi32, #tpu.memory_space<vmem>>) target_semaphore(%run_scoped3A_33 : memref<!tpu.dma_semaphore, #tpu.memory_space<semaphore_mem>>)
      %dma_wait3A = arith.constant 0 : i32
      %dma_wait3A_41 = arith.constant 0 : i32
      %dma_wait3A_42 = tpu.memref_slice %arg4[%add3A, %dma_wait3A, %dma_wait3A_41] : memref<32x106x96xi32, #tpu.memory_space<hbm>> -> memref<1x106x96xi32, #tpu.memory_space<hbm>>
      %dma_wait3A_43 = tpu.memref_squeeze %dma_wait3A_42 : memref<1x106x96xi32, #tpu.memory_space<hbm>> -> memref<106x96xi32, #tpu.memory_space<hbm>>
      %dma_wait3A_44 = arith.constant 0 : i32
      %dma_wait3A_45 = arith.constant 0 : i32
      %dma_wait3A_46 = tpu.memref_slice %arg4[%add3A, %dma_wait3A_44, %dma_wait3A_45] : memref<32x106x96xi32, #tpu.memory_space<hbm>> -> memref<1x106x96xi32, #tpu.memory_space<hbm>>
      %dma_wait3A_47 = tpu.memref_squeeze %dma_wait3A_46 : memref<1x106x96xi32, #tpu.memory_space<hbm>> -> memref<106x96xi32, #tpu.memory_space<hbm>>
      tpu.wait_dma2 semaphore(%run_scoped3A_33 : memref<!tpu.dma_semaphore, #tpu.memory_space<semaphore_mem>>) src(%dma_wait3A_47 : memref<106x96xi32, #tpu.memory_space<hbm>>) dst(%arg7 : memref<106x96xi32, #tpu.memory_space<vmem>>)
      tpu.yield
    }) : () -> ()
    %mul3A_5 = arith.constant 640 : i32
    %mul3A_6 = arith.muli %arg1, %mul3A_5 : i32
    %add3A_7 = arith.constant 0 : i32
    %add3A_8 = arith.addi %mul3A_6, %add3A_7 : i32
    %run_scoped3A = arith.constant 0 : i32
    "tpu.region"() ({
      %run_scoped3A_33 = tpu.sem_alloc : memref<!tpu.dma_semaphore, #tpu.memory_space<semaphore_mem>>
      %dma_start3A = arith.constant 0 : i32
      %dma_start3A_34 = arith.constant 0 : i32
      %dma_start3A_35 = tpu.memref_slice %arg8[%run_scoped3A, %dma_start3A, %dma_start3A_34] : memref<2x96x128xf32, #tpu.memory_space<vmem>> -> memref<1x96x128xf32, #tpu.memory_space<vmem>>
      %dma_start3A_36 = tpu.memref_squeeze %dma_start3A_35 : memref<1x96x128xf32, #tpu.memory_space<vmem>> -> memref<96x128xf32, #tpu.memory_space<vmem>>
      %dma_start3A_37 = arith.constant 0 : i32
      %dma_start3A_38 = tpu.memref_slice %arg9[%add3A_8, %dma_start3A_37] : memref<10240x128xf32, #tpu.memory_space<vmem_shared>> -> memref<96x128xf32, #tpu.memory_space<vmem_shared>>
      %dma_start3A_39 = arith.constant 0 : i32
      %dma_start3A_40 = tpu.memref_slice %arg9[%add3A_8, %dma_start3A_39] : memref<10240x128xf32, #tpu.memory_space<vmem_shared>> -> memref<96x128xf32, #tpu.memory_space<vmem_shared>>
      %dma_start3A_41 = arith.constant 0 : i32
      %dma_start3A_42 = arith.constant 0 : i32
      %dma_start3A_43 = tpu.memref_slice %arg8[%run_scoped3A, %dma_start3A_41, %dma_start3A_42] : memref<2x96x128xf32, #tpu.memory_space<vmem>> -> memref<1x96x128xf32, #tpu.memory_space<vmem>>
      %dma_start3A_44 = tpu.memref_squeeze %dma_start3A_43 : memref<1x96x128xf32, #tpu.memory_space<vmem>> -> memref<96x128xf32, #tpu.memory_space<vmem>>
      tpu.enqueue_dma source(%dma_start3A_44 : memref<96x128xf32, #tpu.memory_space<vmem>>) target(%dma_start3A_40 : memref<96x128xf32, #tpu.memory_space<vmem_shared>>) target_semaphore(%run_scoped3A_33 : memref<!tpu.dma_semaphore, #tpu.memory_space<semaphore_mem>>)
      %dma_wait3A = arith.constant 0 : i32
      %dma_wait3A_45 = arith.constant 0 : i32
      %dma_wait3A_46 = tpu.memref_slice %arg8[%run_scoped3A, %dma_wait3A, %dma_wait3A_45] : memref<2x96x128xf32, #tpu.memory_space<vmem>> -> memref<1x96x128xf32, #tpu.memory_space<vmem>>
      %dma_wait3A_47 = tpu.memref_squeeze %dma_wait3A_46 : memref<1x96x128xf32, #tpu.memory_space<vmem>> -> memref<96x128xf32, #tpu.memory_space<vmem>>
      %dma_wait3A_48 = arith.constant 0 : i32
      %dma_wait3A_49 = tpu.memref_slice %arg9[%add3A_8, %dma_wait3A_48] : memref<10240x128xf32, #tpu.memory_space<vmem_shared>> -> memref<96x128xf32, #tpu.memory_space<vmem_shared>>
      %dma_wait3A_50 = arith.constant 0 : i32
      %dma_wait3A_51 = tpu.memref_slice %arg9[%add3A_8, %dma_wait3A_50] : memref<10240x128xf32, #tpu.memory_space<vmem_shared>> -> memref<96x128xf32, #tpu.memory_space<vmem_shared>>
      %dma_wait3A_52 = arith.constant 0 : i32
      %dma_wait3A_53 = arith.constant 0 : i32
      %dma_wait3A_54 = tpu.memref_slice %arg8[%run_scoped3A, %dma_wait3A_52, %dma_wait3A_53] : memref<2x96x128xf32, #tpu.memory_space<vmem>> -> memref<1x96x128xf32, #tpu.memory_space<vmem>>
      %dma_wait3A_55 = tpu.memref_squeeze %dma_wait3A_54 : memref<1x96x128xf32, #tpu.memory_space<vmem>> -> memref<96x128xf32, #tpu.memory_space<vmem>>
      tpu.wait_dma2 semaphore(%run_scoped3A_33 : memref<!tpu.dma_semaphore, #tpu.memory_space<semaphore_mem>>) src(%dma_wait3A_55 : memref<96x128xf32, #tpu.memory_space<vmem>>) dst(%dma_wait3A_51 : memref<96x128xf32, #tpu.memory_space<vmem_shared>>)
      tpu.yield
    }) : () -> ()
    %add3A_9 = arith.constant 96 : i32
    %add3A_10 = arith.addi %mul3A_6, %add3A_9 : i32
    %run_scoped3A_11 = arith.constant 0 : i32
    "tpu.region"() ({
      %run_scoped3A_33 = tpu.sem_alloc : memref<!tpu.dma_semaphore, #tpu.memory_space<semaphore_mem>>
      %dma_start3A = arith.constant 0 : i32
      %dma_start3A_34 = arith.constant 0 : i32
      %dma_start3A_35 = tpu.memref_slice %arg8[%run_scoped3A_11, %dma_start3A, %dma_start3A_34] : memref<2x96x128xf32, #tpu.memory_space<vmem>> -> memref<1x96x128xf32, #tpu.memory_space<vmem>>
      %dma_start3A_36 = tpu.memref_squeeze %dma_start3A_35 : memref<1x96x128xf32, #tpu.memory_space<vmem>> -> memref<96x128xf32, #tpu.memory_space<vmem>>
      %dma_start3A_37 = arith.constant 0 : i32
      %dma_start3A_38 = tpu.memref_slice %arg9[%add3A_10, %dma_start3A_37] : memref<10240x128xf32, #tpu.memory_space<vmem_shared>> -> memref<96x128xf32, #tpu.memory_space<vmem_shared>>
      %dma_start3A_39 = arith.constant 0 : i32
      %dma_start3A_40 = tpu.memref_slice %arg9[%add3A_10, %dma_start3A_39] : memref<10240x128xf32, #tpu.memory_space<vmem_shared>> -> memref<96x128xf32, #tpu.memory_space<vmem_shared>>
      %dma_start3A_41 = arith.constant 0 : i32
      %dma_start3A_42 = arith.constant 0 : i32
      %dma_start3A_43 = tpu.memref_slice %arg8[%run_scoped3A_11, %dma_start3A_41, %dma_start3A_42] : memref<2x96x128xf32, #tpu.memory_space<vmem>> -> memref<1x96x128xf32, #tpu.memory_space<vmem>>
      %dma_start3A_44 = tpu.memref_squeeze %dma_start3A_43 : memref<1x96x128xf32, #tpu.memory_space<vmem>> -> memref<96x128xf32, #tpu.memory_space<vmem>>
      tpu.enqueue_dma source(%dma_start3A_44 : memref<96x128xf32, #tpu.memory_space<vmem>>) target(%dma_start3A_40 : memref<96x128xf32, #tpu.memory_space<vmem_shared>>) target_semaphore(%run_scoped3A_33 : memref<!tpu.dma_semaphore, #tpu.memory_space<semaphore_mem>>)
      %dma_wait3A = arith.constant 0 : i32
      %dma_wait3A_45 = arith.constant 0 : i32
      %dma_wait3A_46 = tpu.memref_slice %arg8[%run_scoped3A_11, %dma_wait3A, %dma_wait3A_45] : memref<2x96x128xf32, #tpu.memory_space<vmem>> -> memref<1x96x128xf32, #tpu.memory_space<vmem>>
      %dma_wait3A_47 = tpu.memref_squeeze %dma_wait3A_46 : memref<1x96x128xf32, #tpu.memory_space<vmem>> -> memref<96x128xf32, #tpu.memory_space<vmem>>
      %dma_wait3A_48 = arith.constant 0 : i32
      %dma_wait3A_49 = tpu.memref_slice %arg9[%add3A_10, %dma_wait3A_48] : memref<10240x128xf32, #tpu.memory_space<vmem_shared>> -> memref<96x128xf32, #tpu.memory_space<vmem_shared>>
      %dma_wait3A_50 = arith.constant 0 : i32
      %dma_wait3A_51 = tpu.memref_slice %arg9[%add3A_10, %dma_wait3A_50] : memref<10240x128xf32, #tpu.memory_space<vmem_shared>> -> memref<96x128xf32, #tpu.memory_space<vmem_shared>>
      %dma_wait3A_52 = arith.constant 0 : i32
      %dma_wait3A_53 = arith.constant 0 : i32
      %dma_wait3A_54 = tpu.memref_slice %arg8[%run_scoped3A_11, %dma_wait3A_52, %dma_wait3A_53] : memref<2x96x128xf32, #tpu.memory_space<vmem>> -> memref<1x96x128xf32, #tpu.memory_space<vmem>>
      %dma_wait3A_55 = tpu.memref_squeeze %dma_wait3A_54 : memref<1x96x128xf32, #tpu.memory_space<vmem>> -> memref<96x128xf32, #tpu.memory_space<vmem>>
      tpu.wait_dma2 semaphore(%run_scoped3A_33 : memref<!tpu.dma_semaphore, #tpu.memory_space<semaphore_mem>>) src(%dma_wait3A_55 : memref<96x128xf32, #tpu.memory_space<vmem>>) dst(%dma_wait3A_51 : memref<96x128xf32, #tpu.memory_space<vmem_shared>>)
      tpu.yield
    }) : () -> ()
    %add3A_12 = arith.constant 192 : i32
    %add3A_13 = arith.addi %mul3A_6, %add3A_12 : i32
    %run_scoped3A_14 = arith.constant 0 : i32
    "tpu.region"() ({
      %run_scoped3A_33 = tpu.sem_alloc : memref<!tpu.dma_semaphore, #tpu.memory_space<semaphore_mem>>
      %dma_start3A = arith.constant 0 : i32
      %dma_start3A_34 = arith.constant 0 : i32
      %dma_start3A_35 = tpu.memref_slice %arg8[%run_scoped3A_14, %dma_start3A, %dma_start3A_34] : memref<2x96x128xf32, #tpu.memory_space<vmem>> -> memref<1x96x128xf32, #tpu.memory_space<vmem>>
      %dma_start3A_36 = tpu.memref_squeeze %dma_start3A_35 : memref<1x96x128xf32, #tpu.memory_space<vmem>> -> memref<96x128xf32, #tpu.memory_space<vmem>>
      %dma_start3A_37 = arith.constant 0 : i32
      %dma_start3A_38 = tpu.memref_slice %arg9[%add3A_13, %dma_start3A_37] : memref<10240x128xf32, #tpu.memory_space<vmem_shared>> -> memref<96x128xf32, #tpu.memory_space<vmem_shared>>
      %dma_start3A_39 = arith.constant 0 : i32
      %dma_start3A_40 = tpu.memref_slice %arg9[%add3A_13, %dma_start3A_39] : memref<10240x128xf32, #tpu.memory_space<vmem_shared>> -> memref<96x128xf32, #tpu.memory_space<vmem_shared>>
      %dma_start3A_41 = arith.constant 0 : i32
      %dma_start3A_42 = arith.constant 0 : i32
      %dma_start3A_43 = tpu.memref_slice %arg8[%run_scoped3A_14, %dma_start3A_41, %dma_start3A_42] : memref<2x96x128xf32, #tpu.memory_space<vmem>> -> memref<1x96x128xf32, #tpu.memory_space<vmem>>
      %dma_start3A_44 = tpu.memref_squeeze %dma_start3A_43 : memref<1x96x128xf32, #tpu.memory_space<vmem>> -> memref<96x128xf32, #tpu.memory_space<vmem>>
      tpu.enqueue_dma source(%dma_start3A_44 : memref<96x128xf32, #tpu.memory_space<vmem>>) target(%dma_start3A_40 : memref<96x128xf32, #tpu.memory_space<vmem_shared>>) target_semaphore(%run_scoped3A_33 : memref<!tpu.dma_semaphore, #tpu.memory_space<semaphore_mem>>)
      %dma_wait3A = arith.constant 0 : i32
      %dma_wait3A_45 = arith.constant 0 : i32
      %dma_wait3A_46 = tpu.memref_slice %arg8[%run_scoped3A_14, %dma_wait3A, %dma_wait3A_45] : memref<2x96x128xf32, #tpu.memory_space<vmem>> -> memref<1x96x128xf32, #tpu.memory_space<vmem>>
      %dma_wait3A_47 = tpu.memref_squeeze %dma_wait3A_46 : memref<1x96x128xf32, #tpu.memory_space<vmem>> -> memref<96x128xf32, #tpu.memory_space<vmem>>
      %dma_wait3A_48 = arith.constant 0 : i32
      %dma_wait3A_49 = tpu.memref_slice %arg9[%add3A_13, %dma_wait3A_48] : memref<10240x128xf32, #tpu.memory_space<vmem_shared>> -> memref<96x128xf32, #tpu.memory_space<vmem_shared>>
      %dma_wait3A_50 = arith.constant 0 : i32
      %dma_wait3A_51 = tpu.memref_slice %arg9[%add3A_13, %dma_wait3A_50] : memref<10240x128xf32, #tpu.memory_space<vmem_shared>> -> memref<96x128xf32, #tpu.memory_space<vmem_shared>>
      %dma_wait3A_52 = arith.constant 0 : i32
      %dma_wait3A_53 = arith.constant 0 : i32
      %dma_wait3A_54 = tpu.memref_slice %arg8[%run_scoped3A_14, %dma_wait3A_52, %dma_wait3A_53] : memref<2x96x128xf32, #tpu.memory_space<vmem>> -> memref<1x96x128xf32, #tpu.memory_space<vmem>>
      %dma_wait3A_55 = tpu.memref_squeeze %dma_wait3A_54 : memref<1x96x128xf32, #tpu.memory_space<vmem>> -> memref<96x128xf32, #tpu.memory_space<vmem>>
      tpu.wait_dma2 semaphore(%run_scoped3A_33 : memref<!tpu.dma_semaphore, #tpu.memory_space<semaphore_mem>>) src(%dma_wait3A_55 : memref<96x128xf32, #tpu.memory_space<vmem>>) dst(%dma_wait3A_51 : memref<96x128xf32, #tpu.memory_space<vmem_shared>>)
      tpu.yield
    }) : () -> ()
    %add3A_15 = arith.constant 288 : i32
    %add3A_16 = arith.addi %mul3A_6, %add3A_15 : i32
    %run_scoped3A_17 = arith.constant 0 : i32
    "tpu.region"() ({
      %run_scoped3A_33 = tpu.sem_alloc : memref<!tpu.dma_semaphore, #tpu.memory_space<semaphore_mem>>
      %dma_start3A = arith.constant 0 : i32
      %dma_start3A_34 = arith.constant 0 : i32
      %dma_start3A_35 = tpu.memref_slice %arg8[%run_scoped3A_17, %dma_start3A, %dma_start3A_34] : memref<2x96x128xf32, #tpu.memory_space<vmem>> -> memref<1x96x128xf32, #tpu.memory_space<vmem>>
      %dma_start3A_36 = tpu.memref_squeeze %dma_start3A_35 : memref<1x96x128xf32, #tpu.memory_space<vmem>> -> memref<96x128xf32, #tpu.memory_space<vmem>>
      %dma_start3A_37 = arith.constant 0 : i32
      %dma_start3A_38 = tpu.memref_slice %arg9[%add3A_16, %dma_start3A_37] : memref<10240x128xf32, #tpu.memory_space<vmem_shared>> -> memref<96x128xf32, #tpu.memory_space<vmem_shared>>
      %dma_start3A_39 = arith.constant 0 : i32
      %dma_start3A_40 = tpu.memref_slice %arg9[%add3A_16, %dma_start3A_39] : memref<10240x128xf32, #tpu.memory_space<vmem_shared>> -> memref<96x128xf32, #tpu.memory_space<vmem_shared>>
      %dma_start3A_41 = arith.constant 0 : i32
      %dma_start3A_42 = arith.constant 0 : i32
      %dma_start3A_43 = tpu.memref_slice %arg8[%run_scoped3A_17, %dma_start3A_41, %dma_start3A_42] : memref<2x96x128xf32, #tpu.memory_space<vmem>> -> memref<1x96x128xf32, #tpu.memory_space<vmem>>
      %dma_start3A_44 = tpu.memref_squeeze %dma_start3A_43 : memref<1x96x128xf32, #tpu.memory_space<vmem>> -> memref<96x128xf32, #tpu.memory_space<vmem>>
      tpu.enqueue_dma source(%dma_start3A_44 : memref<96x128xf32, #tpu.memory_space<vmem>>) target(%dma_start3A_40 : memref<96x128xf32, #tpu.memory_space<vmem_shared>>) target_semaphore(%run_scoped3A_33 : memref<!tpu.dma_semaphore, #tpu.memory_space<semaphore_mem>>)
      %dma_wait3A = arith.constant 0 : i32
      %dma_wait3A_45 = arith.constant 0 : i32
      %dma_wait3A_46 = tpu.memref_slice %arg8[%run_scoped3A_17, %dma_wait3A, %dma_wait3A_45] : memref<2x96x128xf32, #tpu.memory_space<vmem>> -> memref<1x96x128xf32, #tpu.memory_space<vmem>>
      %dma_wait3A_47 = tpu.memref_squeeze %dma_wait3A_46 : memref<1x96x128xf32, #tpu.memory_space<vmem>> -> memref<96x128xf32, #tpu.memory_space<vmem>>
      %dma_wait3A_48 = arith.constant 0 : i32
      %dma_wait3A_49 = tpu.memref_slice %arg9[%add3A_16, %dma_wait3A_48] : memref<10240x128xf32, #tpu.memory_space<vmem_shared>> -> memref<96x128xf32, #tpu.memory_space<vmem_shared>>
      %dma_wait3A_50 = arith.constant 0 : i32
      %dma_wait3A_51 = tpu.memref_slice %arg9[%add3A_16, %dma_wait3A_50] : memref<10240x128xf32, #tpu.memory_space<vmem_shared>> -> memref<96x128xf32, #tpu.memory_space<vmem_shared>>
      %dma_wait3A_52 = arith.constant 0 : i32
      %dma_wait3A_53 = arith.constant 0 : i32
      %dma_wait3A_54 = tpu.memref_slice %arg8[%run_scoped3A_17, %dma_wait3A_52, %dma_wait3A_53] : memref<2x96x128xf32, #tpu.memory_space<vmem>> -> memref<1x96x128xf32, #tpu.memory_space<vmem>>
      %dma_wait3A_55 = tpu.memref_squeeze %dma_wait3A_54 : memref<1x96x128xf32, #tpu.memory_space<vmem>> -> memref<96x128xf32, #tpu.memory_space<vmem>>
      tpu.wait_dma2 semaphore(%run_scoped3A_33 : memref<!tpu.dma_semaphore, #tpu.memory_space<semaphore_mem>>) src(%dma_wait3A_55 : memref<96x128xf32, #tpu.memory_space<vmem>>) dst(%dma_wait3A_51 : memref<96x128xf32, #tpu.memory_space<vmem_shared>>)
      tpu.yield
    }) : () -> ()
    %add3A_18 = arith.constant 384 : i32
    %add3A_19 = arith.addi %mul3A_6, %add3A_18 : i32
    %run_scoped3A_20 = arith.constant 0 : i32
    "tpu.region"() ({
      %run_scoped3A_33 = tpu.sem_alloc : memref<!tpu.dma_semaphore, #tpu.memory_space<semaphore_mem>>
      %dma_start3A = arith.constant 0 : i32
      %dma_start3A_34 = arith.constant 0 : i32
      %dma_start3A_35 = tpu.memref_slice %arg8[%run_scoped3A_20, %dma_start3A, %dma_start3A_34] : memref<2x96x128xf32, #tpu.memory_space<vmem>> -> memref<1x96x128xf32, #tpu.memory_space<vmem>>
      %dma_start3A_36 = tpu.memref_squeeze %dma_start3A_35 : memref<1x96x128xf32, #tpu.memory_space<vmem>> -> memref<96x128xf32, #tpu.memory_space<vmem>>
      %dma_start3A_37 = arith.constant 0 : i32
      %dma_start3A_38 = tpu.memref_slice %arg9[%add3A_19, %dma_start3A_37] : memref<10240x128xf32, #tpu.memory_space<vmem_shared>> -> memref<96x128xf32, #tpu.memory_space<vmem_shared>>
      %dma_start3A_39 = arith.constant 0 : i32
      %dma_start3A_40 = tpu.memref_slice %arg9[%add3A_19, %dma_start3A_39] : memref<10240x128xf32, #tpu.memory_space<vmem_shared>> -> memref<96x128xf32, #tpu.memory_space<vmem_shared>>
      %dma_start3A_41 = arith.constant 0 : i32
      %dma_start3A_42 = arith.constant 0 : i32
      %dma_start3A_43 = tpu.memref_slice %arg8[%run_scoped3A_20, %dma_start3A_41, %dma_start3A_42] : memref<2x96x128xf32, #tpu.memory_space<vmem>> -> memref<1x96x128xf32, #tpu.memory_space<vmem>>
      %dma_start3A_44 = tpu.memref_squeeze %dma_start3A_43 : memref<1x96x128xf32, #tpu.memory_space<vmem>> -> memref<96x128xf32, #tpu.memory_space<vmem>>
      tpu.enqueue_dma source(%dma_start3A_44 : memref<96x128xf32, #tpu.memory_space<vmem>>) target(%dma_start3A_40 : memref<96x128xf32, #tpu.memory_space<vmem_shared>>) target_semaphore(%run_scoped3A_33 : memref<!tpu.dma_semaphore, #tpu.memory_space<semaphore_mem>>)
      %dma_wait3A = arith.constant 0 : i32
      %dma_wait3A_45 = arith.constant 0 : i32
      %dma_wait3A_46 = tpu.memref_slice %arg8[%run_scoped3A_20, %dma_wait3A, %dma_wait3A_45] : memref<2x96x128xf32, #tpu.memory_space<vmem>> -> memref<1x96x128xf32, #tpu.memory_space<vmem>>
      %dma_wait3A_47 = tpu.memref_squeeze %dma_wait3A_46 : memref<1x96x128xf32, #tpu.memory_space<vmem>> -> memref<96x128xf32, #tpu.memory_space<vmem>>
      %dma_wait3A_48 = arith.constant 0 : i32
      %dma_wait3A_49 = tpu.memref_slice %arg9[%add3A_19, %dma_wait3A_48] : memref<10240x128xf32, #tpu.memory_space<vmem_shared>> -> memref<96x128xf32, #tpu.memory_space<vmem_shared>>
      %dma_wait3A_50 = arith.constant 0 : i32
      %dma_wait3A_51 = tpu.memref_slice %arg9[%add3A_19, %dma_wait3A_50] : memref<10240x128xf32, #tpu.memory_space<vmem_shared>> -> memref<96x128xf32, #tpu.memory_space<vmem_shared>>
      %dma_wait3A_52 = arith.constant 0 : i32
      %dma_wait3A_53 = arith.constant 0 : i32
      %dma_wait3A_54 = tpu.memref_slice %arg8[%run_scoped3A_20, %dma_wait3A_52, %dma_wait3A_53] : memref<2x96x128xf32, #tpu.memory_space<vmem>> -> memref<1x96x128xf32, #tpu.memory_space<vmem>>
      %dma_wait3A_55 = tpu.memref_squeeze %dma_wait3A_54 : memref<1x96x128xf32, #tpu.memory_space<vmem>> -> memref<96x128xf32, #tpu.memory_space<vmem>>
      tpu.wait_dma2 semaphore(%run_scoped3A_33 : memref<!tpu.dma_semaphore, #tpu.memory_space<semaphore_mem>>) src(%dma_wait3A_55 : memref<96x128xf32, #tpu.memory_space<vmem>>) dst(%dma_wait3A_51 : memref<96x128xf32, #tpu.memory_space<vmem_shared>>)
      tpu.yield
    }) : () -> ()
    %add3A_21 = arith.constant 480 : i32
    %add3A_22 = arith.addi %mul3A_6, %add3A_21 : i32
    %run_scoped3A_23 = arith.constant 0 : i32
    "tpu.region"() ({
      %run_scoped3A_33 = tpu.sem_alloc : memref<!tpu.dma_semaphore, #tpu.memory_space<semaphore_mem>>
      %dma_start3A = arith.constant 0 : i32
      %dma_start3A_34 = arith.constant 0 : i32
      %dma_start3A_35 = tpu.memref_slice %arg8[%run_scoped3A_23, %dma_start3A, %dma_start3A_34] : memref<2x96x128xf32, #tpu.memory_space<vmem>> -> memref<1x96x128xf32, #tpu.memory_space<vmem>>
      %dma_start3A_36 = tpu.memref_squeeze %dma_start3A_35 : memref<1x96x128xf32, #tpu.memory_space<vmem>> -> memref<96x128xf32, #tpu.memory_space<vmem>>
      %dma_start3A_37 = arith.constant 0 : i32
      %dma_start3A_38 = tpu.memref_slice %arg9[%add3A_22, %dma_start3A_37] : memref<10240x128xf32, #tpu.memory_space<vmem_shared>> -> memref<96x128xf32, #tpu.memory_space<vmem_shared>>
      %dma_start3A_39 = arith.constant 0 : i32
      %dma_start3A_40 = tpu.memref_slice %arg9[%add3A_22, %dma_start3A_39] : memref<10240x128xf32, #tpu.memory_space<vmem_shared>> -> memref<96x128xf32, #tpu.memory_space<vmem_shared>>
      %dma_start3A_41 = arith.constant 0 : i32
      %dma_start3A_42 = arith.constant 0 : i32
      %dma_start3A_43 = tpu.memref_slice %arg8[%run_scoped3A_23, %dma_start3A_41, %dma_start3A_42] : memref<2x96x128xf32, #tpu.memory_space<vmem>> -> memref<1x96x128xf32, #tpu.memory_space<vmem>>
      %dma_start3A_44 = tpu.memref_squeeze %dma_start3A_43 : memref<1x96x128xf32, #tpu.memory_space<vmem>> -> memref<96x128xf32, #tpu.memory_space<vmem>>
      tpu.enqueue_dma source(%dma_start3A_44 : memref<96x128xf32, #tpu.memory_space<vmem>>) target(%dma_start3A_40 : memref<96x128xf32, #tpu.memory_space<vmem_shared>>) target_semaphore(%run_scoped3A_33 : memref<!tpu.dma_semaphore, #tpu.memory_space<semaphore_mem>>)
      %dma_wait3A = arith.constant 0 : i32
      %dma_wait3A_45 = arith.constant 0 : i32
      %dma_wait3A_46 = tpu.memref_slice %arg8[%run_scoped3A_23, %dma_wait3A, %dma_wait3A_45] : memref<2x96x128xf32, #tpu.memory_space<vmem>> -> memref<1x96x128xf32, #tpu.memory_space<vmem>>
      %dma_wait3A_47 = tpu.memref_squeeze %dma_wait3A_46 : memref<1x96x128xf32, #tpu.memory_space<vmem>> -> memref<96x128xf32, #tpu.memory_space<vmem>>
      %dma_wait3A_48 = arith.constant 0 : i32
      %dma_wait3A_49 = tpu.memref_slice %arg9[%add3A_22, %dma_wait3A_48] : memref<10240x128xf32, #tpu.memory_space<vmem_shared>> -> memref<96x128xf32, #tpu.memory_space<vmem_shared>>
      %dma_wait3A_50 = arith.constant 0 : i32
      %dma_wait3A_51 = tpu.memref_slice %arg9[%add3A_22, %dma_wait3A_50] : memref<10240x128xf32, #tpu.memory_space<vmem_shared>> -> memref<96x128xf32, #tpu.memory_space<vmem_shared>>
      %dma_wait3A_52 = arith.constant 0 : i32
      %dma_wait3A_53 = arith.constant 0 : i32
      %dma_wait3A_54 = tpu.memref_slice %arg8[%run_scoped3A_23, %dma_wait3A_52, %dma_wait3A_53] : memref<2x96x128xf32, #tpu.memory_space<vmem>> -> memref<1x96x128xf32, #tpu.memory_space<vmem>>
      %dma_wait3A_55 = tpu.memref_squeeze %dma_wait3A_54 : memref<1x96x128xf32, #tpu.memory_space<vmem>> -> memref<96x128xf32, #tpu.memory_space<vmem>>
      tpu.wait_dma2 semaphore(%run_scoped3A_33 : memref<!tpu.dma_semaphore, #tpu.memory_space<semaphore_mem>>) src(%dma_wait3A_55 : memref<96x128xf32, #tpu.memory_space<vmem>>) dst(%dma_wait3A_51 : memref<96x128xf32, #tpu.memory_space<vmem_shared>>)
      tpu.yield
    }) : () -> ()
    %add3A_24 = arith.constant 576 : i32
    %add3A_25 = arith.addi %mul3A_6, %add3A_24 : i32
    %run_scoped3A_26 = arith.constant 0 : i32
    "tpu.region"() ({
      %run_scoped3A_33 = tpu.sem_alloc : memref<!tpu.dma_semaphore, #tpu.memory_space<semaphore_mem>>
      %dma_start3A = arith.constant 0 : i32
      %dma_start3A_34 = arith.constant 0 : i32
      %dma_start3A_35 = tpu.memref_slice %arg8[%run_scoped3A_26, %dma_start3A, %dma_start3A_34] : memref<2x96x128xf32, #tpu.memory_space<vmem>> -> memref<1x64x128xf32, #tpu.memory_space<vmem>>
      %dma_start3A_36 = tpu.memref_squeeze %dma_start3A_35 : memref<1x64x128xf32, #tpu.memory_space<vmem>> -> memref<64x128xf32, #tpu.memory_space<vmem>>
      %dma_start3A_37 = arith.constant 0 : i32
      %dma_start3A_38 = tpu.memref_slice %arg9[%add3A_25, %dma_start3A_37] : memref<10240x128xf32, #tpu.memory_space<vmem_shared>> -> memref<64x128xf32, #tpu.memory_space<vmem_shared>>
      %dma_start3A_39 = arith.constant 0 : i32
      %dma_start3A_40 = tpu.memref_slice %arg9[%add3A_25, %dma_start3A_39] : memref<10240x128xf32, #tpu.memory_space<vmem_shared>> -> memref<64x128xf32, #tpu.memory_space<vmem_shared>>
      %dma_start3A_41 = arith.constant 0 : i32
      %dma_start3A_42 = arith.constant 0 : i32
      %dma_start3A_43 = tpu.memref_slice %arg8[%run_scoped3A_26, %dma_start3A_41, %dma_start3A_42] : memref<2x96x128xf32, #tpu.memory_space<vmem>> -> memref<1x64x128xf32, #tpu.memory_space<vmem>>
      %dma_start3A_44 = tpu.memref_squeeze %dma_start3A_43 : memref<1x64x128xf32, #tpu.memory_space<vmem>> -> memref<64x128xf32, #tpu.memory_space<vmem>>
      tpu.enqueue_dma source(%dma_start3A_44 : memref<64x128xf32, #tpu.memory_space<vmem>>) target(%dma_start3A_40 : memref<64x128xf32, #tpu.memory_space<vmem_shared>>) target_semaphore(%run_scoped3A_33 : memref<!tpu.dma_semaphore, #tpu.memory_space<semaphore_mem>>)
      %dma_wait3A = arith.constant 0 : i32
      %dma_wait3A_45 = arith.constant 0 : i32
      %dma_wait3A_46 = tpu.memref_slice %arg8[%run_scoped3A_26, %dma_wait3A, %dma_wait3A_45] : memref<2x96x128xf32, #tpu.memory_space<vmem>> -> memref<1x64x128xf32, #tpu.memory_space<vmem>>
      %dma_wait3A_47 = tpu.memref_squeeze %dma_wait3A_46 : memref<1x64x128xf32, #tpu.memory_space<vmem>> -> memref<64x128xf32, #tpu.memory_space<vmem>>
      %dma_wait3A_48 = arith.constant 0 : i32
      %dma_wait3A_49 = tpu.memref_slice %arg9[%add3A_25, %dma_wait3A_48] : memref<10240x128xf32, #tpu.memory_space<vmem_shared>> -> memref<64x128xf32, #tpu.memory_space<vmem_shared>>
      %dma_wait3A_50 = arith.constant 0 : i32
      %dma_wait3A_51 = tpu.memref_slice %arg9[%add3A_25, %dma_wait3A_50] : memref<10240x128xf32, #tpu.memory_space<vmem_shared>> -> memref<64x128xf32, #tpu.memory_space<vmem_shared>>
      %dma_wait3A_52 = arith.constant 0 : i32
      %dma_wait3A_53 = arith.constant 0 : i32
      %dma_wait3A_54 = tpu.memref_slice %arg8[%run_scoped3A_26, %dma_wait3A_52, %dma_wait3A_53] : memref<2x96x128xf32, #tpu.memory_space<vmem>> -> memref<1x64x128xf32, #tpu.memory_space<vmem>>
      %dma_wait3A_55 = tpu.memref_squeeze %dma_wait3A_54 : memref<1x64x128xf32, #tpu.memory_space<vmem>> -> memref<64x128xf32, #tpu.memory_space<vmem>>
      tpu.wait_dma2 semaphore(%run_scoped3A_33 : memref<!tpu.dma_semaphore, #tpu.memory_space<semaphore_mem>>) src(%dma_wait3A_55 : memref<64x128xf32, #tpu.memory_space<vmem>>) dst(%dma_wait3A_51 : memref<64x128xf32, #tpu.memory_space<vmem_shared>>)
      tpu.yield
    }) : () -> ()
    %barrier3A = arith.constant 0 : index
    tpu.barrier barrier_id(%barrier3A)
    %scan3A_27 = arith.constant 0 : i32
    %scan3A_28 = arith.constant 106 : i32
    %scan3A_29 = arith.addi %scan3A_27, %scan3A_28 : i32
    %scan3A_30 = arith.constant 1 : i32
    scf.for %scan3A_33 = %scan3A_27 to %scan3A_29 step %scan3A_30  : i32 {
      %dma_start3A = arith.constant 0 : i32
      %dma_start3A_34 = arith.constant 0 : i32
      %dma_start3A_35 = arith.constant 0 : i32
      %dma_start3A_36 = arith.constant 0 : i32
      %dma_start3A_37 = tpu.memref_slice %arg8[%dma_start3A, %dma_start3A_35, %dma_start3A_36] : memref<2x96x128xf32, #tpu.memory_space<vmem>> -> memref<1x96x128xf32, #tpu.memory_space<vmem>>
      %dma_start3A_38 = tpu.memref_squeeze %dma_start3A_37 : memref<1x96x128xf32, #tpu.memory_space<vmem>> -> memref<96x128xf32, #tpu.memory_space<vmem>>
      %dma_start3A_39 = arith.constant 0 : i32
      %dma_start3A_40 = tpu.memref_slice %arg6[%scan3A_33, %dma_start3A_39] : memref<106x96xi32, #tpu.memory_space<vmem>> -> memref<1x96xi32, #tpu.memory_space<vmem>>
      %dma_start3A_41 = tpu.memref_squeeze %dma_start3A_40 : memref<1x96xi32, #tpu.memory_space<vmem>> -> memref<96xi32, #tpu.memory_space<vmem>>
      %dma_start3A_42 = arith.constant 0 : i32
      %dma_start3A_43 = arith.constant 0 : i32
      %dma_start3A_44 = tpu.memref_slice %arg2[%dma_start3A_42, %dma_start3A_43] : memref<10000x128xf32, #tpu.memory_space<hbm>> -> memref<10000x128xf32, #tpu.memory_space<hbm>>
      %dma_start3A_45 = tpu.memref_slice %arg10[%dma_start3A_34] : memref<2x!tpu.dma_semaphore, #tpu.memory_space<semaphore_mem>> -> memref<1x!tpu.dma_semaphore, #tpu.memory_space<semaphore_mem>>
      %dma_start3A_46 = tpu.memref_squeeze %dma_start3A_45 : memref<1x!tpu.dma_semaphore, #tpu.memory_space<semaphore_mem>> -> memref<!tpu.dma_semaphore, #tpu.memory_space<semaphore_mem>>
      tpu.enqueue_indirect_dma source(%dma_start3A_44 : memref<10000x128xf32, #tpu.memory_space<hbm>>) target(%dma_start3A_38 : memref<96x128xf32, #tpu.memory_space<vmem>>) offsets(%dma_start3A_41 : memref<96xi32, #tpu.memory_space<vmem>>) semaphore(%dma_start3A_46 : memref<!tpu.dma_semaphore, #tpu.memory_space<semaphore_mem>>)
      %dma_wait3A = arith.constant 0 : i32
      %dma_wait3A_47 = arith.constant 0 : i32
      %dma_wait3A_48 = arith.constant 0 : i32
      %dma_wait3A_49 = arith.constant 0 : i32
      %dma_wait3A_50 = tpu.memref_slice %arg8[%dma_wait3A, %dma_wait3A_48, %dma_wait3A_49] : memref<2x96x128xf32, #tpu.memory_space<vmem>> -> memref<1x96x128xf32, #tpu.memory_space<vmem>>
      %dma_wait3A_51 = tpu.memref_squeeze %dma_wait3A_50 : memref<1x96x128xf32, #tpu.memory_space<vmem>> -> memref<96x128xf32, #tpu.memory_space<vmem>>
      %dma_wait3A_52 = arith.constant 0 : i32
      %dma_wait3A_53 = tpu.memref_slice %arg6[%scan3A_33, %dma_wait3A_52] : memref<106x96xi32, #tpu.memory_space<vmem>> -> memref<1x96xi32, #tpu.memory_space<vmem>>
      %dma_wait3A_54 = tpu.memref_squeeze %dma_wait3A_53 : memref<1x96xi32, #tpu.memory_space<vmem>> -> memref<96xi32, #tpu.memory_space<vmem>>
      %dma_wait3A_55 = arith.constant 0 : i32
      %dma_wait3A_56 = arith.constant 0 : i32
      %dma_wait3A_57 = tpu.memref_slice %arg2[%dma_wait3A_55, %dma_wait3A_56] : memref<10000x128xf32, #tpu.memory_space<hbm>> -> memref<10000x128xf32, #tpu.memory_space<hbm>>
      %dma_wait3A_58 = tpu.memref_slice %arg10[%dma_wait3A_47] : memref<2x!tpu.dma_semaphore, #tpu.memory_space<semaphore_mem>> -> memref<1x!tpu.dma_semaphore, #tpu.memory_space<semaphore_mem>>
      %dma_wait3A_59 = tpu.memref_squeeze %dma_wait3A_58 : memref<1x!tpu.dma_semaphore, #tpu.memory_space<semaphore_mem>> -> memref<!tpu.dma_semaphore, #tpu.memory_space<semaphore_mem>>
      tpu.wait_indirect_dma semaphore(%dma_wait3A_59 : memref<!tpu.dma_semaphore, #tpu.memory_space<semaphore_mem>>) src(%dma_wait3A_57 : memref<10000x128xf32, #tpu.memory_space<hbm>>) dst(%dma_wait3A_51 : memref<96x128xf32, #tpu.memory_space<vmem>>)
      %run_scoped3A_60 = arith.constant 0 : i32
      "tpu.region"() ({
        %run_scoped3A_61 = tpu.sem_alloc : memref<!tpu.dma_semaphore, #tpu.memory_space<semaphore_mem>>
        %dma_start3A_62 = arith.constant 0 : i32
        %dma_start3A_63 = arith.constant 0 : i32
        %dma_start3A_64 = tpu.memref_slice %arg8[%run_scoped3A_60, %dma_start3A_62, %dma_start3A_63] : memref<2x96x128xf32, #tpu.memory_space<vmem>> -> memref<1x96x128xf32, #tpu.memory_space<vmem>>
        %dma_start3A_65 = tpu.memref_squeeze %dma_start3A_64 : memref<1x96x128xf32, #tpu.memory_space<vmem>> -> memref<96x128xf32, #tpu.memory_space<vmem>>
        %dma_start3A_66 = arith.constant 0 : i32
        %dma_start3A_67 = tpu.memref_slice %arg7[%scan3A_33, %dma_start3A_66] : memref<106x96xi32, #tpu.memory_space<vmem>> -> memref<1x96xi32, #tpu.memory_space<vmem>>
        %dma_start3A_68 = tpu.memref_squeeze %dma_start3A_67 : memref<1x96xi32, #tpu.memory_space<vmem>> -> memref<96xi32, #tpu.memory_space<vmem>>
        %dma_start3A_69 = arith.constant 0 : i32
        %dma_start3A_70 = arith.constant 0 : i32
        %dma_start3A_71 = tpu.memref_slice %arg9[%dma_start3A_69, %dma_start3A_70] : memref<10240x128xf32, #tpu.memory_space<vmem_shared>> -> memref<10240x128xf32, #tpu.memory_space<vmem_shared>>
        tpu.enqueue_indirect_dma source(%dma_start3A_65 : memref<96x128xf32, #tpu.memory_space<vmem>>) target(%dma_start3A_71 : memref<10240x128xf32, #tpu.memory_space<vmem_shared>>) offsets(%dma_start3A_68 : memref<96xi32, #tpu.memory_space<vmem>>) semaphore(%run_scoped3A_61 : memref<!tpu.dma_semaphore, #tpu.memory_space<semaphore_mem>>) {add = true}
        %dma_wait3A_72 = arith.constant 0 : i32
        %dma_wait3A_73 = arith.constant 0 : i32
        %dma_wait3A_74 = tpu.memref_slice %arg8[%run_scoped3A_60, %dma_wait3A_72, %dma_wait3A_73] : memref<2x96x128xf32, #tpu.memory_space<vmem>> -> memref<1x96x128xf32, #tpu.memory_space<vmem>>
        %dma_wait3A_75 = tpu.memref_squeeze %dma_wait3A_74 : memref<1x96x128xf32, #tpu.memory_space<vmem>> -> memref<96x128xf32, #tpu.memory_space<vmem>>
        %dma_wait3A_76 = arith.constant 0 : i32
        %dma_wait3A_77 = tpu.memref_slice %arg7[%scan3A_33, %dma_wait3A_76] : memref<106x96xi32, #tpu.memory_space<vmem>> -> memref<1x96xi32, #tpu.memory_space<vmem>>
        %dma_wait3A_78 = tpu.memref_squeeze %dma_wait3A_77 : memref<1x96xi32, #tpu.memory_space<vmem>> -> memref<96xi32, #tpu.memory_space<vmem>>
        %dma_wait3A_79 = arith.constant 0 : i32
        %dma_wait3A_80 = arith.constant 0 : i32
        %dma_wait3A_81 = tpu.memref_slice %arg9[%dma_wait3A_79, %dma_wait3A_80] : memref<10240x128xf32, #tpu.memory_space<vmem_shared>> -> memref<10240x128xf32, #tpu.memory_space<vmem_shared>>
        tpu.wait_indirect_dma semaphore(%run_scoped3A_61 : memref<!tpu.dma_semaphore, #tpu.memory_space<semaphore_mem>>) src(%dma_wait3A_75 : memref<96x128xf32, #tpu.memory_space<vmem>>) dst(%dma_wait3A_81 : memref<10240x128xf32, #tpu.memory_space<vmem_shared>>)
        tpu.yield
      }) : () -> ()
    }
    %scan3A_31 = arith.constant 106 : i32
    %barrier3A_32 = arith.constant 0 : index
    tpu.barrier barrier_id(%barrier3A_32)
    "tpu.region"() ({
      %run_scoped3A_33 = tpu.sem_alloc : memref<!tpu.dma_semaphore, #tpu.memory_space<semaphore_mem>>
      %dma_start3A = arith.constant 0 : i32
      %dma_start3A_34 = tpu.memref_slice %arg5[%arg0, %mul3A_6, %dma_start3A] : memref<2x10240x128xf32, #tpu.memory_space<hbm>> -> memref<1x640x128xf32, #tpu.memory_space<hbm>>
      %dma_start3A_35 = tpu.memref_squeeze %dma_start3A_34 : memref<1x640x128xf32, #tpu.memory_space<hbm>> -> memref<640x128xf32, #tpu.memory_space<hbm>>
      %dma_start3A_36 = arith.constant 0 : i32
      %dma_start3A_37 = tpu.memref_slice %arg9[%mul3A_6, %dma_start3A_36] : memref<10240x128xf32, #tpu.memory_space<vmem_shared>> -> memref<640x128xf32, #tpu.memory_space<vmem_shared>>
      tpu.enqueue_dma source(%dma_start3A_37 : memref<640x128xf32, #tpu.memory_space<vmem_shared>>) target(%dma_start3A_35 : memref<640x128xf32, #tpu.memory_space<hbm>>) target_semaphore(%run_scoped3A_33 : memref<!tpu.dma_semaphore, #tpu.memory_space<semaphore_mem>>)
      %dma_wait3A = arith.constant 0 : i32
      %dma_wait3A_38 = tpu.memref_slice %arg5[%arg0, %mul3A_6, %dma_wait3A] : memref<2x10240x128xf32, #tpu.memory_space<hbm>> -> memref<1x640x128xf32, #tpu.memory_space<hbm>>
      %dma_wait3A_39 = tpu.memref_squeeze %dma_wait3A_38 : memref<1x640x128xf32, #tpu.memory_space<hbm>> -> memref<640x128xf32, #tpu.memory_space<hbm>>
      %dma_wait3A_40 = arith.constant 0 : i32
      %dma_wait3A_41 = tpu.memref_slice %arg9[%mul3A_6, %dma_wait3A_40] : memref<10240x128xf32, #tpu.memory_space<vmem_shared>> -> memref<640x128xf32, #tpu.memory_space<vmem_shared>>
      tpu.wait_dma2 semaphore(%run_scoped3A_33 : memref<!tpu.dma_semaphore, #tpu.memory_space<semaphore_mem>>) src(%dma_wait3A_41 : memref<640x128xf32, #tpu.memory_space<vmem_shared>>) dst(%dma_wait3A_39 : memref<640x128xf32, #tpu.memory_space<hbm>>)
      tpu.yield
    }) : () -> ()
    return
  }
}

module attributes {stable_mosaic.version = 14 : i64} {
  func.func @_tc1_body(%arg0: i32, %arg1: memref<1000x128xf32, #tpu.memory_space<vmem>>, %arg2: memref<1000x1xi32, #tpu.memory_space<vmem>>, %arg3: memref<2x1000x16xf32, #tpu.memory_space<vmem>>, %arg4: memref<2x1000x16xf32, #tpu.memory_space<vmem>>, %arg5: memref<4x128x128xf32, #tpu.memory_space<vmem>>, %arg6: memref<4x128xf32, #tpu.memory_space<vmem>>, %arg7: memref<1000x128xf32, #tpu.memory_space<vmem>>, %arg8: memref<1000x1xf32, #tpu.memory_space<vmem>>, %arg9: memref<1000x1xf32, #tpu.memory_space<vmem>>) attributes {dimension_semantics = [#tpu.dimension_semantics<arbitrary>], iteration_bounds = array<i64: 10>, scalar_prefetch = 0 : i64, scratch_operands = 0 : i64, tpu.core_type = #tpu.core_type<tc>, window_params = [{transform_indices = @transform_0, window_bounds = array<i64: 1000, 128>}, {transform_indices = @transform_1, window_bounds = array<i64: 1000, 1>}, {transform_indices = @transform_2, window_bounds = array<i64: 2, 1000, 16>}, {transform_indices = @transform_3, window_bounds = array<i64: 2, 1000, 16>}, {pipeline_mode = #tpu.pipeline_mode<synchronous>, transform_indices = @transform_4, window_bounds = array<i64: 4, 128, 128>}, {pipeline_mode = #tpu.pipeline_mode<synchronous>, transform_indices = @transform_5, window_bounds = array<i64: 4, 128>}, {transform_indices = @transform_6, window_bounds = array<i64: 1000, 128>}, {transform_indices = @transform_7, window_bounds = array<i64: 1000, 1>}, {transform_indices = @transform_8, window_bounds = array<i64: 1000, 1>}]} {
    %get3A = arith.constant 0 : index
    %get3A_0 = arith.constant 0 : index
    %get3A_1 = vector.load %arg1[%get3A, %get3A_0] : memref<1000x128xf32, #tpu.memory_space<vmem>>, vector<1000x128xf32>
    %get3A_2 = arith.constant 0 : index
    %get3A_3 = arith.constant 0 : index
    %get3A_4 = vector.load %arg2[%get3A_2, %get3A_3] : memref<1000x1xi32, #tpu.memory_space<vmem>>, vector<1000x1xi32>
    %broadcast_in_dim3A = arith.constant 0.000000e+00 : f32
    %broadcast_in_dim3A_5 = vector.broadcast %broadcast_in_dim3A : f32 to vector<1000x128xf32>
    %get3A_6 = arith.constant 0 : index
    %get3A_7 = arith.constant 0 : index
    %get3A_8 = arith.constant 0 : index
    %get3A_9 = vector.load %arg5[%get3A_6, %get3A_7, %get3A_8] : memref<4x128x128xf32, #tpu.memory_space<vmem>>, vector<1x128x128xf32>
    %get3A_10 = vector.shape_cast %get3A_9 : vector<1x128x128xf32> to vector<128x128xf32>
    %dot_general3A = arith.constant dense<0.000000e+00> : vector<1000x128xf32>
    %dot_general3A_11 = tpu.matmul %get3A_1, %get3A_10, %dot_general3A {dimension_numbers = #tpu.dot_dimension_numbers<[1], [1], [0], [0], [0, 0, 1, 0], [], []>, transpose_lhs_hint = false} : vector<1000x128xf32>, vector<128x128xf32>, vector<1000x128xf32> -> vector<1000x128xf32>
    %get3A_12 = arith.constant 0 : index
    %get3A_13 = arith.constant 0 : index
    %get3A_14 = vector.load %arg6[%get3A_12, %get3A_13] : memref<4x128xf32, #tpu.memory_space<vmem>>, vector<1x128xf32>
    %get3A_15 = vector.shape_cast %get3A_14 : vector<1x128xf32> to vector<128xf32>
    %broadcast_in_dim3A_16 = vector.shape_cast %get3A_15 : vector<128xf32> to vector<1x128xf32>
    %add3A = vector.broadcast %broadcast_in_dim3A_16 : vector<1x128xf32> to vector<1000x128xf32>
    %add3A_17 = arith.addf %dot_general3A_11, %add3A : vector<1000x128xf32>
    %eq3A = arith.constant 0 : i32
    %eq3A_18 = vector.broadcast %eq3A : i32 to vector<1000x1xi32>
    %eq3A_19 = arith.cmpi eq, %get3A_4, %eq3A_18 : vector<1000x1xi32>
    %broadcast_in_dim3A_20 = vector.shape_cast %eq3A_19 : vector<1000x1xi1> to vector<1000x1xi1>
    %broadcast_in_dim3A_21 = vector.broadcast %broadcast_in_dim3A_20 : vector<1000x1xi1> to vector<1000x128xi1>
    %select_n3A = arith.select %broadcast_in_dim3A_21, %add3A_17, %broadcast_in_dim3A_5 : vector<1000x128xi1>, vector<1000x128xf32>
    %get3A_22 = arith.constant 1 : index
    %get3A_23 = arith.constant 0 : index
    %get3A_24 = arith.constant 0 : index
    %get3A_25 = vector.load %arg5[%get3A_22, %get3A_23, %get3A_24] : memref<4x128x128xf32, #tpu.memory_space<vmem>>, vector<1x128x128xf32>
    %get3A_26 = vector.shape_cast %get3A_25 : vector<1x128x128xf32> to vector<128x128xf32>
    %dot_general3A_27 = arith.constant dense<0.000000e+00> : vector<1000x128xf32>
    %dot_general3A_28 = tpu.matmul %get3A_1, %get3A_26, %dot_general3A_27 {dimension_numbers = #tpu.dot_dimension_numbers<[1], [1], [0], [0], [0, 0, 1, 0], [], []>, transpose_lhs_hint = false} : vector<1000x128xf32>, vector<128x128xf32>, vector<1000x128xf32> -> vector<1000x128xf32>
    %get3A_29 = arith.constant 1 : index
    %get3A_30 = arith.constant 0 : index
    %get3A_31 = vector.load %arg6[%get3A_29, %get3A_30] : memref<4x128xf32, #tpu.memory_space<vmem>>, vector<1x128xf32>
    %get3A_32 = vector.shape_cast %get3A_31 : vector<1x128xf32> to vector<128xf32>
    %broadcast_in_dim3A_33 = vector.shape_cast %get3A_32 : vector<128xf32> to vector<1x128xf32>
    %add3A_34 = vector.broadcast %broadcast_in_dim3A_33 : vector<1x128xf32> to vector<1000x128xf32>
    %add3A_35 = arith.addf %dot_general3A_28, %add3A_34 : vector<1000x128xf32>
    %eq3A_36 = arith.constant 1 : i32
    %eq3A_37 = vector.broadcast %eq3A_36 : i32 to vector<1000x1xi32>
    %eq3A_38 = arith.cmpi eq, %get3A_4, %eq3A_37 : vector<1000x1xi32>
    %broadcast_in_dim3A_39 = vector.shape_cast %eq3A_38 : vector<1000x1xi1> to vector<1000x1xi1>
    %broadcast_in_dim3A_40 = vector.broadcast %broadcast_in_dim3A_39 : vector<1000x1xi1> to vector<1000x128xi1>
    %select_n3A_41 = arith.select %broadcast_in_dim3A_40, %add3A_35, %select_n3A : vector<1000x128xi1>, vector<1000x128xf32>
    %get3A_42 = arith.constant 2 : index
    %get3A_43 = arith.constant 0 : index
    %get3A_44 = arith.constant 0 : index
    %get3A_45 = vector.load %arg5[%get3A_42, %get3A_43, %get3A_44] : memref<4x128x128xf32, #tpu.memory_space<vmem>>, vector<1x128x128xf32>
    %get3A_46 = vector.shape_cast %get3A_45 : vector<1x128x128xf32> to vector<128x128xf32>
    %dot_general3A_47 = arith.constant dense<0.000000e+00> : vector<1000x128xf32>
    %dot_general3A_48 = tpu.matmul %get3A_1, %get3A_46, %dot_general3A_47 {dimension_numbers = #tpu.dot_dimension_numbers<[1], [1], [0], [0], [0, 0, 1, 0], [], []>, transpose_lhs_hint = false} : vector<1000x128xf32>, vector<128x128xf32>, vector<1000x128xf32> -> vector<1000x128xf32>
    %get3A_49 = arith.constant 2 : index
    %get3A_50 = arith.constant 0 : index
    %get3A_51 = vector.load %arg6[%get3A_49, %get3A_50] : memref<4x128xf32, #tpu.memory_space<vmem>>, vector<1x128xf32>
    %get3A_52 = vector.shape_cast %get3A_51 : vector<1x128xf32> to vector<128xf32>
    %broadcast_in_dim3A_53 = vector.shape_cast %get3A_52 : vector<128xf32> to vector<1x128xf32>
    %add3A_54 = vector.broadcast %broadcast_in_dim3A_53 : vector<1x128xf32> to vector<1000x128xf32>
    %add3A_55 = arith.addf %dot_general3A_48, %add3A_54 : vector<1000x128xf32>
    %eq3A_56 = arith.constant 2 : i32
    %eq3A_57 = vector.broadcast %eq3A_56 : i32 to vector<1000x1xi32>
    %eq3A_58 = arith.cmpi eq, %get3A_4, %eq3A_57 : vector<1000x1xi32>
    %broadcast_in_dim3A_59 = vector.shape_cast %eq3A_58 : vector<1000x1xi1> to vector<1000x1xi1>
    %broadcast_in_dim3A_60 = vector.broadcast %broadcast_in_dim3A_59 : vector<1000x1xi1> to vector<1000x128xi1>
    %select_n3A_61 = arith.select %broadcast_in_dim3A_60, %add3A_55, %select_n3A_41 : vector<1000x128xi1>, vector<1000x128xf32>
    %get3A_62 = arith.constant 3 : index
    %get3A_63 = arith.constant 0 : index
    %get3A_64 = arith.constant 0 : index
    %get3A_65 = vector.load %arg5[%get3A_62, %get3A_63, %get3A_64] : memref<4x128x128xf32, #tpu.memory_space<vmem>>, vector<1x128x128xf32>
    %get3A_66 = vector.shape_cast %get3A_65 : vector<1x128x128xf32> to vector<128x128xf32>
    %dot_general3A_67 = arith.constant dense<0.000000e+00> : vector<1000x128xf32>
    %dot_general3A_68 = tpu.matmul %get3A_1, %get3A_66, %dot_general3A_67 {dimension_numbers = #tpu.dot_dimension_numbers<[1], [1], [0], [0], [0, 0, 1, 0], [], []>, transpose_lhs_hint = false} : vector<1000x128xf32>, vector<128x128xf32>, vector<1000x128xf32> -> vector<1000x128xf32>
    %get3A_69 = arith.constant 3 : index
    %get3A_70 = arith.constant 0 : index
    %get3A_71 = vector.load %arg6[%get3A_69, %get3A_70] : memref<4x128xf32, #tpu.memory_space<vmem>>, vector<1x128xf32>
    %get3A_72 = vector.shape_cast %get3A_71 : vector<1x128xf32> to vector<128xf32>
    %broadcast_in_dim3A_73 = vector.shape_cast %get3A_72 : vector<128xf32> to vector<1x128xf32>
    %add3A_74 = vector.broadcast %broadcast_in_dim3A_73 : vector<1x128xf32> to vector<1000x128xf32>
    %add3A_75 = arith.addf %dot_general3A_68, %add3A_74 : vector<1000x128xf32>
    %eq3A_76 = arith.constant 3 : i32
    %eq3A_77 = vector.broadcast %eq3A_76 : i32 to vector<1000x1xi32>
    %eq3A_78 = arith.cmpi eq, %get3A_4, %eq3A_77 : vector<1000x1xi32>
    %broadcast_in_dim3A_79 = vector.shape_cast %eq3A_78 : vector<1000x1xi1> to vector<1000x1xi1>
    %broadcast_in_dim3A_80 = vector.broadcast %broadcast_in_dim3A_79 : vector<1000x1xi1> to vector<1000x128xi1>
    %select_n3A_81 = arith.select %broadcast_in_dim3A_80, %add3A_75, %select_n3A_61 : vector<1000x128xi1>, vector<1000x128xf32>
    %get3A_82 = arith.constant 0 : index
    %get3A_83 = arith.constant 0 : index
    %get3A_84 = arith.constant 0 : index
    %get3A_85 = vector.load %arg3[%get3A_82, %get3A_83, %get3A_84] : memref<2x1000x16xf32, #tpu.memory_space<vmem>>, vector<1x1000x1xf32>
    %get3A_86 = vector.shape_cast %get3A_85 : vector<1x1000x1xf32> to vector<1000x1xf32>
    %get3A_87 = arith.constant 1 : index
    %get3A_88 = arith.constant 0 : index
    %get3A_89 = arith.constant 0 : index
    %get3A_90 = vector.load %arg3[%get3A_87, %get3A_88, %get3A_89] : memref<2x1000x16xf32, #tpu.memory_space<vmem>>, vector<1x1000x1xf32>
    %get3A_91 = vector.shape_cast %get3A_90 : vector<1x1000x1xf32> to vector<1000x1xf32>
    %add3A_92 = arith.addf %get3A_86, %get3A_91 : vector<1000x1xf32>
    %add3A_93 = arith.constant 1.000000e+00 : f32
    %add3A_94 = vector.broadcast %add3A_93 : f32 to vector<1000x1xf32>
    %add3A_95 = arith.addf %add3A_92, %add3A_94 : vector<1000x1xf32>
    %get3A_96 = arith.constant 0 : index
    %get3A_97 = arith.constant 0 : index
    %get3A_98 = arith.constant 0 : index
    %get3A_99 = vector.load %arg4[%get3A_96, %get3A_97, %get3A_98] : memref<2x1000x16xf32, #tpu.memory_space<vmem>>, vector<1x1000x1xf32>
    %get3A_100 = vector.shape_cast %get3A_99 : vector<1x1000x1xf32> to vector<1000x1xf32>
    %get3A_101 = arith.constant 1 : index
    %get3A_102 = arith.constant 0 : index
    %get3A_103 = arith.constant 0 : index
    %get3A_104 = vector.load %arg4[%get3A_101, %get3A_102, %get3A_103] : memref<2x1000x16xf32, #tpu.memory_space<vmem>>, vector<1x1000x1xf32>
    %get3A_105 = vector.shape_cast %get3A_104 : vector<1x1000x1xf32> to vector<1000x1xf32>
    %add3A_106 = arith.addf %get3A_100, %get3A_105 : vector<1000x1xf32>
    %add3A_107 = arith.constant 1.000000e+00 : f32
    %add3A_108 = vector.broadcast %add3A_107 : f32 to vector<1000x1xf32>
    %add3A_109 = arith.addf %add3A_106, %add3A_108 : vector<1000x1xf32>
    %rsqrt3A = math.rsqrt %add3A_95 : vector<1000x1xf32>
    %rsqrt3A_110 = math.rsqrt %add3A_109 : vector<1000x1xf32>
    %mul3A = vector.broadcast %rsqrt3A : vector<1000x1xf32> to vector<1000x128xf32>
    %mul3A_111 = arith.mulf %select_n3A_81, %mul3A : vector<1000x128xf32>
    %swap3A = arith.constant 0 : index
    %swap3A_112 = arith.constant 0 : index
    %swap3A_113 = vector.load %arg7[%swap3A, %swap3A_112] : memref<1000x128xf32, #tpu.memory_space<vmem>>, vector<1000x128xf32>
    tpu.vector_store %arg7[%swap3A, %swap3A_112], %mul3A_111 {strides = array<i32>} : memref<1000x128xf32, #tpu.memory_space<vmem>>, vector<1000x128xf32>,
    %swap3A_114 = arith.constant 0 : index
    %swap3A_115 = arith.constant 0 : index
    %swap3A_116 = vector.load %arg8[%swap3A_114, %swap3A_115] : memref<1000x1xf32, #tpu.memory_space<vmem>>, vector<1000x1xf32>
    tpu.vector_store %arg8[%swap3A_114, %swap3A_115], %rsqrt3A {strides = array<i32>} : memref<1000x1xf32, #tpu.memory_space<vmem>>, vector<1000x1xf32>,
    %swap3A_117 = arith.constant 0 : index
    %swap3A_118 = arith.constant 0 : index
    %swap3A_119 = vector.load %arg9[%swap3A_117, %swap3A_118] : memref<1000x1xf32, #tpu.memory_space<vmem>>, vector<1000x1xf32>
    tpu.vector_store %arg9[%swap3A_117, %swap3A_118], %rsqrt3A_110 {strides = array<i32>} : memref<1000x1xf32, #tpu.memory_space<vmem>>, vector<1000x1xf32>,
    return
  }
  func.func @transform_0(%arg0: i32) -> (i32, i32) {
    %c0_i32 = arith.constant 0 : i32
    %c0_i32_0 = arith.constant 0 : i32
    return %arg0, %c0_i32 : i32, i32
  }
  func.func @transform_1(%arg0: i32) -> (i32, i32) {
    %c0_i32 = arith.constant 0 : i32
    %c0_i32_0 = arith.constant 0 : i32
    return %arg0, %c0_i32 : i32, i32
  }
  func.func @transform_2(%arg0: i32) -> (i32, i32, i32) {
    %c0_i32 = arith.constant 0 : i32
    %c0_i32_0 = arith.constant 0 : i32
    %c0_i32_1 = arith.constant 0 : i32
    return %c0_i32, %arg0, %c0_i32_0 : i32, i32, i32
  }
  func.func @transform_3(%arg0: i32) -> (i32, i32, i32) {
    %c0_i32 = arith.constant 0 : i32
    %c0_i32_0 = arith.constant 0 : i32
    %c0_i32_1 = arith.constant 0 : i32
    return %c0_i32, %arg0, %c0_i32_0 : i32, i32, i32
  }
  func.func @transform_4(%arg0: i32) -> (i32, i32, i32) {
    %c0_i32 = arith.constant 0 : i32
    %c0_i32_0 = arith.constant 0 : i32
    %c0_i32_1 = arith.constant 0 : i32
    %c0_i32_2 = arith.constant 0 : i32
    return %c0_i32, %c0_i32_0, %c0_i32_1 : i32, i32, i32
  }
  func.func @transform_5(%arg0: i32) -> (i32, i32) {
    %c0_i32 = arith.constant 0 : i32
    %c0_i32_0 = arith.constant 0 : i32
    %c0_i32_1 = arith.constant 0 : i32
    return %c0_i32, %c0_i32_0 : i32, i32
  }
  func.func @transform_6(%arg0: i32) -> (i32, i32) {
    %c0_i32 = arith.constant 0 : i32
    %c0_i32_0 = arith.constant 0 : i32
    return %arg0, %c0_i32 : i32, i32
  }
  func.func @transform_7(%arg0: i32) -> (i32, i32) {
    %c0_i32 = arith.constant 0 : i32
    %c0_i32_0 = arith.constant 0 : i32
    return %arg0, %c0_i32 : i32, i32
  }
  func.func @transform_8(%arg0: i32) -> (i32, i32) {
    %c0_i32 = arith.constant 0 : i32
    %c0_i32_0 = arith.constant 0 : i32
    return %arg0, %c0_i32 : i32, i32
  }
}

module attributes {stable_mosaic.version = 14 : i64} {
  func.func @_tc2_body(%arg0: i32, %arg1: memref<1000x128xf32, #tpu.memory_space<vmem>>, %arg2: memref<2x1000x128xf32, #tpu.memory_space<vmem>>, %arg3: memref<1000x1xf32, #tpu.memory_space<vmem>>, %arg4: memref<1000x1xf32, #tpu.memory_space<vmem>>, %arg5: memref<128x128xf32, #tpu.memory_space<vmem>>, %arg6: memref<1x128xf32, #tpu.memory_space<vmem>>, %arg7: memref<128x128xf32, #tpu.memory_space<vmem>>, %arg8: memref<1x128xf32, #tpu.memory_space<vmem>>, %arg9: memref<1000x128xf32, #tpu.memory_space<vmem>>, %arg10: memref<1000x128xf32, #tpu.memory_space<vmem>>) attributes {dimension_semantics = [#tpu.dimension_semantics<arbitrary>], iteration_bounds = array<i64: 10>, scalar_prefetch = 0 : i64, scratch_operands = 0 : i64, tpu.core_type = #tpu.core_type<tc>, window_params = [{transform_indices = @transform_0, window_bounds = array<i64: 1000, 128>}, {transform_indices = @transform_1, window_bounds = array<i64: 2, 1000, 128>}, {transform_indices = @transform_2, window_bounds = array<i64: 1000, 1>}, {transform_indices = @transform_3, window_bounds = array<i64: 1000, 1>}, {pipeline_mode = #tpu.pipeline_mode<synchronous>, transform_indices = @transform_4, window_bounds = array<i64: 128, 128>}, {pipeline_mode = #tpu.pipeline_mode<synchronous>, transform_indices = @transform_5, window_bounds = array<i64: 1, 128>}, {pipeline_mode = #tpu.pipeline_mode<synchronous>, transform_indices = @transform_6, window_bounds = array<i64: 128, 128>}, {pipeline_mode = #tpu.pipeline_mode<synchronous>, transform_indices = @transform_7, window_bounds = array<i64: 1, 128>}, {transform_indices = @transform_8, window_bounds = array<i64: 1000, 128>}, {transform_indices = @transform_9, window_bounds = array<i64: 1000, 128>}]} {
    %get3A = arith.constant 0 : index
    %get3A_0 = arith.constant 0 : index
    %get3A_1 = vector.load %arg3[%get3A, %get3A_0] : memref<1000x1xf32, #tpu.memory_space<vmem>>, vector<1000x1xf32>
    %get3A_2 = arith.constant 0 : index
    %get3A_3 = arith.constant 0 : index
    %get3A_4 = arith.constant 0 : index
    %get3A_5 = vector.load %arg2[%get3A_2, %get3A_3, %get3A_4] : memref<2x1000x128xf32, #tpu.memory_space<vmem>>, vector<1x1000x128xf32>
    %get3A_6 = vector.shape_cast %get3A_5 : vector<1x1000x128xf32> to vector<1000x128xf32>
    %get3A_7 = arith.constant 1 : index
    %get3A_8 = arith.constant 0 : index
    %get3A_9 = arith.constant 0 : index
    %get3A_10 = vector.load %arg2[%get3A_7, %get3A_8, %get3A_9] : memref<2x1000x128xf32, #tpu.memory_space<vmem>>, vector<1x1000x128xf32>
    %get3A_11 = vector.shape_cast %get3A_10 : vector<1x1000x128xf32> to vector<1000x128xf32>
    %add3A = arith.addf %get3A_6, %get3A_11 : vector<1000x128xf32>
    %get3A_12 = arith.constant 0 : index
    %get3A_13 = arith.constant 0 : index
    %get3A_14 = vector.load %arg1[%get3A_12, %get3A_13] : memref<1000x128xf32, #tpu.memory_space<vmem>>, vector<1000x128xf32>
    %add3A_15 = arith.addf %add3A, %get3A_14 : vector<1000x128xf32>
    %mul3A = vector.broadcast %get3A_1 : vector<1000x1xf32> to vector<1000x128xf32>
    %mul3A_16 = arith.mulf %mul3A, %add3A_15 : vector<1000x128xf32>
    %get3A_17 = arith.constant 0 : index
    %get3A_18 = arith.constant 0 : index
    %get3A_19 = vector.load %arg5[%get3A_17, %get3A_18] : memref<128x128xf32, #tpu.memory_space<vmem>>, vector<128x128xf32>
    %dot_general3A = arith.constant dense<0.000000e+00> : vector<1000x128xf32>
    %dot_general3A_20 = tpu.matmul %mul3A_16, %get3A_19, %dot_general3A {dimension_numbers = #tpu.dot_dimension_numbers<[1], [1], [0], [0], [0, 0, 1, 0], [], []>, transpose_lhs_hint = false} : vector<1000x128xf32>, vector<128x128xf32>, vector<1000x128xf32> -> vector<1000x128xf32>
    %get3A_21 = arith.constant 0 : index
    %get3A_22 = arith.constant 0 : index
    %get3A_23 = vector.load %arg6[%get3A_21, %get3A_22] : memref<1x128xf32, #tpu.memory_space<vmem>>, vector<1x128xf32>
    %add3A_24 = vector.broadcast %get3A_23 : vector<1x128xf32> to vector<1000x128xf32>
    %add3A_25 = arith.addf %dot_general3A_20, %add3A_24 : vector<1000x128xf32>
    %get3A_26 = arith.constant 0 : index
    %get3A_27 = arith.constant 0 : index
    %get3A_28 = vector.load %arg7[%get3A_26, %get3A_27] : memref<128x128xf32, #tpu.memory_space<vmem>>, vector<128x128xf32>
    %dot_general3A_29 = arith.constant dense<0.000000e+00> : vector<1000x128xf32>
    %dot_general3A_30 = tpu.matmul %mul3A_16, %get3A_28, %dot_general3A_29 {dimension_numbers = #tpu.dot_dimension_numbers<[1], [1], [0], [0], [0, 0, 1, 0], [], []>, transpose_lhs_hint = false} : vector<1000x128xf32>, vector<128x128xf32>, vector<1000x128xf32> -> vector<1000x128xf32>
    %get3A_31 = arith.constant 0 : index
    %get3A_32 = arith.constant 0 : index
    %get3A_33 = vector.load %arg8[%get3A_31, %get3A_32] : memref<1x128xf32, #tpu.memory_space<vmem>>, vector<1x128xf32>
    %add3A_34 = vector.broadcast %get3A_33 : vector<1x128xf32> to vector<1000x128xf32>
    %add3A_35 = arith.addf %dot_general3A_30, %add3A_34 : vector<1000x128xf32>
    %swap3A = arith.constant 0 : index
    %swap3A_36 = arith.constant 0 : index
    %swap3A_37 = vector.load %arg9[%swap3A, %swap3A_36] : memref<1000x128xf32, #tpu.memory_space<vmem>>, vector<1000x128xf32>
    tpu.vector_store %arg9[%swap3A, %swap3A_36], %add3A_35 {strides = array<i32>} : memref<1000x128xf32, #tpu.memory_space<vmem>>, vector<1000x128xf32>,
    %get3A_38 = arith.constant 0 : index
    %get3A_39 = arith.constant 0 : index
    %get3A_40 = vector.load %arg4[%get3A_38, %get3A_39] : memref<1000x1xf32, #tpu.memory_space<vmem>>, vector<1000x1xf32>
    %mul3A_41 = vector.broadcast %get3A_40 : vector<1000x1xf32> to vector<1000x128xf32>
    %mul3A_42 = arith.mulf %mul3A_41, %add3A_25 : vector<1000x128xf32>
    %swap3A_43 = arith.constant 0 : index
    %swap3A_44 = arith.constant 0 : index
    %swap3A_45 = vector.load %arg10[%swap3A_43, %swap3A_44] : memref<1000x128xf32, #tpu.memory_space<vmem>>, vector<1000x128xf32>
    tpu.vector_store %arg10[%swap3A_43, %swap3A_44], %mul3A_42 {strides = array<i32>} : memref<1000x128xf32, #tpu.memory_space<vmem>>, vector<1000x128xf32>,
    return
  }
  func.func @transform_0(%arg0: i32) -> (i32, i32) {
    %c0_i32 = arith.constant 0 : i32
    %c0_i32_0 = arith.constant 0 : i32
    return %arg0, %c0_i32 : i32, i32
  }
  func.func @transform_1(%arg0: i32) -> (i32, i32, i32) {
    %c0_i32 = arith.constant 0 : i32
    %c0_i32_0 = arith.constant 0 : i32
    %c0_i32_1 = arith.constant 0 : i32
    return %c0_i32, %arg0, %c0_i32_0 : i32, i32, i32
  }
  func.func @transform_2(%arg0: i32) -> (i32, i32) {
    %c0_i32 = arith.constant 0 : i32
    %c0_i32_0 = arith.constant 0 : i32
    return %arg0, %c0_i32 : i32, i32
  }
  func.func @transform_3(%arg0: i32) -> (i32, i32) {
    %c0_i32 = arith.constant 0 : i32
    %c0_i32_0 = arith.constant 0 : i32
    return %arg0, %c0_i32 : i32, i32
  }
  func.func @transform_4(%arg0: i32) -> (i32, i32) {
    %c0_i32 = arith.constant 0 : i32
    %c0_i32_0 = arith.constant 0 : i32
    %c0_i32_1 = arith.constant 0 : i32
    return %c0_i32, %c0_i32_0 : i32, i32
  }
  func.func @transform_5(%arg0: i32) -> (i32, i32) {
    %c0_i32 = arith.constant 0 : i32
    %c0_i32_0 = arith.constant 0 : i32
    %c0_i32_1 = arith.constant 0 : i32
    return %c0_i32, %c0_i32_0 : i32, i32
  }
  func.func @transform_6(%arg0: i32) -> (i32, i32) {
    %c0_i32 = arith.constant 0 : i32
    %c0_i32_0 = arith.constant 0 : i32
    %c0_i32_1 = arith.constant 0 : i32
    return %c0_i32, %c0_i32_0 : i32, i32
  }
  func.func @transform_7(%arg0: i32) -> (i32, i32) {
    %c0_i32 = arith.constant 0 : i32
    %c0_i32_0 = arith.constant 0 : i32
    %c0_i32_1 = arith.constant 0 : i32
    return %c0_i32, %c0_i32_0 : i32, i32
  }
  func.func @transform_8(%arg0: i32) -> (i32, i32) {
    %c0_i32 = arith.constant 0 : i32
    %c0_i32_0 = arith.constant 0 : i32
    return %arg0, %c0_i32 : i32, i32
  }
  func.func @transform_9(%arg0: i32) -> (i32, i32) {
    %c0_i32 = arith.constant 0 : i32
    %c0_i32_0 = arith.constant 0 : i32
    return %arg0, %c0_i32 : i32, i32
  }
}

module attributes {stable_mosaic.version = 14 : i64} {
  func.func @_tc3_body(%arg0: i32, %arg1: memref<1000x128xf32, #tpu.memory_space<vmem>>, %arg2: memref<1000x128xf32, #tpu.memory_space<vmem>>, %arg3: memref<2x1000x128xf32, #tpu.memory_space<vmem>>, %arg4: memref<1000x1xf32, #tpu.memory_space<vmem>>, %arg5: memref<128x128xf32, #tpu.memory_space<vmem>>, %arg6: memref<1x128xf32, #tpu.memory_space<vmem>>, %arg7: memref<16x128xf32, #tpu.memory_space<vmem>>, %arg8: memref<1x16xf32, #tpu.memory_space<vmem>>, %arg9: memref<1000x16xf32, #tpu.memory_space<vmem>>) attributes {dimension_semantics = [#tpu.dimension_semantics<arbitrary>], iteration_bounds = array<i64: 10>, scalar_prefetch = 0 : i64, scratch_operands = 0 : i64, tpu.core_type = #tpu.core_type<tc>, window_params = [{transform_indices = @transform_0, window_bounds = array<i64: 1000, 128>}, {transform_indices = @transform_1, window_bounds = array<i64: 1000, 128>}, {transform_indices = @transform_2, window_bounds = array<i64: 2, 1000, 128>}, {transform_indices = @transform_3, window_bounds = array<i64: 1000, 1>}, {pipeline_mode = #tpu.pipeline_mode<synchronous>, transform_indices = @transform_4, window_bounds = array<i64: 128, 128>}, {pipeline_mode = #tpu.pipeline_mode<synchronous>, transform_indices = @transform_5, window_bounds = array<i64: 1, 128>}, {pipeline_mode = #tpu.pipeline_mode<synchronous>, transform_indices = @transform_6, window_bounds = array<i64: 16, 128>}, {pipeline_mode = #tpu.pipeline_mode<synchronous>, transform_indices = @transform_7, window_bounds = array<i64: 1, 16>}, {transform_indices = @transform_8, window_bounds = array<i64: 1000, 16>}]} {
    %get3A = arith.constant 0 : index
    %get3A_0 = arith.constant 0 : index
    %get3A_1 = vector.load %arg4[%get3A, %get3A_0] : memref<1000x1xf32, #tpu.memory_space<vmem>>, vector<1000x1xf32>
    %get3A_2 = arith.constant 0 : index
    %get3A_3 = arith.constant 0 : index
    %get3A_4 = arith.constant 0 : index
    %get3A_5 = vector.load %arg3[%get3A_2, %get3A_3, %get3A_4] : memref<2x1000x128xf32, #tpu.memory_space<vmem>>, vector<1x1000x128xf32>
    %get3A_6 = vector.shape_cast %get3A_5 : vector<1x1000x128xf32> to vector<1000x128xf32>
    %get3A_7 = arith.constant 1 : index
    %get3A_8 = arith.constant 0 : index
    %get3A_9 = arith.constant 0 : index
    %get3A_10 = vector.load %arg3[%get3A_7, %get3A_8, %get3A_9] : memref<2x1000x128xf32, #tpu.memory_space<vmem>>, vector<1x1000x128xf32>
    %get3A_11 = vector.shape_cast %get3A_10 : vector<1x1000x128xf32> to vector<1000x128xf32>
    %add3A = arith.addf %get3A_6, %get3A_11 : vector<1000x128xf32>
    %get3A_12 = arith.constant 0 : index
    %get3A_13 = arith.constant 0 : index
    %get3A_14 = vector.load %arg2[%get3A_12, %get3A_13] : memref<1000x128xf32, #tpu.memory_space<vmem>>, vector<1000x128xf32>
    %add3A_15 = arith.addf %add3A, %get3A_14 : vector<1000x128xf32>
    %mul3A = vector.broadcast %get3A_1 : vector<1000x1xf32> to vector<1000x128xf32>
    %mul3A_16 = arith.mulf %mul3A, %add3A_15 : vector<1000x128xf32>
    %get3A_17 = arith.constant 0 : index
    %get3A_18 = arith.constant 0 : index
    %get3A_19 = vector.load %arg1[%get3A_17, %get3A_18] : memref<1000x128xf32, #tpu.memory_space<vmem>>, vector<1000x128xf32>
    %get3A_20 = arith.constant 0 : index
    %get3A_21 = arith.constant 0 : index
    %get3A_22 = vector.load %arg5[%get3A_20, %get3A_21] : memref<128x128xf32, #tpu.memory_space<vmem>>, vector<128x128xf32>
    %dot_general3A = arith.constant dense<0.000000e+00> : vector<1000x128xf32>
    %dot_general3A_23 = tpu.matmul %mul3A_16, %get3A_22, %dot_general3A {dimension_numbers = #tpu.dot_dimension_numbers<[1], [1], [0], [0], [0, 0, 1, 0], [], []>, transpose_lhs_hint = false} : vector<1000x128xf32>, vector<128x128xf32>, vector<1000x128xf32> -> vector<1000x128xf32>
    %add3A_24 = arith.addf %get3A_19, %dot_general3A_23 : vector<1000x128xf32>
    %get3A_25 = arith.constant 0 : index
    %get3A_26 = arith.constant 0 : index
    %get3A_27 = vector.load %arg6[%get3A_25, %get3A_26] : memref<1x128xf32, #tpu.memory_space<vmem>>, vector<1x128xf32>
    %add3A_28 = vector.broadcast %get3A_27 : vector<1x128xf32> to vector<1000x128xf32>
    %add3A_29 = arith.addf %add3A_24, %add3A_28 : vector<1000x128xf32>
    %reduce_sum3A = arith.constant dense<0.000000e+00> : vector<1000xf32>
    %reduce_sum3A_30 = vector.multi_reduction <add>, %add3A_29, %reduce_sum3A [1] : vector<1000x128xf32> to vector<1000xf32>
    %broadcast_in_dim3A = vector.shape_cast %reduce_sum3A_30 : vector<1000xf32> to vector<1000x1xf32>
    %div3A = arith.constant 1.280000e+02 : f32
    %div3A_31 = vector.broadcast %div3A : f32 to vector<1000x1xf32>
    %div3A_32 = arith.divf %broadcast_in_dim3A, %div3A_31 : vector<1000x1xf32>
    %sub3A = vector.broadcast %div3A_32 : vector<1000x1xf32> to vector<1000x128xf32>
    %sub3A_33 = arith.subf %add3A_29, %sub3A : vector<1000x128xf32>
    %mul3A_34 = arith.mulf %sub3A_33, %sub3A_33 : vector<1000x128xf32>
    %reduce_sum3A_35 = arith.constant dense<0.000000e+00> : vector<1000xf32>
    %reduce_sum3A_36 = vector.multi_reduction <add>, %mul3A_34, %reduce_sum3A_35 [1] : vector<1000x128xf32> to vector<1000xf32>
    %broadcast_in_dim3A_37 = vector.shape_cast %reduce_sum3A_36 : vector<1000xf32> to vector<1000x1xf32>
    %div3A_38 = arith.constant 1.280000e+02 : f32
    %div3A_39 = vector.broadcast %div3A_38 : f32 to vector<1000x1xf32>
    %div3A_40 = arith.divf %broadcast_in_dim3A_37, %div3A_39 : vector<1000x1xf32>
    %add3A_41 = arith.constant 9.99999974E-6 : f32
    %add3A_42 = vector.broadcast %add3A_41 : f32 to vector<1000x1xf32>
    %add3A_43 = arith.addf %div3A_40, %add3A_42 : vector<1000x1xf32>
    %rsqrt3A = math.rsqrt %add3A_43 : vector<1000x1xf32>
    %mul3A_44 = vector.broadcast %rsqrt3A : vector<1000x1xf32> to vector<1000x128xf32>
    %mul3A_45 = arith.mulf %sub3A_33, %mul3A_44 : vector<1000x128xf32>
    %mul3A_46 = arith.constant 5.000000e-01 : f32
    %mul3A_47 = vector.broadcast %mul3A_46 : f32 to vector<1000x128xf32>
    %mul3A_48 = arith.mulf %mul3A_47, %mul3A_45 : vector<1000x128xf32>
    %mul3A_49 = arith.constant 0.707106769 : f32
    %mul3A_50 = vector.broadcast %mul3A_49 : f32 to vector<1000x128xf32>
    %mul3A_51 = arith.mulf %mul3A_45, %mul3A_50 : vector<1000x128xf32>
    %erf3A = math.erf %mul3A_51 : vector<1000x128xf32>
    %add3A_52 = arith.constant 1.000000e+00 : f32
    %add3A_53 = vector.broadcast %add3A_52 : f32 to vector<1000x128xf32>
    %add3A_54 = arith.addf %add3A_53, %erf3A : vector<1000x128xf32>
    %mul3A_55 = arith.mulf %mul3A_48, %add3A_54 : vector<1000x128xf32>
    %get3A_56 = arith.constant 0 : index
    %get3A_57 = arith.constant 0 : index
    %get3A_58 = vector.load %arg7[%get3A_56, %get3A_57] : memref<16x128xf32, #tpu.memory_space<vmem>>, vector<16x128xf32>
    %dot_general3A_59 = arith.constant dense<0.000000e+00> : vector<1000x16xf32>
    %dot_general3A_60 = tpu.matmul %mul3A_55, %get3A_58, %dot_general3A_59 {dimension_numbers = #tpu.dot_dimension_numbers<[1], [1], [0], [0], [0, 0, 1, 0], [], []>, transpose_lhs_hint = false} : vector<1000x128xf32>, vector<16x128xf32>, vector<1000x16xf32> -> vector<1000x16xf32>
    %get3A_61 = arith.constant 0 : index
    %get3A_62 = arith.constant 0 : index
    %get3A_63 = vector.load %arg8[%get3A_61, %get3A_62] : memref<1x16xf32, #tpu.memory_space<vmem>>, vector<1x16xf32>
    %add3A_64 = vector.broadcast %get3A_63 : vector<1x16xf32> to vector<1000x16xf32>
    %add3A_65 = arith.addf %dot_general3A_60, %add3A_64 : vector<1000x16xf32>
    %swap3A = arith.constant 0 : index
    %swap3A_66 = arith.constant 0 : index
    %swap3A_67 = vector.load %arg9[%swap3A, %swap3A_66] : memref<1000x16xf32, #tpu.memory_space<vmem>>, vector<1000x16xf32>
    tpu.vector_store %arg9[%swap3A, %swap3A_66], %add3A_65 {strides = array<i32>} : memref<1000x16xf32, #tpu.memory_space<vmem>>, vector<1000x16xf32>,
    return
  }
  func.func @transform_0(%arg0: i32) -> (i32, i32) {
    %c0_i32 = arith.constant 0 : i32
    %c0_i32_0 = arith.constant 0 : i32
    return %arg0, %c0_i32 : i32, i32
  }
  func.func @transform_1(%arg0: i32) -> (i32, i32) {
    %c0_i32 = arith.constant 0 : i32
    %c0_i32_0 = arith.constant 0 : i32
    return %arg0, %c0_i32 : i32, i32
  }
  func.func @transform_2(%arg0: i32) -> (i32, i32, i32) {
    %c0_i32 = arith.constant 0 : i32
    %c0_i32_0 = arith.constant 0 : i32
    %c0_i32_1 = arith.constant 0 : i32
    return %c0_i32, %arg0, %c0_i32_0 : i32, i32, i32
  }
  func.func @transform_3(%arg0: i32) -> (i32, i32) {
    %c0_i32 = arith.constant 0 : i32
    %c0_i32_0 = arith.constant 0 : i32
    return %arg0, %c0_i32 : i32, i32
  }
  func.func @transform_4(%arg0: i32) -> (i32, i32) {
    %c0_i32 = arith.constant 0 : i32
    %c0_i32_0 = arith.constant 0 : i32
    %c0_i32_1 = arith.constant 0 : i32
    return %c0_i32, %c0_i32_0 : i32, i32
  }
  func.func @transform_5(%arg0: i32) -> (i32, i32) {
    %c0_i32 = arith.constant 0 : i32
    %c0_i32_0 = arith.constant 0 : i32
    %c0_i32_1 = arith.constant 0 : i32
    return %c0_i32, %c0_i32_0 : i32, i32
  }
  func.func @transform_6(%arg0: i32) -> (i32, i32) {
    %c0_i32 = arith.constant 0 : i32
    %c0_i32_0 = arith.constant 0 : i32
    %c0_i32_1 = arith.constant 0 : i32
    return %c0_i32, %c0_i32_0 : i32, i32
  }
  func.func @transform_7(%arg0: i32) -> (i32, i32) {
    %c0_i32 = arith.constant 0 : i32
    %c0_i32_0 = arith.constant 0 : i32
    %c0_i32_1 = arith.constant 0 : i32
    return %c0_i32, %c0_i32_0 : i32, i32
  }
  func.func @transform_8(%arg0: i32) -> (i32, i32) {
    %c0_i32 = arith.constant 0 : i32
    %c0_i32_0 = arith.constant 0 : i32
    return %arg0, %c0_i32 : i32, i32
  }
}

</mosaic_0001>

<sc_bundles>
// kernel: kernel.11.cloned.1.call-start
scs
__scs_entry_jumppad:
0x0: {  	(pc) =	sbr.rel $0x88, $3  }
0x1: {  	(tag) =	ssettag $0x0;
	lr =	simm.s32 $0x1  }
0x2: {  	[smem:$0x3F93] =	sst lr;
	_ =	strace $0xD0000000  }
0x3: {  	_ = 	snop  }
0x4: {  	_ = 	snop  }
0x5: {  	_ = 	snop  }
0x6: {  	_ = 	snop  }
0x7: {  	_ = 	snop  }
__scs_overlays_trampoline_lowered:
0x8: {  	[smem:$0x3FA2] =	sst s0  }
0x9: {  	[smem:$0x3FA3] =	sst s1  }
0xa: {  	[smem:$0x3FA4] =	sst s2  }
0xb: {  	[smem:$0x3FA5] =	sst s3  }
0xc: {  	[smem:$0x3FA6] =	sst s4  }
0xd: {  	[smem:$0x3FA7] =	sst s5  }
0xe: {  	[smem:$0x3FA8] =	sst s6  }
0xf: {  	[smem:$0x3FA9] =	sst s7  }
0x10: {  	[smem:$0x3FAA] =	sst s8  }
0x11: {  	[smem:$0x3FAB] =	sst s9;
	s0 =	simm.s32 @!p0 $0x0  }
0x12: {  	s1 =	sld [smem:$0x3F91];
	s0 =	simm.s32 @p0 $0x1  }
0x13: {  	[smem:$0x3FAC] =	sst s0;
	s0 =	simm.s32 @!p1 $0x0  }
0x14: {  	s2 =	sld [smem:$0x3F90];
	s0 =	simm.s32 @p1 $0x1  }
0x15: {  	[smem:$0x3FAD] =	sst s0;
	s0 =	simm.s32 @!p2 $0x0  }
0x16: {  	s3 =	sld [smem:$0x3FDB];
	s0 =	simm.s32 @p2 $0x1  }
0x17: {  	s4 =	simm.s32 $0x1BF5;
	[smem:$0x3FAF] =	sst s0  }
0x18: {  	s0 =	sld [smem:$0x3F92];
	_ =	swait.ge [sflag:s4], $0x0  }
0x19: {  	s7 =	sld [smem:$0x3F93]  }
0x1a: {  	s8 =	sadd.s32 $0xFFFFE003, lr  }
0x1b: {  	s9 =	sadd.s32 $0xFFFFFEF7, lr;
	s5 =	simm.s32 $0xFFFFFFFF;
	p2 =	slt.u32 s8, $0xFFFFF086  }
0x1c: {  	p1 =	slt.u32 s9, $0xF7A;
	s5 =	simm.s32 @!p2 $0x0  }
0x1d: {  	s5 =	simm.s32 @p1 $0x1;
	p0 =	seq.s32 s7, s2  }
0x1e: {  	s7 =	smul.u32 @!p0 $0xF7A, s2;
	p2 =	seq.s32 @!p0 s5, $0x0  }
0x1f: {  	s9 =	smul.u32 $0xF7A, s1;
	s8 =	simm.s32 @!p0 $0x1BF5;
	p2 =	por !p2, p0  }
0x20: {  	[sflag:s8] =	ssyncset.s32 @!p0 $0xFFFFF086;
	s6 =	sadd.s32 @!p0 s3, s7;
	s7 =	simm.s32 @!p0 $0x108  }
0x21: {  	s3 =	sadd.s32 s3, s9;
	s6 =	sadd.s32 @!p0 $0x88, s6;
	s7 =	simm.s32 @p2 $0x1082  }
0x22: {  	[simem:s7], [sflag:s8] =	dma.local @!p0 [hbm:s6], $0xF7A  }
0x23: {  	s9 =	sor.u32 $0xD0000000, s2;
	s6 =	simm.s32 $0x108;
	_ =	swait.ge @!p0 [sflag:s8], $0x0  }
0x24: {  	s3 =	sadd.s32 $0x88, s3;
	s6 =	simm.s32 @!p1 $0x1082;
	[sflag:s4] =	ssyncset.s32 $0xFFFFF086  }
0x25: {  	[simem:s6], [sflag:s4] =	dma.local [hbm:s3], $0xF7A  }
0x26: {  	[smem:$0x3F93] =	sst s1;
	(tag) =	ssettag s2;
	_ =	strace s9  }
0x27: {  	s1 =	sld [smem:$0x3FA3]  }
0x28: {  	s2 =	sld [smem:$0x3FA4]  }
0x29: {  	s4 =	sld [smem:$0x3FA6]  }
0x2a: {  	p0 =	seq.s32 s5, $0x0;
	s5 =	sld [smem:$0x3FA7]  }
0x2b: {  	s6 =	sld [smem:$0x3FA8]  }
0x2c: {  	s7 =	sld [smem:$0x3FA9]  }
0x2d: {  	s3 =	simm.s32 $0x108;
	s8 =	sld [smem:$0x3FAA]  }
0x2e: {  	s3 =	simm.s32 @!p0 $0x1082;
	s9 =	sld [smem:$0x3FAB]  }
0x2f: {  	lr =	sadd.s32 s0, s3;
	s0 =	sld [smem:$0x3FA2]  }
0x30: {  	s3 =	sld [smem:$0x3FA5]  }
0x31: {  	[smem:$0x3FAE] =	sst s10  }
0x32: {  	s10 =	sld [smem:$0x3FAC];
	_ =	sdelay $0x3  }
0x33: {  	p0 =	seq.s32 s10, $0x1;
	s10 =	sld [smem:$0x3FAE];
	_ =	sdelay $0x3  }
0x34: {  	[smem:$0x3FAE] =	sst s10  }
0x35: {  	s10 =	sld [smem:$0x3FAD];
	_ =	sdelay $0x3  }
0x36: {  	p1 =	seq.s32 s10, $0x1;
	s10 =	sld [smem:$0x3FAE];
	_ =	sdelay $0x3  }
0x37: {  	[smem:$0x3FAE] =	sst s10  }
0x38: {  	s10 =	sld [smem:$0x3FAF]  }
0x39: {  	_ = 	snop;
	(pc) =	sbr.ind lr, $3  }
0x3a: {  	_ = 	snop  }
0x3b: {  	_ = 	snop  }
0x3c: {  	p2 =	seq.s32 s10, $0x1;
	s10 =	sld [smem:$0x3FAE]  }
0x3d: {  	_ =	shalt  }
0x3e: {  	_ =	shalt  }
0x3f: {  	_ =	shalt  }
0x40: {  	_ =	shalt  }
0x41: {  	_ =	shalt  }
0x42: {  	_ =	shalt  }
0x43: {  	_ =	shalt  }
0x44: {  	_ =	shalt  }
0x45: {  	_ =	shalt  }
0x46: {  	_ =	shalt  }
0x47: {  	_ =	shalt  }
0x48: {  	_ =	shalt  }
0x49: {  	_ =	shalt  }
0x4a: {  	_ =	shalt  }
0x4b: {  	_ =	shalt  }
0x4c: {  	_ =	shalt  }
0x4d: {  	_ =	shalt  }
0x4e: {  	_ =	shalt  }
0x4f: {  	_ =	shalt  }
0x50: {  	_ =	shalt  }
0x51: {  	_ =	shalt  }
0x52: {  	_ =	shalt  }
0x53: {  	_ =	shalt  }
0x54: {  	_ =	shalt  }
0x55: {  	_ =	shalt  }
0x56: {  	_ =	shalt  }
0x57: {  	_ =	shalt  }
0x58: {  	_ =	shalt  }
0x59: {  	_ =	shalt  }
0x5a: {  	_ =	shalt  }
0x5b: {  	_ =	shalt  }
0x5c: {  	_ =	shalt  }
0x5d: {  	_ =	shalt  }
0x5e: {  	_ =	shalt  }
0x5f: {  	_ =	shalt  }
0x60: {  	_ =	shalt  }
0x61: {  	_ =	shalt  }
0x62: {  	_ =	shalt  }
0x63: {  	_ =	shalt  }
0x64: {  	_ =	shalt  }
0x65: {  	_ =	shalt  }
0x66: {  	_ =	shalt  }
0x67: {  	_ =	shalt  }
0x68: {  	_ =	shalt  }
0x69: {  	_ =	shalt  }
0x6a: {  	_ =	shalt  }
0x6b: {  	_ =	shalt  }
0x6c: {  	_ =	shalt  }
0x6d: {  	_ =	shalt  }
0x6e: {  	_ =	shalt  }
0x6f: {  	_ =	shalt  }
0x70: {  	_ =	shalt  }
0x71: {  	_ =	shalt  }
0x72: {  	_ =	shalt  }
0x73: {  	_ =	shalt  }
0x74: {  	_ =	shalt  }
0x75: {  	_ =	shalt  }
0x76: {  	_ =	shalt  }
0x77: {  	_ =	shalt  }
0x78: {  	_ =	shalt  }
0x79: {  	_ =	shalt  }
0x7a: {  	_ =	shalt  }
0x7b: {  	_ =	shalt  }
0x7c: {  	_ =	shalt  }
0x7d: {  	_ =	shalt  }
0x7e: {  	_ =	shalt  }
0x7f: {  	_ =	shalt  }
0x80: {  	_ =	shalt  }
0x81: {  	_ =	shalt  }
0x82: {  	_ =	shalt  }
0x83: {  	_ =	shalt  }
0x84: {  	_ =	shalt  }
0x85: {  	_ =	shalt  }
0x86: {  	_ =	shalt  }
0x87: {  	_ =	shalt  }
.Lfunc_end0:
.L_simem_size_0:
called_computation.1_lowered:
.L_overlay_start_0:
0x88: {  	s2 =	sld [smem:$0x3FD9]  }
0x89: {  	s3 =	sld [smem:$0x3FFE];
	_ =	sdelay $0x1  }
0x8a: {  	s1 =	srdreg.scid  }
0x8b: {  	s0 =	sand.u32 $0x1, s1  }
0x8c: {  	s16 =	sshll.u32 s0, $0xA;
	s2 =	sadd.s32 s3, s2  }
0x8d: {  	s2 =	sadd.s32 s2, s16  }
0x8e: {  	[smem:$0x3FBA] =	sst s2  }
0x8f: {  	_ = 	snop  }
0x90: {  	(tm) =	ssettm $0x1  }
0x91: {  	s17 =	sld [smem:$0x3FFB];
	_ =	sdelay $0x3  }
0x92: {  	_ =	strace s17  }
0x93: {  	s2 =	sld [smem:$0x3FFC];
	_ =	sdelay $0x3  }
0x94: {  	_ =	strace s2  }
0x95: {  	s2 =	sld [smem:$0x3FFD];
	_ =	sdelay $0x3  }
0x96: {  	_ =	strace s2  }
0x97: {  	_ =	strace $0x8FFFFFFF  }
0x98: {  	s18 =	sld [smem:$0x3FDB];
	_ =	sdelay $0x1  }
0x99: {  	s19 =	simm.s32 $_scs_section_size  }
0x9a: {  	s4 =	simm.s32 $_size__tile_overlayer_lowered;
	s5 =	simm.s32 $_tile_overlayer_lowered  }
0x9b: {  	s22 =	simm.s32 $0x1BFF;
	s21 =	sshll.u32 s5, $0x1;
	s2 =	sadd.s32 s19, s18  }
0x9c: {  	s6 =	simm.s32 $0x0;
	s20 =	sshll.u32 s4, $0x1;
	s4 =	sadd.s32 s21, s2  }
0x9d: {  	[timem:s6], [sflag:s22] =	dma.local [hbm:s4], s20  }
0x9e: {  	_ =	swait.ge [sflag:s22], s20  }
0x9f: {  	s3 =	ssub.s32 $0x0, s20;
	[sflag:s22] =	ssyncset.done $0x0  }
0xa0: {  	[sflag:s22] =	ssyncadd.s32 s3;
	_ =	sdelay $0x1  }
0xa1: {  	s23 =	simm.s32 $0x1B8B  }
0xa2: {  	_ =	swait.ge [sflag:s23], $0x1  }
0xa3: {  	[sflag:s23] =	ssyncset.done $0x0  }
0xa4: {  	s25 =	simm.s32 $0x1B8E;
	s24 =	sld [smem:$0x3FFE];
	[sflag:s23] =	ssyncadd.s32 $0xFFFFFFFF  }
0xa5: {  	s26 =	simm.s32 $execute0_lowered;
	[smem:$0x3FD2] =	sst s25  }
0xa6: {  	s4 =	sshll.u32 s26, $0x1;
	_ =	strace $0x80000049;
	[dreg:$0x1] =	wrdreg $0xFFFFFFFF  }
0xa7: {  	s28 =	simm.s32 $_size_execute0_lowered;
	s2 =	sadd.s32 s2, s4;
	[dreg:$0x0] =	wrdreg $0x0  }
0xa8: {  	s4 =	sshll.u32 s28, $0x1;
	[dreg:$0x2] =	wrdreg s2  }
0xa9: {  	[dreg:$0x3] =	wrdreg s4  }
0xaa: {  	[dreg:$0x4] =	wrdreg $0xC0  }
0xab: {  	_ =	task [dreg:s6], $0x5FFFF  }
0xac: {  	[dreg:$0x1] =	wrdreg $0xFFFFFFFF  }
0xad: {  	[dreg:$0x0] =	wrdreg $0x60  }
0xae: {  	[dreg:$0x2] =	wrdreg s24  }
0xaf: {  	[dreg:$0x3] =	wrdreg $0xAF800  }
0xb0: {  	[dreg:$0x4] =	wrdreg $0x9  }
0xb1: {  	_ =	task.clear_ibuf [dreg:s6], $0x5FFFF;
	_ =	strace $0x90000049  }
0xb2: {  	s29 =	simm.s32 $0x9;
	_ =	strace $0x8000004B  }
0xb3: {  	_ =	swait.ge [sflag:s29], $0x1  }
0xb4: {  	[sflag:s29] =	ssyncadd.s32 $0xFFFFFFFF  }
0xb5: {  	_ =	strace $0x9000004B  }
0xb6: {  	_ =	sfence  }
0xb7: {  	s30 =	sld [smem:$0x0];
	_ =	sdelay $0x2  }
0xb8: {  	s31 =	sshll.u32 s1, $0xD;
	s1 =	sshrl.u32 s1, $0x2  }
0xb9: {  	s3 =	sand.u32 $0x4000, s31;
	s1 =	sadd.s32 s1, s30  }
0xba: {  	s0 =	sor.u32 s3, s0;
	s1 =	sshll.u32 s1, $0x11  }
0xbb: {  	s0 =	sor.u32 s1, s0  }
0xbc: {  	s0 =	sadd.s32 $0x8F2B, s0  }
0xbd: {  	[sflag:s0] =	ssyncadd.remote.s32 $0x1  }
0xbe: {  	_ =	sfence.sel $0xFFFF  }
0xbf: {  	[dreg:$0x0] =	wrdreg $0xFFFFFFFF;
	(pc) =	sbr.abs _section_cstart, $3  }
0xc0: {  	[dreg:$0x1] =	wrdreg $0xFFFFFFFF  }
0xc1: {  	_ =	task.clear_ibuf [dreg:s6], $0x2FFFF;
	_ =	strace $0x9FFFFFFF  }
0xc2: {  	(tm) =	ssettm $0x7FFFFFFF  }
0xc3: {  	_ =	shalt  }
tec
execute0_lowered:
.L_overlay_start_1:
0x0: {  	(tag) =	ssettag $0x1  }
0x1: {  	s5 =	rddreg [dreg:$0x0]  }
0x2: {  	s2 =	rddreg [dreg:$0x1];
	s3 =	srdreg.scid  }
0x3: {  	s0 =	rddreg [dreg:$0x2];
	s1 =	stileid.u32  }
0x4: {  	s16 =	simm.s32 $0x3;
	s17 =	simm.s32 $0x27C0;
	s18 =	simm.s32 $0x4F80  }
0x5: {  	s19 =	simm.s32 $0x60;
	s20 =	simm.s32 $0x1;
	s7 =	smul.u32 $0x14000, s1  }
0x6: {  	s6 =	sand.u32 $0x1, s3;
	s3 =	simm.s32 $0x0;
	s10 =	smul.u32 $0x50000, s1  }
0x7: {  	s4 =	sshll.u32 s6, $0x4;
	[smem:$0x7FF] =	sst s3;
	s8 =	smul.u32 $0x140000, s6  }
0x8: {  	s6 =	ssub.s32 $0x2, s6;
	s4 =	sor.u32 s1, s4;
	_ =	strace $0x8000004A  }
0x9: {  	s30 =	sshrl.u32 s6, $0x1;
	s31 =	sshrl.u32 s10, $0x2;
	s9 =	smul.u32 $0x4F8, s4  }
0xa: {  	s4 =	sadd.s32 $0x18200, s5;
	s8 =	sadd.s32 s7, s8;
	s15 =	ssub.s32 s6, s30  }
0xb: {  	s13 =	sadd.s32 s31, s2;
	s7 =	sadd.s32 s7, s2;
	s8 =	sshrl.u32 s8, $0x3  }
0xc: {  	s10 =	sadd.s32 $0x9000, s13;
	s11 =	sadd.s32 $0xC000, s13;
	s12 =	sadd.s32 $0xF000, s13  }
0xd: {  	s15 =	smax.u32 s15, $0x1;
	s9 =	sadd.s32 s9, s5;
	s14 =	sadd.s32 s8, s5  }
0xe: {  	s8 =	sadd.s32 $0x3000, s13;
	s5 =	sadd.s32 $0x53400, s9;
	s6 =	sadd.s32 $0xE200, s9  }
0xf: {  	v0 =	vimm.f32 $0.0e+00;
	s9 =	sadd.s32 $0x6000, s13;
	s13 =	sadd.s32 $0x12000, s13;
	s14 =	sadd.s32 $0x84600, s14  }
.LBB2_1:
0x10: {  	s21 =	simm.s32 $0x0;
	s22 =	simm.s32 $0x200  }
.LBB2_2:
0x11: {  	p0 =	sne.s32 s22, $0xBE00;
	[tilespmem:s21+$0x4FF0] =	vst v0  }
0x12: {  	[tilespmem:s21+$0x4F80] =	vst v0  }
0x13: {  	[tilespmem:s21+$0x4F90] =	vst v0  }
.Ltmp0:
0x14: {  	[tilespmem:s21+$0x4FA0] =	vst v0;
	(pc) =	sbr.rel @p0 .LBB2_2-.Ltmp0, $4  }
0x15: {  	[tilespmem:s21+$0x4FB0] =	vst v0  }
0x16: {  	[tilespmem:s21+$0x4FC0] =	vst v0  }
0x17: {  	[tilespmem:s21+$0x4FD0] =	vst v0  }
0x18: {  	[tilespmem:s21+$0x4FE0] =	vst v0;
	s21 =	sshra.s32 s22, $0x2;
	s22 =	sadd.s32 $0x200, s22  }
0x19: {  	[tilespmem:s21+$0x4FF0] =	vst v0  }
0x1a: {  	[tilespmem:s21+$0x4F80] =	vst v0  }
0x1b: {  	[tilespmem:s21+$0x4F90] =	vst v0  }
0x1c: {  	[tilespmem:s21+$0x4FA0] =	vst v0  }
0x1d: {  	[tilespmem:s21+$0x4FB0] =	vst v0  }
0x1e: {  	[tilespmem:s21+$0x4FC0] =	vst v0  }
0x1f: {  	[tilespmem:s21+$0x4FD0] =	vst v0  }
0x20: {  	[tilespmem:s21+$0x4FE0] =	vst v0;
	s29 =	simm.s32 $0x0  }
0x21: {  	[tilespmem:s29], [sflag:$0x3] =	stream.linear.gather [hbm4b:s5+s29], $0x27C0, $0x38;
	[tilespmem:$0x1EF80] =	vst v63  }
0x22: {  	_ =	swait.ge [sflag:s16], $0x27C0  }
0x23: {  	[sflag:s16] =	ssyncset.done $0x0  }
0x24: {  	[sflag:s16] =	ssyncadd.s32 $0xFFFFD840  }
0x25: {  	[tilespmem:s17], [sflag:$0x3] =	stream.linear.gather [hbm4b:s6+s29], $0x27C0, $0x38;
	[tilespmem:$0x1EF80] =	vst v63  }
0x26: {  	_ =	swait.ge [sflag:s16], $0x27C0  }
0x27: {  	[sflag:s16] =	ssyncset.done $0x0  }
0x28: {  	[sflag:s16] =	ssyncadd.s32 $0xFFFFD840  }
0x29: {  	[spmem:s7] =	stream.linear.scatter [tilespmem:s18], [sflag:$0x3], $0x3000, $0x38;
	[tilespmem:$0x1EF80] =	vst v63  }
0x2a: {  	_ =	swait.ge [sflag:s16], $0x3000  }
0x2b: {  	[sflag:s16] =	ssyncset.done $0x0  }
0x2c: {  	[sflag:s16] =	ssyncadd.s32 $0xFFFFD000  }
0x2d: {  	[spmem:s8] =	stream.linear.scatter [tilespmem:s18], [sflag:$0x3], $0x3000, $0x38;
	[tilespmem:$0x1EF80] =	vst v63  }
0x2e: {  	_ =	swait.ge [sflag:s16], $0x3000  }
0x2f: {  	[sflag:s16] =	ssyncset.done $0x0  }
0x30: {  	[sflag:s16] =	ssyncadd.s32 $0xFFFFD000  }
0x31: {  	[spmem:s9] =	stream.linear.scatter [tilespmem:s18], [sflag:$0x3], $0x3000, $0x38;
	[tilespmem:$0x1EF80] =	vst v63  }
0x32: {  	_ =	swait.ge [sflag:s16], $0x3000  }
0x33: {  	[sflag:s16] =	ssyncset.done $0x0  }
0x34: {  	[sflag:s16] =	ssyncadd.s32 $0xFFFFD000  }
0x35: {  	[spmem:s10] =	stream.linear.scatter [tilespmem:s18], [sflag:$0x3], $0x3000, $0x38;
	[tilespmem:$0x1EF80] =	vst v63  }
0x36: {  	_ =	swait.ge [sflag:s16], $0x3000  }
0x37: {  	[sflag:s16] =	ssyncset.done $0x0  }
0x38: {  	[sflag:s16] =	ssyncadd.s32 $0xFFFFD000  }
0x39: {  	[spmem:s11] =	stream.linear.scatter [tilespmem:s18], [sflag:$0x3], $0x3000, $0x38;
	[tilespmem:$0x1EF80] =	vst v63  }
0x3a: {  	_ =	swait.ge [sflag:s16], $0x3000  }
0x3b: {  	[sflag:s16] =	ssyncset.done $0x0  }
0x3c: {  	[sflag:s16] =	ssyncadd.s32 $0xFFFFD000  }
0x3d: {  	[spmem:s12] =	stream.linear.scatter [tilespmem:s18], [sflag:$0x3], $0x3000, $0x38;
	[tilespmem:$0x1EF80] =	vst v63  }
0x3e: {  	_ =	swait.ge [sflag:s16], $0x3000  }
0x3f: {  	[sflag:s16] =	ssyncset.done $0x0  }
0x40: {  	[sflag:s16] =	ssyncadd.s32 $0xFFFFD000  }
0x41: {  	[spmem:s13] =	stream.linear.scatter [tilespmem:s18], [sflag:$0x3], $0x2000, $0x38;
	[tilespmem:$0x1EF80] =	vst v63  }
0x42: {  	_ =	swait.ge [sflag:s16], $0x2000  }
0x43: {  	[sflag:s16] =	ssyncset.done $0x0  }
0x44: {  	[sflag:s16] =	ssyncadd.s32 $0xFFFFE000  }
0x45: {  	s30 =	simm.s32 $0x0;
	[bflag:$0x0] =	sbarrier.arrive $0xFFFF  }
0x46: {  	[tilespmem:s18], [sflag:$0x1] =	stream.indirect.gather [hbm4b:s4+s19], $0x80, s30, s19, $0xb8;
	[tilespmem:$0x1EF80] =	vst v63  }
0x47: {  	_ =	swait.ge [sflag:s20], $0x3000  }
0x48: {  	[sflag:s20] =	ssyncset.done $0x0  }
0x49: {  	s31 =	simm.s32 $0x27C0;
	[sflag:s20] =	ssyncadd.s32 $0xFFFFD000  }
0x4a: {  	[spmem:s2] =	stream.indirect.scatter.add.f32 [tilespmem:s18], [sflag:$0x3], $0x80, s31, s19, $0xb8;
	[tilespmem:$0x1EF80] =	vst v63  }
0x4b: {  	_ =	swait.ge [sflag:s16], $0x3000  }
0x4c: {  	s21 =	simm.s32 $0x180;
	s22 =	simm.s32 $0x300;
	[sflag:s16] =	ssyncset.done $0x0  }
.LBB2_4:
0x4d: {  	s23 =	sshra.s32 s21, $0x2  }
0x4e: {  	[sflag:s16] =	ssyncadd.s32 $0xFFFFD000;
	s21 =	smov.u32 s22;
	s24 =	sadd.s32 $0x180, s22  }
0x4f: {  	[tilespmem:s18], [sflag:$0x1] =	stream.indirect.gather [hbm4b:s4+s19], $0x80, s23, s19, $0xb8;
	[tilespmem:$0x1EF80] =	vst v63  }
0x50: {  	p0 =	sne.s32 s22, $0x9D80;
	_ =	swait.ge [sflag:s20], $0x3000  }
.Ltmp1:
0x51: {  	[sflag:s20] =	ssyncset.done $0x0;
	(pc) =	sbr.rel @p0 .LBB2_4-.Ltmp1, $4  }
0x52: {  	s22 =	sadd.s32 $0x27C0, s23;
	[sflag:s20] =	ssyncadd.s32 $0xFFFFD000  }
0x53: {  	[spmem:s2] =	stream.indirect.scatter.add.f32 [tilespmem:s18], [sflag:$0x3], $0x80, s22, s19, $0xb8;
	[tilespmem:$0x1EF80] =	vst v63  }
0x54: {  	_ =	swait.ge [sflag:s16], $0x3000  }
0x55: {  	s22 =	smov.u32 s24;
	[sflag:s16] =	ssyncset.done $0x0  }
0x56: {  	s21 =	sshra.s32 s21, $0x2;
	[sflag:s16] =	ssyncadd.s32 $0xFFFFD000  }
0x57: {  	[tilespmem:s18], [sflag:$0x1] =	stream.indirect.gather [hbm4b:s4+s19], $0x80, s21, s19, $0xb8;
	[tilespmem:$0x1EF80] =	vst v63  }
0x58: {  	_ =	swait.ge [sflag:s20], $0x3000  }
0x59: {  	[sflag:s20] =	ssyncset.done $0x0  }
0x5a: {  	s21 =	sadd.s32 $0x27C0, s21;
	[sflag:s20] =	ssyncadd.s32 $0xFFFFD000  }
0x5b: {  	[spmem:s2] =	stream.indirect.scatter.add.f32 [tilespmem:s18], [sflag:$0x3], $0x80, s21, s19, $0xb8;
	[tilespmem:$0x1EF80] =	vst v63  }
0x5c: {  	_ =	swait.ge [sflag:s16], $0x3000  }
0x5d: {  	s31 =	sshll.u32 s1, $0x6;
	s3 =	sadd.s32 $0x1, s3;
	[sflag:s16] =	ssyncset.done $0x0  }
0x5e: {  	s22 =	sshrl.u32 s7, $0x3;
	p0 =	sne.s32 s3, s15;
	[sflag:s16] =	ssyncadd.s32 $0xFFFFD000  }
.Ltmp2:
0x5f: {  	s21 =	sor.u32 $0x1C03, s31;
	[bflag:$0x0] =	sbarrier.arrive $0xFFFF;
	(pc) =	sbr.rel @p0 .LBB2_1-.Ltmp2, $4  }
0x60: {  	[hbm:s14], [sflag:s21] =	dma.local [spmem:s22], $0x2800  }
0x61: {  	_ =	swait.ge [sflag:s16], $0x2800  }
0x62: {  	[sflag:s16] =	ssyncset.done $0x0  }
0x63: {  	[sflag:s16] =	ssyncadd.s32 $0xFFFFD800  }
0x64: {  	_ =	sfence.sel $0x180000  }
0x65: {  	[bflag:$0x0] =	sbarrier.arrive $0xFFFF  }
0x66: {  	p0 =	sne.s32 s1, $0x0;
	_ =	strace $0x9000004A  }
0x67: {  	s0 =	sadd.s32 @!p0 $0x100000, s0;
	[bflag:$0x2] =	sbarrier.arrive $0xFFFF  }
0x68: {  	[sflag:s0] =	ssyncadd.tile.s32 @!p0 $0x1;
	_ =	shalt  }
.Lfunc_end2:
_tile_overlayer_lowered:
.L_overlay_start_2:
0x69: {  	(tag) =	ssettag $0x2  }
0x6a: {  	s0 =	rddreg [dreg:$0x0];
	s2 =	stileid.u32  }
0x6b: {  	s1 =	rddreg [dreg:$0x1];
	p0 =	sne.s32 s2, $0x0  }
0x6c: {  	s3 =	rddreg [dreg:$0x2];
	[bflag:$0x3] =	sbarrier.arrive $0xFFFF;
	s2 =	simm.s32 @!p0 $0x1C03  }
0x6d: {  	[timem:s3], [sflag:s2] =	dma.local @!p0 [hbm:s0], s1  }
0x6e: {  	s0 =	simm.s32 @!p0 $0x3  }
0x6f: {  	_ =	swait.ge @!p0 [sflag:s0], s1  }
0x70: {  	s1 =	ssub.s32 @!p0 $0x0, s1;
	[sflag:s0] =	ssyncset.done @!p0 $0x0  }
0x71: {  	[sflag:s0] =	ssyncadd.s32 @!p0 s1  }
0x72: {  	[bflag:$0x3] =	sbarrier.arrive $0xFFFF  }
0x73: {  	_ =	shalt  }

// kernel: kernel.14.cloned.1.call-start
scs
__scs_entry_jumppad:
0x0: {  	(pc) =	sbr.rel $0x88, $3  }
0x1: {  	(tag) =	ssettag $0x0;
	lr =	simm.s32 $0x1  }
0x2: {  	[smem:$0x3F93] =	sst lr;
	_ =	strace $0xD0000000  }
0x3: {  	_ = 	snop  }
0x4: {  	_ = 	snop  }
0x5: {  	_ = 	snop  }
0x6: {  	_ = 	snop  }
0x7: {  	_ = 	snop  }
__scs_overlays_trampoline_lowered:
0x8: {  	[smem:$0x3FA2] =	sst s0  }
0x9: {  	[smem:$0x3FA3] =	sst s1  }
0xa: {  	[smem:$0x3FA4] =	sst s2  }
0xb: {  	[smem:$0x3FA5] =	sst s3  }
0xc: {  	[smem:$0x3FA6] =	sst s4  }
0xd: {  	[smem:$0x3FA7] =	sst s5  }
0xe: {  	[smem:$0x3FA8] =	sst s6  }
0xf: {  	[smem:$0x3FA9] =	sst s7  }
0x10: {  	[smem:$0x3FAA] =	sst s8  }
0x11: {  	[smem:$0x3FAB] =	sst s9;
	s0 =	simm.s32 @!p0 $0x0  }
0x12: {  	s1 =	sld [smem:$0x3F91];
	s0 =	simm.s32 @p0 $0x1  }
0x13: {  	[smem:$0x3FAC] =	sst s0;
	s0 =	simm.s32 @!p1 $0x0  }
0x14: {  	s2 =	sld [smem:$0x3F90];
	s0 =	simm.s32 @p1 $0x1  }
0x15: {  	[smem:$0x3FAD] =	sst s0;
	s0 =	simm.s32 @!p2 $0x0  }
0x16: {  	s3 =	sld [smem:$0x3FDB];
	s0 =	simm.s32 @p2 $0x1  }
0x17: {  	s4 =	simm.s32 $0x1BF5;
	[smem:$0x3FAF] =	sst s0  }
0x18: {  	s0 =	sld [smem:$0x3F92];
	_ =	swait.ge [sflag:s4], $0x0  }
0x19: {  	s7 =	sld [smem:$0x3F93]  }
0x1a: {  	s8 =	sadd.s32 $0xFFFFE003, lr  }
0x1b: {  	s9 =	sadd.s32 $0xFFFFFEF7, lr;
	s5 =	simm.s32 $0xFFFFFFFF;
	p2 =	slt.u32 s8, $0xFFFFF086  }
0x1c: {  	p1 =	slt.u32 s9, $0xF7A;
	s5 =	simm.s32 @!p2 $0x0  }
0x1d: {  	s5 =	simm.s32 @p1 $0x1;
	p0 =	seq.s32 s7, s2  }
0x1e: {  	s7 =	smul.u32 @!p0 $0xF7A, s2;
	p2 =	seq.s32 @!p0 s5, $0x0  }
0x1f: {  	s9 =	smul.u32 $0xF7A, s1;
	s8 =	simm.s32 @!p0 $0x1BF5;
	p2 =	por !p2, p0  }
0x20: {  	[sflag:s8] =	ssyncset.s32 @!p0 $0xFFFFF086;
	s6 =	sadd.s32 @!p0 s3, s7;
	s7 =	simm.s32 @!p0 $0x108  }
0x21: {  	s3 =	sadd.s32 s3, s9;
	s6 =	sadd.s32 @!p0 $0x88, s6;
	s7 =	simm.s32 @p2 $0x1082  }
0x22: {  	[simem:s7], [sflag:s8] =	dma.local @!p0 [hbm:s6], $0xF7A  }
0x23: {  	s9 =	sor.u32 $0xD0000000, s2;
	s6 =	simm.s32 $0x108;
	_ =	swait.ge @!p0 [sflag:s8], $0x0  }
0x24: {  	s3 =	sadd.s32 $0x88, s3;
	s6 =	simm.s32 @!p1 $0x1082;
	[sflag:s4] =	ssyncset.s32 $0xFFFFF086  }
0x25: {  	[simem:s6], [sflag:s4] =	dma.local [hbm:s3], $0xF7A  }
0x26: {  	[smem:$0x3F93] =	sst s1;
	(tag) =	ssettag s2;
	_ =	strace s9  }
0x27: {  	s1 =	sld [smem:$0x3FA3]  }
0x28: {  	s2 =	sld [smem:$0x3FA4]  }
0x29: {  	s4 =	sld [smem:$0x3FA6]  }
0x2a: {  	p0 =	seq.s32 s5, $0x0;
	s5 =	sld [smem:$0x3FA7]  }
0x2b: {  	s6 =	sld [smem:$0x3FA8]  }
0x2c: {  	s7 =	sld [smem:$0x3FA9]  }
0x2d: {  	s3 =	simm.s32 $0x108;
	s8 =	sld [smem:$0x3FAA]  }
0x2e: {  	s3 =	simm.s32 @!p0 $0x1082;
	s9 =	sld [smem:$0x3FAB]  }
0x2f: {  	lr =	sadd.s32 s0, s3;
	s0 =	sld [smem:$0x3FA2]  }
0x30: {  	s3 =	sld [smem:$0x3FA5]  }
0x31: {  	[smem:$0x3FAE] =	sst s10  }
0x32: {  	s10 =	sld [smem:$0x3FAC];
	_ =	sdelay $0x3  }
0x33: {  	p0 =	seq.s32 s10, $0x1;
	s10 =	sld [smem:$0x3FAE];
	_ =	sdelay $0x3  }
0x34: {  	[smem:$0x3FAE] =	sst s10  }
0x35: {  	s10 =	sld [smem:$0x3FAD];
	_ =	sdelay $0x3  }
0x36: {  	p1 =	seq.s32 s10, $0x1;
	s10 =	sld [smem:$0x3FAE];
	_ =	sdelay $0x3  }
0x37: {  	[smem:$0x3FAE] =	sst s10  }
0x38: {  	s10 =	sld [smem:$0x3FAF]  }
0x39: {  	_ = 	snop;
	(pc) =	sbr.ind lr, $3  }
0x3a: {  	_ = 	snop  }
0x3b: {  	_ = 	snop  }
0x3c: {  	p2 =	seq.s32 s10, $0x1;
	s10 =	sld [smem:$0x3FAE]  }
0x3d: {  	_ =	shalt  }
0x3e: {  	_ =	shalt  }
0x3f: {  	_ =	shalt  }
0x40: {  	_ =	shalt  }
0x41: {  	_ =	shalt  }
0x42: {  	_ =	shalt  }
0x43: {  	_ =	shalt  }
0x44: {  	_ =	shalt  }
0x45: {  	_ =	shalt  }
0x46: {  	_ =	shalt  }
0x47: {  	_ =	shalt  }
0x48: {  	_ =	shalt  }
0x49: {  	_ =	shalt  }
0x4a: {  	_ =	shalt  }
0x4b: {  	_ =	shalt  }
0x4c: {  	_ =	shalt  }
0x4d: {  	_ =	shalt  }
0x4e: {  	_ =	shalt  }
0x4f: {  	_ =	shalt  }
0x50: {  	_ =	shalt  }
0x51: {  	_ =	shalt  }
0x52: {  	_ =	shalt  }
0x53: {  	_ =	shalt  }
0x54: {  	_ =	shalt  }
0x55: {  	_ =	shalt  }
0x56: {  	_ =	shalt  }
0x57: {  	_ =	shalt  }
0x58: {  	_ =	shalt  }
0x59: {  	_ =	shalt  }
0x5a: {  	_ =	shalt  }
0x5b: {  	_ =	shalt  }
0x5c: {  	_ =	shalt  }
0x5d: {  	_ =	shalt  }
0x5e: {  	_ =	shalt  }
0x5f: {  	_ =	shalt  }
0x60: {  	_ =	shalt  }
0x61: {  	_ =	shalt  }
0x62: {  	_ =	shalt  }
0x63: {  	_ =	shalt  }
0x64: {  	_ =	shalt  }
0x65: {  	_ =	shalt  }
0x66: {  	_ =	shalt  }
0x67: {  	_ =	shalt  }
0x68: {  	_ =	shalt  }
0x69: {  	_ =	shalt  }
0x6a: {  	_ =	shalt  }
0x6b: {  	_ =	shalt  }
0x6c: {  	_ =	shalt  }
0x6d: {  	_ =	shalt  }
0x6e: {  	_ =	shalt  }
0x6f: {  	_ =	shalt  }
0x70: {  	_ =	shalt  }
0x71: {  	_ =	shalt  }
0x72: {  	_ =	shalt  }
0x73: {  	_ =	shalt  }
0x74: {  	_ =	shalt  }
0x75: {  	_ =	shalt  }
0x76: {  	_ =	shalt  }
0x77: {  	_ =	shalt  }
0x78: {  	_ =	shalt  }
0x79: {  	_ =	shalt  }
0x7a: {  	_ =	shalt  }
0x7b: {  	_ =	shalt  }
0x7c: {  	_ =	shalt  }
0x7d: {  	_ =	shalt  }
0x7e: {  	_ =	shalt  }
0x7f: {  	_ =	shalt  }
0x80: {  	_ =	shalt  }
0x81: {  	_ =	shalt  }
0x82: {  	_ =	shalt  }
0x83: {  	_ =	shalt  }
0x84: {  	_ =	shalt  }
0x85: {  	_ =	shalt  }
0x86: {  	_ =	shalt  }
0x87: {  	_ =	shalt  }
.Lfunc_end0:
.L_simem_size_0:
called_computation.2_lowered:
.L_overlay_start_0:
0x88: {  	s2 =	sld [smem:$0x3FD9]  }
0x89: {  	s3 =	sld [smem:$0x3FFE];
	_ =	sdelay $0x1  }
0x8a: {  	s1 =	srdreg.scid  }
0x8b: {  	s0 =	sand.u32 $0x1, s1  }
0x8c: {  	s16 =	sshll.u32 s0, $0xA;
	s2 =	sadd.s32 s3, s2  }
0x8d: {  	s2 =	sadd.s32 s2, s16  }
0x8e: {  	[smem:$0x3FBA] =	sst s2  }
0x8f: {  	_ = 	snop  }
0x90: {  	(tm) =	ssettm $0x1  }
0x91: {  	s17 =	sld [smem:$0x3FFB];
	_ =	sdelay $0x3  }
0x92: {  	_ =	strace s17  }
0x93: {  	s2 =	sld [smem:$0x3FFC];
	_ =	sdelay $0x3  }
0x94: {  	_ =	strace s2  }
0x95: {  	s2 =	sld [smem:$0x3FFD];
	_ =	sdelay $0x3  }
0x96: {  	_ =	strace s2  }
0x97: {  	_ =	strace $0x8FFFFFFF  }
0x98: {  	s18 =	sld [smem:$0x3FDB];
	_ =	sdelay $0x1  }
0x99: {  	s19 =	simm.s32 $_scs_section_size  }
0x9a: {  	s4 =	simm.s32 $_size__tile_overlayer_lowered;
	s5 =	simm.s32 $_tile_overlayer_lowered  }
0x9b: {  	s22 =	simm.s32 $0x1BFF;
	s21 =	sshll.u32 s5, $0x1;
	s2 =	sadd.s32 s19, s18  }
0x9c: {  	s6 =	simm.s32 $0x0;
	s20 =	sshll.u32 s4, $0x1;
	s4 =	sadd.s32 s21, s2  }
0x9d: {  	[timem:s6], [sflag:s22] =	dma.local [hbm:s4], s20  }
0x9e: {  	_ =	swait.ge [sflag:s22], s20  }
0x9f: {  	s3 =	ssub.s32 $0x0, s20;
	[sflag:s22] =	ssyncset.done $0x0  }
0xa0: {  	[sflag:s22] =	ssyncadd.s32 s3;
	_ =	sdelay $0x1  }
0xa1: {  	s23 =	simm.s32 $0x1B8B  }
0xa2: {  	_ =	swait.ge [sflag:s23], $0x1  }
0xa3: {  	[sflag:s23] =	ssyncset.done $0x0  }
0xa4: {  	s25 =	simm.s32 $0x1B8E;
	s24 =	sld [smem:$0x3FFE];
	[sflag:s23] =	ssyncadd.s32 $0xFFFFFFFF  }
0xa5: {  	s26 =	simm.s32 $execute0_lowered;
	[smem:$0x3FD2] =	sst s25  }
0xa6: {  	s4 =	sshll.u32 s26, $0x1;
	_ =	strace $0x8000004C;
	[dreg:$0x1] =	wrdreg $0xFFFFFFFF  }
0xa7: {  	s28 =	simm.s32 $_size_execute0_lowered;
	s2 =	sadd.s32 s2, s4;
	[dreg:$0x0] =	wrdreg $0x0  }
0xa8: {  	s4 =	sshll.u32 s28, $0x1;
	[dreg:$0x2] =	wrdreg s2  }
0xa9: {  	[dreg:$0x3] =	wrdreg s4  }
0xaa: {  	[dreg:$0x4] =	wrdreg $0xC0  }
0xab: {  	_ =	task [dreg:s6], $0x5FFFF  }
0xac: {  	[dreg:$0x1] =	wrdreg $0xFFFFFFFF  }
0xad: {  	[dreg:$0x0] =	wrdreg $0x60  }
0xae: {  	[dreg:$0x2] =	wrdreg s24  }
0xaf: {  	[dreg:$0x3] =	wrdreg $0xAF800  }
0xb0: {  	[dreg:$0x4] =	wrdreg $0x9  }
0xb1: {  	_ =	task.clear_ibuf [dreg:s6], $0x5FFFF;
	_ =	strace $0x9000004C  }
0xb2: {  	s29 =	simm.s32 $0x9;
	_ =	strace $0x8000004E  }
0xb3: {  	_ =	swait.ge [sflag:s29], $0x1  }
0xb4: {  	[sflag:s29] =	ssyncadd.s32 $0xFFFFFFFF  }
0xb5: {  	_ =	strace $0x9000004E  }
0xb6: {  	_ =	sfence  }
0xb7: {  	s30 =	sld [smem:$0x0];
	_ =	sdelay $0x2  }
0xb8: {  	s31 =	sshll.u32 s1, $0xD;
	s1 =	sshrl.u32 s1, $0x2  }
0xb9: {  	s3 =	sand.u32 $0x4000, s31;
	s1 =	sadd.s32 s1, s30  }
0xba: {  	s0 =	sor.u32 s3, s0;
	s1 =	sshll.u32 s1, $0x11  }
0xbb: {  	s0 =	sor.u32 s1, s0  }
0xbc: {  	s0 =	sadd.s32 $0x8F2B, s0  }
0xbd: {  	[sflag:s0] =	ssyncadd.remote.s32 $0x1  }
0xbe: {  	_ =	sfence.sel $0xFFFF  }
0xbf: {  	[dreg:$0x0] =	wrdreg $0xFFFFFFFF;
	(pc) =	sbr.abs _section_cstart, $3  }
0xc0: {  	[dreg:$0x1] =	wrdreg $0xFFFFFFFF  }
0xc1: {  	_ =	task.clear_ibuf [dreg:s6], $0x2FFFF;
	_ =	strace $0x9FFFFFFF  }
0xc2: {  	(tm) =	ssettm $0x7FFFFFFF  }
0xc3: {  	_ =	shalt  }
tec
execute0_lowered:
.L_overlay_start_1:
0x0: {  	(tag) =	ssettag $0x1  }
0x1: {  	s5 =	rddreg [dreg:$0x0]  }
0x2: {  	s2 =	rddreg [dreg:$0x1];
	s3 =	srdreg.scid  }
0x3: {  	s0 =	rddreg [dreg:$0x2];
	s1 =	stileid.u32  }
0x4: {  	s16 =	simm.s32 $0x3;
	s17 =	simm.s32 $0x27C0;
	s18 =	simm.s32 $0x4F80  }
0x5: {  	s19 =	simm.s32 $0x60;
	s20 =	simm.s32 $0x1;
	s7 =	smul.u32 $0x14000, s1  }
0x6: {  	s6 =	sand.u32 $0x1, s3;
	s3 =	simm.s32 $0x0;
	s10 =	smul.u32 $0x50000, s1  }
0x7: {  	s4 =	sshll.u32 s6, $0x4;
	[smem:$0x7FF] =	sst s3;
	s8 =	smul.u32 $0x140000, s6  }
0x8: {  	s6 =	ssub.s32 $0x2, s6;
	s4 =	sor.u32 s1, s4;
	_ =	strace $0x8000004D  }
0x9: {  	s30 =	sshrl.u32 s6, $0x1;
	s31 =	sshrl.u32 s10, $0x2;
	s9 =	smul.u32 $0x4F8, s4  }
0xa: {  	s4 =	sadd.s32 $0xE200, s5;
	s8 =	sadd.s32 s7, s8;
	s15 =	ssub.s32 s6, s30  }
0xb: {  	s13 =	sadd.s32 s31, s2;
	s7 =	sadd.s32 s7, s2;
	s8 =	sshrl.u32 s8, $0x3  }
0xc: {  	s10 =	sadd.s32 $0x9000, s13;
	s11 =	sadd.s32 $0xC000, s13;
	s12 =	sadd.s32 $0xF000, s13  }
0xd: {  	s15 =	smax.u32 s15, $0x1;
	s9 =	sadd.s32 s9, s5;
	s14 =	sadd.s32 s8, s5  }
0xe: {  	s8 =	sadd.s32 $0x3000, s13;
	s5 =	sadd.s32 $0x3F400, s9;
	s6 =	sadd.s32 $0x4200, s9  }
0xf: {  	v0 =	vimm.f32 $0.0e+00;
	s9 =	sadd.s32 $0x6000, s13;
	s13 =	sadd.s32 $0x12000, s13;
	s14 =	sadd.s32 $0x84600, s14  }
.LBB2_1:
0x10: {  	s21 =	simm.s32 $0x0;
	s22 =	simm.s32 $0x200  }
.LBB2_2:
0x11: {  	p0 =	sne.s32 s22, $0xBE00;
	[tilespmem:s21+$0x4FF0] =	vst v0  }
0x12: {  	[tilespmem:s21+$0x4F80] =	vst v0  }
0x13: {  	[tilespmem:s21+$0x4F90] =	vst v0  }
.Ltmp0:
0x14: {  	[tilespmem:s21+$0x4FA0] =	vst v0;
	(pc) =	sbr.rel @p0 .LBB2_2-.Ltmp0, $4  }
0x15: {  	[tilespmem:s21+$0x4FB0] =	vst v0  }
0x16: {  	[tilespmem:s21+$0x4FC0] =	vst v0  }
0x17: {  	[tilespmem:s21+$0x4FD0] =	vst v0  }
0x18: {  	[tilespmem:s21+$0x4FE0] =	vst v0;
	s21 =	sshra.s32 s22, $0x2;
	s22 =	sadd.s32 $0x200, s22  }
0x19: {  	[tilespmem:s21+$0x4FF0] =	vst v0  }
0x1a: {  	[tilespmem:s21+$0x4F80] =	vst v0  }
0x1b: {  	[tilespmem:s21+$0x4F90] =	vst v0  }
0x1c: {  	[tilespmem:s21+$0x4FA0] =	vst v0  }
0x1d: {  	[tilespmem:s21+$0x4FB0] =	vst v0  }
0x1e: {  	[tilespmem:s21+$0x4FC0] =	vst v0  }
0x1f: {  	[tilespmem:s21+$0x4FD0] =	vst v0  }
0x20: {  	[tilespmem:s21+$0x4FE0] =	vst v0;
	s29 =	simm.s32 $0x0  }
0x21: {  	[tilespmem:s29], [sflag:$0x3] =	stream.linear.gather [hbm4b:s5+s29], $0x27C0, $0x38;
	[tilespmem:$0x1EF80] =	vst v63  }
0x22: {  	_ =	swait.ge [sflag:s16], $0x27C0  }
0x23: {  	[sflag:s16] =	ssyncset.done $0x0  }
0x24: {  	[sflag:s16] =	ssyncadd.s32 $0xFFFFD840  }
0x25: {  	[tilespmem:s17], [sflag:$0x3] =	stream.linear.gather [hbm4b:s6+s29], $0x27C0, $0x38;
	[tilespmem:$0x1EF80] =	vst v63  }
0x26: {  	_ =	swait.ge [sflag:s16], $0x27C0  }
0x27: {  	[sflag:s16] =	ssyncset.done $0x0  }
0x28: {  	[sflag:s16] =	ssyncadd.s32 $0xFFFFD840  }
0x29: {  	[spmem:s7] =	stream.linear.scatter [tilespmem:s18], [sflag:$0x3], $0x3000, $0x38;
	[tilespmem:$0x1EF80] =	vst v63  }
0x2a: {  	_ =	swait.ge [sflag:s16], $0x3000  }
0x2b: {  	[sflag:s16] =	ssyncset.done $0x0  }
0x2c: {  	[sflag:s16] =	ssyncadd.s32 $0xFFFFD000  }
0x2d: {  	[spmem:s8] =	stream.linear.scatter [tilespmem:s18], [sflag:$0x3], $0x3000, $0x38;
	[tilespmem:$0x1EF80] =	vst v63  }
0x2e: {  	_ =	swait.ge [sflag:s16], $0x3000  }
0x2f: {  	[sflag:s16] =	ssyncset.done $0x0  }
0x30: {  	[sflag:s16] =	ssyncadd.s32 $0xFFFFD000  }
0x31: {  	[spmem:s9] =	stream.linear.scatter [tilespmem:s18], [sflag:$0x3], $0x3000, $0x38;
	[tilespmem:$0x1EF80] =	vst v63  }
0x32: {  	_ =	swait.ge [sflag:s16], $0x3000  }
0x33: {  	[sflag:s16] =	ssyncset.done $0x0  }
0x34: {  	[sflag:s16] =	ssyncadd.s32 $0xFFFFD000  }
0x35: {  	[spmem:s10] =	stream.linear.scatter [tilespmem:s18], [sflag:$0x3], $0x3000, $0x38;
	[tilespmem:$0x1EF80] =	vst v63  }
0x36: {  	_ =	swait.ge [sflag:s16], $0x3000  }
0x37: {  	[sflag:s16] =	ssyncset.done $0x0  }
0x38: {  	[sflag:s16] =	ssyncadd.s32 $0xFFFFD000  }
0x39: {  	[spmem:s11] =	stream.linear.scatter [tilespmem:s18], [sflag:$0x3], $0x3000, $0x38;
	[tilespmem:$0x1EF80] =	vst v63  }
0x3a: {  	_ =	swait.ge [sflag:s16], $0x3000  }
0x3b: {  	[sflag:s16] =	ssyncset.done $0x0  }
0x3c: {  	[sflag:s16] =	ssyncadd.s32 $0xFFFFD000  }
0x3d: {  	[spmem:s12] =	stream.linear.scatter [tilespmem:s18], [sflag:$0x3], $0x3000, $0x38;
	[tilespmem:$0x1EF80] =	vst v63  }
0x3e: {  	_ =	swait.ge [sflag:s16], $0x3000  }
0x3f: {  	[sflag:s16] =	ssyncset.done $0x0  }
0x40: {  	[sflag:s16] =	ssyncadd.s32 $0xFFFFD000  }
0x41: {  	[spmem:s13] =	stream.linear.scatter [tilespmem:s18], [sflag:$0x3], $0x2000, $0x38;
	[tilespmem:$0x1EF80] =	vst v63  }
0x42: {  	_ =	swait.ge [sflag:s16], $0x2000  }
0x43: {  	[sflag:s16] =	ssyncset.done $0x0  }
0x44: {  	[sflag:s16] =	ssyncadd.s32 $0xFFFFE000  }
0x45: {  	s30 =	simm.s32 $0x0;
	[bflag:$0x0] =	sbarrier.arrive $0xFFFF  }
0x46: {  	[tilespmem:s18], [sflag:$0x1] =	stream.indirect.gather [hbm4b:s4+s19], $0x80, s30, s19, $0xb8;
	[tilespmem:$0x1EF80] =	vst v63  }
0x47: {  	_ =	swait.ge [sflag:s20], $0x3000  }
0x48: {  	[sflag:s20] =	ssyncset.done $0x0  }
0x49: {  	s31 =	simm.s32 $0x27C0;
	[sflag:s20] =	ssyncadd.s32 $0xFFFFD000  }
0x4a: {  	[spmem:s2] =	stream.indirect.scatter.add.f32 [tilespmem:s18], [sflag:$0x3], $0x80, s31, s19, $0xb8;
	[tilespmem:$0x1EF80] =	vst v63  }
0x4b: {  	_ =	swait.ge [sflag:s16], $0x3000  }
0x4c: {  	s21 =	simm.s32 $0x180;
	s22 =	simm.s32 $0x300;
	[sflag:s16] =	ssyncset.done $0x0  }
.LBB2_4:
0x4d: {  	s23 =	sshra.s32 s21, $0x2  }
0x4e: {  	[sflag:s16] =	ssyncadd.s32 $0xFFFFD000;
	s21 =	smov.u32 s22;
	s24 =	sadd.s32 $0x180, s22  }
0x4f: {  	[tilespmem:s18], [sflag:$0x1] =	stream.indirect.gather [hbm4b:s4+s19], $0x80, s23, s19, $0xb8;
	[tilespmem:$0x1EF80] =	vst v63  }
0x50: {  	p0 =	sne.s32 s22, $0x9D80;
	_ =	swait.ge [sflag:s20], $0x3000  }
.Ltmp1:
0x51: {  	[sflag:s20] =	ssyncset.done $0x0;
	(pc) =	sbr.rel @p0 .LBB2_4-.Ltmp1, $4  }
0x52: {  	s22 =	sadd.s32 $0x27C0, s23;
	[sflag:s20] =	ssyncadd.s32 $0xFFFFD000  }
0x53: {  	[spmem:s2] =	stream.indirect.scatter.add.f32 [tilespmem:s18], [sflag:$0x3], $0x80, s22, s19, $0xb8;
	[tilespmem:$0x1EF80] =	vst v63  }
0x54: {  	_ =	swait.ge [sflag:s16], $0x3000  }
0x55: {  	s22 =	smov.u32 s24;
	[sflag:s16] =	ssyncset.done $0x0  }
0x56: {  	s21 =	sshra.s32 s21, $0x2;
	[sflag:s16] =	ssyncadd.s32 $0xFFFFD000  }
0x57: {  	[tilespmem:s18], [sflag:$0x1] =	stream.indirect.gather [hbm4b:s4+s19], $0x80, s21, s19, $0xb8;
	[tilespmem:$0x1EF80] =	vst v63  }
0x58: {  	_ =	swait.ge [sflag:s20], $0x3000  }
0x59: {  	[sflag:s20] =	ssyncset.done $0x0  }
0x5a: {  	s21 =	sadd.s32 $0x27C0, s21;
	[sflag:s20] =	ssyncadd.s32 $0xFFFFD000  }
0x5b: {  	[spmem:s2] =	stream.indirect.scatter.add.f32 [tilespmem:s18], [sflag:$0x3], $0x80, s21, s19, $0xb8;
	[tilespmem:$0x1EF80] =	vst v63  }
0x5c: {  	_ =	swait.ge [sflag:s16], $0x3000  }
0x5d: {  	s31 =	sshll.u32 s1, $0x6;
	s3 =	sadd.s32 $0x1, s3;
	[sflag:s16] =	ssyncset.done $0x0  }
0x5e: {  	s22 =	sshrl.u32 s7, $0x3;
	p0 =	sne.s32 s3, s15;
	[sflag:s16] =	ssyncadd.s32 $0xFFFFD000  }
.Ltmp2:
0x5f: {  	s21 =	sor.u32 $0x1C03, s31;
	[bflag:$0x0] =	sbarrier.arrive $0xFFFF;
	(pc) =	sbr.rel @p0 .LBB2_1-.Ltmp2, $4  }
0x60: {  	[hbm:s14], [sflag:s21] =	dma.local [spmem:s22], $0x2800  }
0x61: {  	_ =	swait.ge [sflag:s16], $0x2800  }
0x62: {  	[sflag:s16] =	ssyncset.done $0x0  }
0x63: {  	[sflag:s16] =	ssyncadd.s32 $0xFFFFD800  }
0x64: {  	_ =	sfence.sel $0x180000  }
0x65: {  	[bflag:$0x0] =	sbarrier.arrive $0xFFFF  }
0x66: {  	p0 =	sne.s32 s1, $0x0;
	_ =	strace $0x9000004D  }
0x67: {  	s0 =	sadd.s32 @!p0 $0x100000, s0;
	[bflag:$0x2] =	sbarrier.arrive $0xFFFF  }
0x68: {  	[sflag:s0] =	ssyncadd.tile.s32 @!p0 $0x1;
	_ =	shalt  }
.Lfunc_end2:
_tile_overlayer_lowered:
.L_overlay_start_2:
0x69: {  	(tag) =	ssettag $0x2  }
0x6a: {  	s0 =	rddreg [dreg:$0x0];
	s2 =	stileid.u32  }
0x6b: {  	s1 =	rddreg [dreg:$0x1];
	p0 =	sne.s32 s2, $0x0  }
0x6c: {  	s3 =	rddreg [dreg:$0x2];
	[bflag:$0x3] =	sbarrier.arrive $0xFFFF;
	s2 =	simm.s32 @!p0 $0x1C03  }
0x6d: {  	[timem:s3], [sflag:s2] =	dma.local @!p0 [hbm:s0], s1  }
0x6e: {  	s0 =	simm.s32 @!p0 $0x3  }
0x6f: {  	_ =	swait.ge @!p0 [sflag:s0], s1  }
0x70: {  	s1 =	ssub.s32 @!p0 $0x0, s1;
	[sflag:s0] =	ssyncset.done @!p0 $0x0  }
0x71: {  	[sflag:s0] =	ssyncadd.s32 @!p0 s1  }
0x72: {  	[bflag:$0x3] =	sbarrier.arrive $0xFFFF  }
0x73: {  	_ =	shalt  }

// kernel: kernel.8.cloned.1.call-start
scs
__scs_entry_jumppad:
0x0: {  	(pc) =	sbr.rel $0x88, $3  }
0x1: {  	(tag) =	ssettag $0x0;
	lr =	simm.s32 $0x1  }
0x2: {  	[smem:$0x3F93] =	sst lr;
	_ =	strace $0xD0000000  }
0x3: {  	_ = 	snop  }
0x4: {  	_ = 	snop  }
0x5: {  	_ = 	snop  }
0x6: {  	_ = 	snop  }
0x7: {  	_ = 	snop  }
__scs_overlays_trampoline_lowered:
0x8: {  	[smem:$0x3FA2] =	sst s0  }
0x9: {  	[smem:$0x3FA3] =	sst s1  }
0xa: {  	[smem:$0x3FA4] =	sst s2  }
0xb: {  	[smem:$0x3FA5] =	sst s3  }
0xc: {  	[smem:$0x3FA6] =	sst s4  }
0xd: {  	[smem:$0x3FA7] =	sst s5  }
0xe: {  	[smem:$0x3FA8] =	sst s6  }
0xf: {  	[smem:$0x3FA9] =	sst s7  }
0x10: {  	[smem:$0x3FAA] =	sst s8  }
0x11: {  	[smem:$0x3FAB] =	sst s9;
	s0 =	simm.s32 @!p0 $0x0  }
0x12: {  	s1 =	sld [smem:$0x3F91];
	s0 =	simm.s32 @p0 $0x1  }
0x13: {  	[smem:$0x3FAC] =	sst s0;
	s0 =	simm.s32 @!p1 $0x0  }
0x14: {  	s2 =	sld [smem:$0x3F90];
	s0 =	simm.s32 @p1 $0x1  }
0x15: {  	[smem:$0x3FAD] =	sst s0;
	s0 =	simm.s32 @!p2 $0x0  }
0x16: {  	s3 =	sld [smem:$0x3FDB];
	s0 =	simm.s32 @p2 $0x1  }
0x17: {  	s4 =	simm.s32 $0x1BF5;
	[smem:$0x3FAF] =	sst s0  }
0x18: {  	s0 =	sld [smem:$0x3F92];
	_ =	swait.ge [sflag:s4], $0x0  }
0x19: {  	s7 =	sld [smem:$0x3F93]  }
0x1a: {  	s8 =	sadd.s32 $0xFFFFE003, lr  }
0x1b: {  	s9 =	sadd.s32 $0xFFFFFEF7, lr;
	s5 =	simm.s32 $0xFFFFFFFF;
	p2 =	slt.u32 s8, $0xFFFFF086  }
0x1c: {  	p1 =	slt.u32 s9, $0xF7A;
	s5 =	simm.s32 @!p2 $0x0  }
0x1d: {  	s5 =	simm.s32 @p1 $0x1;
	p0 =	seq.s32 s7, s2  }
0x1e: {  	s7 =	smul.u32 @!p0 $0xF7A, s2;
	p2 =	seq.s32 @!p0 s5, $0x0  }
0x1f: {  	s9 =	smul.u32 $0xF7A, s1;
	s8 =	simm.s32 @!p0 $0x1BF5;
	p2 =	por !p2, p0  }
0x20: {  	[sflag:s8] =	ssyncset.s32 @!p0 $0xFFFFF086;
	s6 =	sadd.s32 @!p0 s3, s7;
	s7 =	simm.s32 @!p0 $0x108  }
0x21: {  	s3 =	sadd.s32 s3, s9;
	s6 =	sadd.s32 @!p0 $0x88, s6;
	s7 =	simm.s32 @p2 $0x1082  }
0x22: {  	[simem:s7], [sflag:s8] =	dma.local @!p0 [hbm:s6], $0xF7A  }
0x23: {  	s9 =	sor.u32 $0xD0000000, s2;
	s6 =	simm.s32 $0x108;
	_ =	swait.ge @!p0 [sflag:s8], $0x0  }
0x24: {  	s3 =	sadd.s32 $0x88, s3;
	s6 =	simm.s32 @!p1 $0x1082;
	[sflag:s4] =	ssyncset.s32 $0xFFFFF086  }
0x25: {  	[simem:s6], [sflag:s4] =	dma.local [hbm:s3], $0xF7A  }
0x26: {  	[smem:$0x3F93] =	sst s1;
	(tag) =	ssettag s2;
	_ =	strace s9  }
0x27: {  	s1 =	sld [smem:$0x3FA3]  }
0x28: {  	s2 =	sld [smem:$0x3FA4]  }
0x29: {  	s4 =	sld [smem:$0x3FA6]  }
0x2a: {  	p0 =	seq.s32 s5, $0x0;
	s5 =	sld [smem:$0x3FA7]  }
0x2b: {  	s6 =	sld [smem:$0x3FA8]  }
0x2c: {  	s7 =	sld [smem:$0x3FA9]  }
0x2d: {  	s3 =	simm.s32 $0x108;
	s8 =	sld [smem:$0x3FAA]  }
0x2e: {  	s3 =	simm.s32 @!p0 $0x1082;
	s9 =	sld [smem:$0x3FAB]  }
0x2f: {  	lr =	sadd.s32 s0, s3;
	s0 =	sld [smem:$0x3FA2]  }
0x30: {  	s3 =	sld [smem:$0x3FA5]  }
0x31: {  	[smem:$0x3FAE] =	sst s10  }
0x32: {  	s10 =	sld [smem:$0x3FAC];
	_ =	sdelay $0x3  }
0x33: {  	p0 =	seq.s32 s10, $0x1;
	s10 =	sld [smem:$0x3FAE];
	_ =	sdelay $0x3  }
0x34: {  	[smem:$0x3FAE] =	sst s10  }
0x35: {  	s10 =	sld [smem:$0x3FAD];
	_ =	sdelay $0x3  }
0x36: {  	p1 =	seq.s32 s10, $0x1;
	s10 =	sld [smem:$0x3FAE];
	_ =	sdelay $0x3  }
0x37: {  	[smem:$0x3FAE] =	sst s10  }
0x38: {  	s10 =	sld [smem:$0x3FAF]  }
0x39: {  	_ = 	snop;
	(pc) =	sbr.ind lr, $3  }
0x3a: {  	_ = 	snop  }
0x3b: {  	_ = 	snop  }
0x3c: {  	p2 =	seq.s32 s10, $0x1;
	s10 =	sld [smem:$0x3FAE]  }
0x3d: {  	_ =	shalt  }
0x3e: {  	_ =	shalt  }
0x3f: {  	_ =	shalt  }
0x40: {  	_ =	shalt  }
0x41: {  	_ =	shalt  }
0x42: {  	_ =	shalt  }
0x43: {  	_ =	shalt  }
0x44: {  	_ =	shalt  }
0x45: {  	_ =	shalt  }
0x46: {  	_ =	shalt  }
0x47: {  	_ =	shalt  }
0x48: {  	_ =	shalt  }
0x49: {  	_ =	shalt  }
0x4a: {  	_ =	shalt  }
0x4b: {  	_ =	shalt  }
0x4c: {  	_ =	shalt  }
0x4d: {  	_ =	shalt  }
0x4e: {  	_ =	shalt  }
0x4f: {  	_ =	shalt  }
0x50: {  	_ =	shalt  }
0x51: {  	_ =	shalt  }
0x52: {  	_ =	shalt  }
0x53: {  	_ =	shalt  }
0x54: {  	_ =	shalt  }
0x55: {  	_ =	shalt  }
0x56: {  	_ =	shalt  }
0x57: {  	_ =	shalt  }
0x58: {  	_ =	shalt  }
0x59: {  	_ =	shalt  }
0x5a: {  	_ =	shalt  }
0x5b: {  	_ =	shalt  }
0x5c: {  	_ =	shalt  }
0x5d: {  	_ =	shalt  }
0x5e: {  	_ =	shalt  }
0x5f: {  	_ =	shalt  }
0x60: {  	_ =	shalt  }
0x61: {  	_ =	shalt  }
0x62: {  	_ =	shalt  }
0x63: {  	_ =	shalt  }
0x64: {  	_ =	shalt  }
0x65: {  	_ =	shalt  }
0x66: {  	_ =	shalt  }
0x67: {  	_ =	shalt  }
0x68: {  	_ =	shalt  }
0x69: {  	_ =	shalt  }
0x6a: {  	_ =	shalt  }
0x6b: {  	_ =	shalt  }
0x6c: {  	_ =	shalt  }
0x6d: {  	_ =	shalt  }
0x6e: {  	_ =	shalt  }
0x6f: {  	_ =	shalt  }
0x70: {  	_ =	shalt  }
0x71: {  	_ =	shalt  }
0x72: {  	_ =	shalt  }
0x73: {  	_ =	shalt  }
0x74: {  	_ =	shalt  }
0x75: {  	_ =	shalt  }
0x76: {  	_ =	shalt  }
0x77: {  	_ =	shalt  }
0x78: {  	_ =	shalt  }
0x79: {  	_ =	shalt  }
0x7a: {  	_ =	shalt  }
0x7b: {  	_ =	shalt  }
0x7c: {  	_ =	shalt  }
0x7d: {  	_ =	shalt  }
0x7e: {  	_ =	shalt  }
0x7f: {  	_ =	shalt  }
0x80: {  	_ =	shalt  }
0x81: {  	_ =	shalt  }
0x82: {  	_ =	shalt  }
0x83: {  	_ =	shalt  }
0x84: {  	_ =	shalt  }
0x85: {  	_ =	shalt  }
0x86: {  	_ =	shalt  }
0x87: {  	_ =	shalt  }
.Lfunc_end0:
.L_simem_size_0:
called_computation_lowered:
.L_overlay_start_0:
0x88: {  	s2 =	sld [smem:$0x3FD9]  }
0x89: {  	s3 =	sld [smem:$0x3FFE];
	_ =	sdelay $0x1  }
0x8a: {  	s1 =	srdreg.scid  }
0x8b: {  	s0 =	sand.u32 $0x1, s1  }
0x8c: {  	s16 =	sshll.u32 s0, $0xA;
	s2 =	sadd.s32 s3, s2  }
0x8d: {  	s2 =	sadd.s32 s2, s16  }
0x8e: {  	[smem:$0x3FBA] =	sst s2  }
0x8f: {  	_ = 	snop  }
0x90: {  	(tm) =	ssettm $0x1  }
0x91: {  	s17 =	sld [smem:$0x3FFB];
	_ =	sdelay $0x3  }
0x92: {  	_ =	strace s17  }
0x93: {  	s2 =	sld [smem:$0x3FFC];
	_ =	sdelay $0x3  }
0x94: {  	_ =	strace s2  }
0x95: {  	s2 =	sld [smem:$0x3FFD];
	_ =	sdelay $0x3  }
0x96: {  	_ =	strace s2  }
0x97: {  	_ =	strace $0x8FFFFFFF  }
0x98: {  	s18 =	sld [smem:$0x3FDB];
	_ =	sdelay $0x1  }
0x99: {  	s19 =	simm.s32 $_scs_section_size  }
0x9a: {  	s4 =	simm.s32 $_size__tile_overlayer_lowered;
	s5 =	simm.s32 $_tile_overlayer_lowered  }
0x9b: {  	s22 =	simm.s32 $0x1BFF;
	s21 =	sshll.u32 s5, $0x1;
	s2 =	sadd.s32 s19, s18  }
0x9c: {  	s6 =	simm.s32 $0x0;
	s20 =	sshll.u32 s4, $0x1;
	s4 =	sadd.s32 s21, s2  }
0x9d: {  	[timem:s6], [sflag:s22] =	dma.local [hbm:s4], s20  }
0x9e: {  	_ =	swait.ge [sflag:s22], s20  }
0x9f: {  	s3 =	ssub.s32 $0x0, s20;
	[sflag:s22] =	ssyncset.done $0x0  }
0xa0: {  	[sflag:s22] =	ssyncadd.s32 s3;
	_ =	sdelay $0x1  }
0xa1: {  	s23 =	simm.s32 $0x1B8B  }
0xa2: {  	_ =	swait.ge [sflag:s23], $0x1  }
0xa3: {  	[sflag:s23] =	ssyncset.done $0x0  }
0xa4: {  	s25 =	simm.s32 $0x1B8E;
	s24 =	sld [smem:$0x3FFE];
	[sflag:s23] =	ssyncadd.s32 $0xFFFFFFFF  }
0xa5: {  	s26 =	simm.s32 $execute0_lowered;
	[smem:$0x3FD2] =	sst s25  }
0xa6: {  	s4 =	sshll.u32 s26, $0x1;
	_ =	strace $0x80000046;
	[dreg:$0x1] =	wrdreg $0xFFFFFFFF  }
0xa7: {  	s28 =	simm.s32 $_size_execute0_lowered;
	s2 =	sadd.s32 s2, s4;
	[dreg:$0x0] =	wrdreg $0x0  }
0xa8: {  	s4 =	sshll.u32 s28, $0x1;
	[dreg:$0x2] =	wrdreg s2  }
0xa9: {  	[dreg:$0x3] =	wrdreg s4  }
0xaa: {  	[dreg:$0x4] =	wrdreg $0xC0  }
0xab: {  	_ =	task [dreg:s6], $0x5FFFF  }
0xac: {  	[dreg:$0x1] =	wrdreg $0xFFFFFFFF  }
0xad: {  	[dreg:$0x0] =	wrdreg $0x60  }
0xae: {  	[dreg:$0x2] =	wrdreg s24  }
0xaf: {  	[dreg:$0x3] =	wrdreg $0x7D800  }
0xb0: {  	[dreg:$0x4] =	wrdreg $0xA5800  }
0xb1: {  	[dreg:$0x5] =	wrdreg $0x9  }
0xb2: {  	_ =	task.clear_ibuf [dreg:s6], $0x6FFFF;
	_ =	strace $0x90000046  }
0xb3: {  	s29 =	simm.s32 $0x9;
	_ =	strace $0x80000048  }
0xb4: {  	_ =	swait.ge [sflag:s29], $0x1  }
0xb5: {  	[sflag:s29] =	ssyncadd.s32 $0xFFFFFFFF  }
0xb6: {  	_ =	strace $0x90000048  }
0xb7: {  	_ =	sfence  }
0xb8: {  	s30 =	sld [smem:$0x0];
	_ =	sdelay $0x2  }
0xb9: {  	s31 =	sshll.u32 s1, $0xD;
	s1 =	sshrl.u32 s1, $0x2  }
0xba: {  	s3 =	sand.u32 $0x4000, s31;
	s1 =	sadd.s32 s1, s30  }
0xbb: {  	s0 =	sor.u32 s3, s0;
	s1 =	sshll.u32 s1, $0x11  }
0xbc: {  	s0 =	sor.u32 s1, s0  }
0xbd: {  	s0 =	sadd.s32 $0x8F2B, s0  }
0xbe: {  	[sflag:s0] =	ssyncadd.remote.s32 $0x1  }
0xbf: {  	_ =	sfence.sel $0xFFFF  }
0xc0: {  	[dreg:$0x0] =	wrdreg $0xFFFFFFFF;
	(pc) =	sbr.abs _section_cstart, $3  }
0xc1: {  	[dreg:$0x1] =	wrdreg $0xFFFFFFFF  }
0xc2: {  	_ =	task.clear_ibuf [dreg:s6], $0x2FFFF;
	_ =	strace $0x9FFFFFFF  }
0xc3: {  	(tm) =	ssettm $0x7FFFFFFF  }
tec
execute0_lowered:
.L_overlay_start_1:
0x0: {  	(tag) =	ssettag $0x1  }
0x1: {  	s5 =	rddreg [dreg:$0x0]  }
0x2: {  	s2 =	rddreg [dreg:$0x1]  }
0x3: {  	s3 =	rddreg [dreg:$0x2];
	s4 =	srdreg.scid  }
0x4: {  	s1 =	stileid.u32;
	s0 =	rddreg [dreg:$0x3];
	s13 =	simm.s32 $0x5580  }
0x5: {  	s14 =	simm.s32 $0x60;
	s15 =	simm.s32 $0x4F80;
	s6 =	sand.u32 $0x1, s4  }
0x6: {  	s16 =	simm.s32 $0x1;
	s8 =	smul.u32 $0x2800, s1;
	s7 =	sshll.u32 s6, $0x4  }
0x7: {  	s4 =	simm.s32 $0x0;
	s9 =	smul.u32 $0x28000, s6;
	s7 =	sor.u32 s1, s7  }
0x8: {  	[smem:$0x7FF] =	sst s4;
	s6 =	ssub.s32 $0x2, s6;
	s7 =	smul.u32 $0x4F8, s7  }
0x9: {  	_ =	strace $0x80000047;
	s10 =	sshrl.u32 s6, $0x1;
	s9 =	sadd.s32 s8, s9  }
0xa: {  	s12 =	ssub.s32 s6, s10;
	s9 =	sshrl.u32 s9, $0x3;
	s7 =	sadd.s32 s7, s5  }
0xb: {  	s11 =	sadd.s32 s9, s5;
	s5 =	sadd.s32 $0xE200, s7;
	s6 =	sadd.s32 $0x4200, s7  }
0xc: {  	s7 =	sadd.s32 s8, s2;
	s8 =	sadd.s32 s8, s3;
	s9 =	sadd.s32 $0x18200, s11  }
0xd: {  	v0 =	vimm.f32 $1.000000000e+00;
	v1 =	vimm.f32 $0.0e+00;
	s10 =	sadd.s32 $0x22200, s11;
	s11 =	smax.u32 s12, $0x1;
	s12 =	simm.s32 $0x2  }
.LBB2_1:
0xe: {  	s17 =	simm.s32 $0x0  }
.LBB2_2:
0xf: {  	p0 =	sne.s32 s17, $0x17C0  }
.Ltmp0:
0x10: {  	_ = 	snop;
	(pc) =	sbr.rel @p0 .LBB2_2-.Ltmp0, $3  }
0x11: {  	_ =	sdelay $0x1  }
0x12: {  	s18 =	sshra.s32 s17, $0x2  }
0x13: {  	s17 =	sadd.s32 $0x40, s17;
	[tilespmem:s18+$0x4F80] =	vst v0  }
0x14: {  	s17 =	simm.s32 $0x40;
	s18 =	simm.s32 $0x0  }
.LBB2_4:
0x15: {  	p0 =	sne.s32 s17, $0x9FC0;
	[tilespmem:s18+$0x5580] =	vst v1;
	s18 =	smov.u32 s17;
	s17 =	sadd.s32 $0x40, s17  }
.Ltmp1:
0x16: {  	(pc) =	sbr.rel @p0 .LBB2_4-.Ltmp1, $2  }
0x17: {  	_ =	sdelay $0x2  }
0x18: {  	s18 =	sshra.s32 s18, $0x2  }
0x19: {  	[tilespmem:s18+$0x5580] =	vst v1;
	s31 =	simm.s32 $0x0  }
0x1a: {  	[tilespmem:s31], [sflag:$0x2] =	stream.linear.gather [hbm4b:s5+s31], $0x27C0, $0x38;
	[tilespmem:$0xCD80] =	vst v63  }
0x1b: {  	_ =	swait.ge [sflag:s12], $0x27C0  }
0x1c: {  	[sflag:s12] =	ssyncset.done $0x0  }
0x1d: {  	s17 =	simm.s32 $0x27C0;
	[sflag:s12] =	ssyncadd.s32 $0xFFFFD840  }
0x1e: {  	[tilespmem:s17], [sflag:$0x2] =	stream.linear.gather [hbm4b:s6+s31], $0x27C0, $0x38;
	[tilespmem:$0xCD80] =	vst v63  }
0x1f: {  	_ =	swait.ge [sflag:s12], $0x27C0  }
0x20: {  	[sflag:s12] =	ssyncset.done $0x0  }
0x21: {  	[sflag:s12] =	ssyncadd.s32 $0xFFFFD840  }
0x22: {  	[spmem:s7] =	stream.linear.scatter [tilespmem:s13], [sflag:$0x2], $0x2800, $0x38;
	[tilespmem:$0xCD80] =	vst v63  }
0x23: {  	_ =	swait.ge [sflag:s12], $0x2800  }
0x24: {  	[sflag:s12] =	ssyncset.done $0x0  }
0x25: {  	[sflag:s12] =	ssyncadd.s32 $0xFFFFD800  }
0x26: {  	[spmem:s8] =	stream.linear.scatter [tilespmem:s13], [sflag:$0x2], $0x2800, $0x38;
	[tilespmem:$0xCD80] =	vst v63  }
0x27: {  	_ =	swait.ge [sflag:s12], $0x2800  }
0x28: {  	[sflag:s12] =	ssyncset.done $0x0  }
0x29: {  	p0 =	por $0x1, $0x1;
	[sflag:s12] =	ssyncadd.s32 $0xFFFFD800  }
0x2a: {  	s19 =	simm.s32 @!p0 $0x1;
	[bflag:$0x0] =	sbarrier.arrive $0xFFFF  }
0x2b: {  	_ =	swait.ge @!p0 [sflag:s19], $0x600  }
0x2c: {  	[sflag:s19] =	ssyncset.done @!p0 $0x0  }
0x2d: {  	[sflag:s19] =	ssyncadd.s32 @!p0 $0xFFFFFA00  }
0x2e: {  	_ =	swait.ge @!p0 [sflag:s19], $0x600  }
0x2f: {  	s18 =	simm.s32 $0x60;
	s20 =	simm.s32 $0x27C0;
	[sflag:s19] =	ssyncset.done @!p0 $0x0  }
0x30: {  	[sflag:s19] =	ssyncadd.s32 @!p0 $0xFFFFFA00;
	s19 =	simm.s32 $0x2;
	p0 =	por $0x1, $0x1  }
0x31: {  	[spmem:s2] =	stream.indirect.scatter.add.f32 [tilespmem:s15], [sflag:$0x1], $0x10, s31, s14, $0xb8;
	[tilespmem:$0xCD80] =	vst v63  }
.LBB2_6:
0x32: {  	s21 =	simm.s32 @!p0 $0x1;
	s17 =	sadd.s32 $0x60, s17  }
0x33: {  	s22 =	smov.u32 s19;
	s19 =	sadd.s32 $0x1, s19;
	s23 =	smov.u32 s18  }
0x34: {  	[spmem:s3] =	stream.indirect.scatter.add.f32 [tilespmem:s15], [sflag:$0x1], $0x10, s20, s14, $0xb8;
	[tilespmem:$0xCD80] =	vst v63  }
0x35: {  	p1 =	sne.s32 s19, $0x6A;
	s20 =	smov.u32 s17;
	_ =	swait.ge @!p0 [sflag:s21], $0x600  }
0x36: {  	[sflag:s21] =	ssyncset.done @!p0 $0x0  }
.Ltmp2:
0x37: {  	[sflag:s21] =	ssyncadd.s32 @!p0 $0xFFFFFA00;
	(pc) =	sbr.rel @p1 .LBB2_6-.Ltmp2, $4  }
0x38: {  	_ =	swait.ge @!p0 [sflag:s21], $0x600  }
0x39: {  	[sflag:s21] =	ssyncset.done @!p0 $0x0  }
0x3a: {  	s18 =	sadd.s32 $0x60, s18;
	[sflag:s21] =	ssyncadd.s32 @!p0 $0xFFFFFA00;
	p0 =	slt.u32 s22, $0x8  }
0x3b: {  	[spmem:s2] =	stream.indirect.scatter.add.f32 [tilespmem:s15], [sflag:$0x1], $0x10, s23, s14, $0xb8;
	[tilespmem:$0xCD80] =	vst v63  }
0x3c: {  	s19 =	simm.s32 @!p0 $0x1  }
0x3d: {  	[spmem:s3] =	stream.indirect.scatter.add.f32 [tilespmem:s15], [sflag:$0x1], $0x10, s20, s14, $0xb8;
	[tilespmem:$0xCD80] =	vst v63  }
0x3e: {  	_ =	swait.ge @!p0 [sflag:s19], $0x600  }
0x3f: {  	[sflag:s19] =	ssyncset.done @!p0 $0x0  }
0x40: {  	[sflag:s19] =	ssyncadd.s32 @!p0 $0xFFFFFA00  }
0x41: {  	_ =	swait.ge @!p0 [sflag:s19], $0x600  }
0x42: {  	[sflag:s19] =	ssyncset.done @!p0 $0x0  }
0x43: {  	[sflag:s19] =	ssyncadd.s32 @!p0 $0xFFFFFA00  }
0x44: {  	[spmem:s2] =	stream.indirect.scatter.add.f32 [tilespmem:s15], [sflag:$0x1], $0x10, s18, s14, $0xb8;
	[tilespmem:$0xCD80] =	vst v63  }
0x45: {  	s17 =	sadd.s32 $0x60, s17  }
0x46: {  	[spmem:s3] =	stream.indirect.scatter.add.f32 [tilespmem:s15], [sflag:$0x1], $0x10, s17, s14, $0xb8;
	[tilespmem:$0xCD80] =	vst v63  }
0x47: {  	_ =	swait.ge [sflag:s16], $0x600  }
0x48: {  	[sflag:s16] =	ssyncset.done $0x0  }
0x49: {  	[sflag:s16] =	ssyncadd.s32 $0xFFFFFA00  }
0x4a: {  	_ =	swait.ge [sflag:s16], $0x600  }
0x4b: {  	[sflag:s16] =	ssyncset.done $0x0  }
0x4c: {  	[sflag:s16] =	ssyncadd.s32 $0xFFFFFA00  }
0x4d: {  	_ =	swait.ge [sflag:s16], $0x600  }
0x4e: {  	[sflag:s16] =	ssyncset.done $0x0  }
0x4f: {  	[sflag:s16] =	ssyncadd.s32 $0xFFFFFA00  }
0x50: {  	_ =	swait.ge [sflag:s16], $0x600  }
0x51: {  	[sflag:s16] =	ssyncset.done $0x0  }
0x52: {  	[sflag:s16] =	ssyncadd.s32 $0xFFFFFA00  }
0x53: {  	_ =	swait.ge [sflag:s16], $0x600  }
0x54: {  	[sflag:s16] =	ssyncset.done $0x0  }
0x55: {  	[sflag:s16] =	ssyncadd.s32 $0xFFFFFA00  }
0x56: {  	_ =	swait.ge [sflag:s16], $0x600  }
0x57: {  	[sflag:s16] =	ssyncset.done $0x0  }
0x58: {  	[sflag:s16] =	ssyncadd.s32 $0xFFFFFA00  }
0x59: {  	_ =	swait.ge [sflag:s16], $0x600  }
0x5a: {  	[sflag:s16] =	ssyncset.done $0x0  }
0x5b: {  	[sflag:s16] =	ssyncadd.s32 $0xFFFFFA00  }
0x5c: {  	_ =	swait.ge [sflag:s16], $0x600  }
0x5d: {  	[sflag:s16] =	ssyncset.done $0x0  }
0x5e: {  	[sflag:s16] =	ssyncadd.s32 $0xFFFFFA00  }
0x5f: {  	_ =	swait.ge [sflag:s16], $0x600  }
0x60: {  	[sflag:s16] =	ssyncset.done $0x0  }
0x61: {  	[sflag:s16] =	ssyncadd.s32 $0xFFFFFA00  }
0x62: {  	_ =	swait.ge [sflag:s16], $0x600  }
0x63: {  	[sflag:s16] =	ssyncset.done $0x0  }
0x64: {  	[sflag:s16] =	ssyncadd.s32 $0xFFFFFA00  }
0x65: {  	_ =	swait.ge [sflag:s16], $0x600  }
0x66: {  	[sflag:s16] =	ssyncset.done $0x0  }
0x67: {  	[sflag:s16] =	ssyncadd.s32 $0xFFFFFA00  }
0x68: {  	_ =	swait.ge [sflag:s16], $0x600  }
0x69: {  	[sflag:s16] =	ssyncset.done $0x0  }
0x6a: {  	[sflag:s16] =	ssyncadd.s32 $0xFFFFFA00  }
0x6b: {  	_ =	swait.ge [sflag:s16], $0x600  }
0x6c: {  	[sflag:s16] =	ssyncset.done $0x0  }
0x6d: {  	[sflag:s16] =	ssyncadd.s32 $0xFFFFFA00  }
0x6e: {  	_ =	swait.ge [sflag:s16], $0x600  }
0x6f: {  	[sflag:s16] =	ssyncset.done $0x0  }
0x70: {  	[sflag:s16] =	ssyncadd.s32 $0xFFFFFA00  }
0x71: {  	_ =	swait.ge [sflag:s16], $0x600  }
0x72: {  	[sflag:s16] =	ssyncset.done $0x0  }
0x73: {  	[sflag:s16] =	ssyncadd.s32 $0xFFFFFA00  }
0x74: {  	_ =	swait.ge [sflag:s16], $0x600  }
0x75: {  	[sflag:s16] =	ssyncset.done $0x0  }
0x76: {  	s29 =	sshll.u32 s1, $0x6;
	[sflag:s16] =	ssyncadd.s32 $0xFFFFFA00  }
0x77: {  	s30 =	sshrl.u32 s7, $0x3;
	s17 =	sor.u32 $0x1C02, s29;
	[bflag:$0x0] =	sbarrier.arrive $0xFFFF  }
0x78: {  	[hbm:s9], [sflag:s17] =	dma.local [spmem:s30], $0x500  }
0x79: {  	s4 =	sadd.s32 $0x1, s4;
	_ =	swait.ge [sflag:s12], $0x500  }
0x7a: {  	p0 =	sne.s32 s4, s11;
	[sflag:s12] =	ssyncset.done $0x0  }
.Ltmp3:
0x7b: {  	s31 =	sshrl.u32 s8, $0x3;
	[sflag:s12] =	ssyncadd.s32 $0xFFFFFB00;
	(pc) =	sbr.rel @p0 .LBB2_1-.Ltmp3, $4  }
0x7c: {  	[hbm:s10], [sflag:s17] =	dma.local [spmem:s31], $0x500  }
0x7d: {  	_ =	swait.ge [sflag:s12], $0x500  }
0x7e: {  	[sflag:s12] =	ssyncset.done $0x0  }
0x7f: {  	[sflag:s12] =	ssyncadd.s32 $0xFFFFFB00  }
0x80: {  	_ =	sfence.sel $0x180000  }
0x81: {  	[bflag:$0x0] =	sbarrier.arrive $0xFFFF  }
0x82: {  	p0 =	sne.s32 s1, $0x0;
	_ =	strace $0x90000047  }
0x83: {  	s0 =	sadd.s32 @!p0 $0x100000, s0;
	[bflag:$0x2] =	sbarrier.arrive $0xFFFF  }
0x84: {  	[sflag:s0] =	ssyncadd.tile.s32 @!p0 $0x1;
	_ =	shalt  }
.Lfunc_end2:
_tile_overlayer_lowered:
.L_overlay_start_2:
0x85: {  	(tag) =	ssettag $0x2  }
0x86: {  	s0 =	rddreg [dreg:$0x0];
	s2 =	stileid.u32  }
0x87: {  	s1 =	rddreg [dreg:$0x1];
	p0 =	sne.s32 s2, $0x0  }
0x88: {  	s3 =	rddreg [dreg:$0x2];
	[bflag:$0x3] =	sbarrier.arrive $0xFFFF;
	s2 =	simm.s32 @!p0 $0x1C02  }
0x89: {  	[timem:s3], [sflag:s2] =	dma.local @!p0 [hbm:s0], s1  }
0x8a: {  	s0 =	simm.s32 @!p0 $0x2  }
0x8b: {  	_ =	swait.ge @!p0 [sflag:s0], s1  }
0x8c: {  	s1 =	ssub.s32 @!p0 $0x0, s1;
	[sflag:s0] =	ssyncset.done @!p0 $0x0  }
0x8d: {  	[sflag:s0] =	ssyncadd.s32 @!p0 s1  }
0x8e: {  	[bflag:$0x3] =	sbarrier.arrive $0xFFFF  }
0x8f: {  	_ =	shalt  }

</sc_bundles>
